<compile_context>
chip_gen: v7x
topology: tpu7x:2x2x1
jax: 0.10.2.dev20260603
libtpu: 0.0.44.dev20260713+nightly
codegen_flags: <defaults>
</compile_context>

<pallas_src>
import functools
import math

import jax
import jax.numpy as jnp
from jax import lax
from jax.experimental import pallas as pl
from jax.experimental.pallas import tpu as pltpu
from jax.experimental.pallas import tpu_sc as plsc

K = 16
EPS = 1e-5


def _topk_body(N, q_ref, p_ref, o_ref):
    q = q_ref[0]
    BQ = q.shape[0]
    d = jnp.zeros((BQ, N), jnp.float32)
    for t in range(3):
        df = q[:, t:t + 1] - p_ref[0, t:t + 1, :]
        d = d + df * df
    iota_f = lax.broadcasted_iota(jnp.int32, (BQ, N), 1).astype(jnp.float32)
    big = jnp.float32(N)
    cols = []
    for _ in range(K):
        m = jnp.min(d, axis=1, keepdims=True)
        am = jnp.min(jnp.where(d == m, iota_f, big), axis=1, keepdims=True)
        cols.append(am)
        d = jnp.where(iota_f == am, jnp.float32(jnp.inf), d)
    idx_f = jnp.concatenate(cols, axis=1)
    o_ref[0] = idx_f.astype(jnp.int32)


def _fold_body(a_ref, b_ref, o_ref):
    o_ref[...] = jnp.dot(a_ref[...], b_ref[...],
                         preferred_element_type=jnp.float32)


def _ln(x, g, b):
    mu = jnp.mean(x, axis=1, keepdims=True)
    xc = x - mu
    var = jnp.mean(xc * xc, axis=1, keepdims=True)
    return xc * lax.rsqrt(var + EPS) * g + b


def _pack2(hi, lo):
    bh = lax.bitcast_convert_type(hi, jnp.int32) + jnp.int32(0x8000)
    bl = lax.bitcast_convert_type(lo, jnp.int32) + jnp.int32(0x8000)
    return (bh & jnp.int32(-65536)) | ((bl >> 16) & jnp.int32(0xFFFF))


def _unpack2(x):
    hi = lax.bitcast_convert_type(x & jnp.int32(-65536), jnp.float32)
    lo = lax.bitcast_convert_type(x << 16, jnp.float32)
    return hi, lo


def _tables_body(DM, f_ref, x_ref, wpreT, bpre, wqT, wkT, wvT, wa1T, wpe1T,
                 gdm, bdm, t1_ref, q_ref):
    bf = jnp.bfloat16
    f = f_ref[...].astype(bf)
    inp = jnp.dot(f, wpreT[...].astype(bf),
                  preferred_element_type=jnp.float32) + bpre[...]
    g = gdm[...]
    b = bdm[...]
    inp_b = inp.astype(bf)
    q = _ln(jnp.dot(inp_b, wqT[...].astype(bf),
                    preferred_element_type=jnp.float32), g, b)
    k = _ln(jnp.dot(inp_b, wkT[...].astype(bf),
                    preferred_element_type=jnp.float32), g, b)
    v = _ln(jnp.dot(inp_b, wvT[...].astype(bf),
                    preferred_element_type=jnp.float32), g, b)
    wa1 = wa1T[...].astype(bf)
    qa = jnp.dot(q.astype(bf), wa1, preferred_element_type=jnp.float32)
    ka = jnp.dot(k.astype(bf), wa1, preferred_element_type=jnp.float32)
    p = jnp.dot(x_ref[...], wpe1T[...], preferred_element_type=jnp.float32)
    P = DM // 2
    t1_ref[:, 0:P] = _pack2(ka[:, 0:P], ka[:, P:DM])
    t1_ref[:, P:DM] = _pack2(v[:, 0:P], v[:, P:DM])
    t1_ref[:, DM:DM + P] = _pack2(p[:, 0:P], p[:, P:DM])
    q_ref[:, 0:DM] = qa
    q_ref[:, DM:2 * DM] = p


def _attn_body(DM, BQ2, f_ref, g_ref, q_ref, wpe2T, wpe2aT, wa2T,
               wprojT, wpostT, bpost, gdm, bdm, gdp, bdp, o_ref):
    G = BQ2 * K
    bf = jnp.bfloat16
    f32 = jnp.float32
    P = DM // 2
    Q = q_ref[...]
    gth = g_ref[...]
    ka = _unpack2(gth[:, 0:P])
    v = _unpack2(gth[:, P:2 * P])
    pm = _unpack2(gth[:, 2 * P:3 * P])

    def rep(x):
        return jnp.broadcast_to(x[:, None, :], (BQ2, K, P)).reshape(G, P)

    h = []
    for j in range(2):
        pq_j = Q[:, DM + j * P:DM + (j + 1) * P]
        h.append(jnp.maximum(rep(pq_j) - pm[j], 0.0).astype(bf))
    w2 = wpe2T[...].astype(bf)
    w2a = wpe2aT[...].astype(bf)
    pos = [None, None]
    posA = [None, None]
    for j in range(2):
        pos[j] = (jnp.dot(h[0], w2[0:P, j * P:(j + 1) * P],
                          preferred_element_type=f32)
                  + jnp.dot(h[1], w2[P:DM, j * P:(j + 1) * P],
                            preferred_element_type=f32))
        posA[j] = (jnp.dot(h[0], w2a[0:P, j * P:(j + 1) * P],
                           preferred_element_type=f32)
                   + jnp.dot(h[1], w2a[P:DM, j * P:(j + 1) * P],
                             preferred_element_type=f32))
    u = []
    for j in range(2):
        qa_j = Q[:, j * P:(j + 1) * P]
        u.append(jnp.maximum(rep(qa_j) - ka[j] + posA[j], 0.0).astype(bf))
    wa2 = wa2T[...].astype(bf)
    res = []
    for j in range(2):
        logit = (jnp.dot(u[0], wa2[0:P, j * P:(j + 1) * P],
                         preferred_element_type=f32)
                 + jnp.dot(u[1], wa2[P:DM, j * P:(j + 1) * P],
                           preferred_element_type=f32))
        e3 = jnp.exp(logit * (1.0 / math.sqrt(DM))).reshape(BQ2, K, P)
        s = jnp.sum(e3, axis=1)
        w3 = (v[j] + pos[j]).reshape(BQ2, K, P)
        res.append(jnp.sum(e3 * w3, axis=1) / s)
    wproj = wprojT[...]
    r = _ln(jnp.dot(res[0], wproj[0:P, :], preferred_element_type=f32)
            + jnp.dot(res[1], wproj[P:DM, :], preferred_element_type=f32),
            gdm[...], bdm[...])
    r2 = _ln(jnp.dot(r, wpostT[...], preferred_element_type=f32)
             + bpost[...], gdp[...], bdp[...])
    o_ref[...] = r2 + f_ref[...]


def _sc_gather(flat_idx, table, rows, width):
    info = plsc.get_sparse_core_info()
    NC, NS = info.num_cores, info.num_subcores
    NW = NC * NS
    rows_per_w = rows // NW
    CH = 128
    n_ch = rows_per_w // CH
    mesh = plsc.VectorSubcoreMesh(core_axis_name="c", subcore_axis_name="s")

    @functools.partial(
        pl.kernel,
        out_type=jax.ShapeDtypeStruct((rows, width), jnp.int32),
        mesh=mesh,
        scratch_types=[
            pltpu.VMEM((CH,), jnp.int32),
            pltpu.VMEM((CH, width), jnp.int32),
            pltpu.SemaphoreType.DMA,
        ],
    )
    def gather_k(idx_hbm, table_hbm, out_hbm, idx_v, rows_v, sem):
        wid = lax.axis_index("s") * NC + lax.axis_index("c")

        def body(c, _):
            base = wid * rows_per_w + c * CH
            pltpu.sync_copy(idx_hbm.at[pl.ds(base, CH)], idx_v)
            pltpu.async_copy(table_hbm.at[idx_v], rows_v, sem).wait()
            pltpu.sync_copy(rows_v, out_hbm.at[pl.ds(base, CH)])
            return 0

        lax.fori_loop(0, n_ch, body, 0)

    return gather_k(flat_idx, table)


def kernel(xyz, features, W_pre, b_pre, W_post, b_post, Wpe1, Wpe2, Wa1, Wa2,
           WQ, WK, WV, Wproj, g_dm, b_dm, g_dp, b_dp):
    B, N, _ = xyz.shape
    DP = features.shape[-1]
    DM = W_pre.shape[0]

    row = lambda x: x.reshape(1, -1)
    W_preT, WQT, WKT, WVT = W_pre.T, WQ.T, WK.T, WV.T
    Wa1T, Wpe1T, Wpe2T, Wa2T = Wa1.T, Wpe1.T, Wpe2.T, Wa2.T
    WprojT, W_postT = Wproj.T, W_post.T
    Wpe2aT = pl.pallas_call(
        _fold_body,
        out_shape=jax.ShapeDtypeStruct((DM, DM), jnp.float32),
    )(Wpe2T, Wa1T)

    BQ = 256
    BT = 512
    BQ2 = 256
    wspec = pl.BlockSpec()
    xyzT = jnp.transpose(xyz, (0, 2, 1))

    knns, t1s, qarrs, gs, outs = [], [], [], [], []
    PW = 3 * DM // 2
    for b in range(B):
        xyz_b = xyz[b]
        feats_b = features[b]

        knn_b = pl.pallas_call(
            functools.partial(_topk_body, N),
            grid=(N // BQ,),
            in_specs=[
                pl.BlockSpec((1, BQ, 3), lambda i: (0, i, 0)),
                pl.BlockSpec((1, 3, N), lambda i: (0, 0, 0)),
            ],
            out_specs=pl.BlockSpec((1, BQ, K), lambda i: (0, i, 0)),
            out_shape=jax.ShapeDtypeStruct((1, N, K), jnp.int32),
        )(xyz_b[None], xyzT[b][None])
        knns.append(knn_b)

        t1_b, qarr_b = pl.pallas_call(
            functools.partial(_tables_body, DM),
            grid=(N // BT,),
            in_specs=[
                pl.BlockSpec((BT, DP), lambda i: (i, 0)),
                pl.BlockSpec((BT, 3), lambda i: (i, 0)),
            ] + [wspec] * 9,
            out_specs=[
                pl.BlockSpec((BT, PW), lambda i: (i, 0)),
                pl.BlockSpec((BT, 2 * DM), lambda i: (i, 0)),
            ],
            out_shape=[
                jax.ShapeDtypeStruct((N, PW), jnp.int32),
                jax.ShapeDtypeStruct((N, 2 * DM), jnp.float32),
            ],
        )(feats_b, xyz_b, W_preT, row(b_pre), WQT, WKT, WVT, Wa1T, Wpe1T,
          row(g_dm), row(b_dm))
        t1s.append(t1_b)
        qarrs.append(qarr_b)

    for b in range(B):
        gs.append(_sc_gather(knns[b].reshape(N * K), t1s[b], N * K, PW))

    for b in range(B):
        out_b = pl.pallas_call(
            functools.partial(_attn_body, DM, BQ2),
            grid=(N // BQ2,),
            in_specs=[
                pl.BlockSpec((BQ2, DP), lambda i: (i, 0)),
                pl.BlockSpec((BQ2 * K, PW), lambda i: (i, 0)),
                pl.BlockSpec((BQ2, 2 * DM), lambda i: (i, 0)),
            ] + [wspec] * 10,
            out_specs=pl.BlockSpec((BQ2, DP), lambda i: (i, 0)),
            out_shape=jax.ShapeDtypeStruct((N, DP), jnp.float32),
        )(features[b], gs[b], qarrs[b], Wpe2T, Wpe2aT, Wa2T, WprojT, W_postT,
          row(b_post), row(g_dm), row(b_dm), row(g_dp), row(b_dp))
        outs.append(out_b)

    return jnp.stack(outs, axis=0)

# --- scband reference (transcript-rebuilt; emitter-appended) ---
"""Pipeline reference for scband-transformer-block-63161789055460 (READ-ONLY COPY).

The authoritative reference and input builder live on the scoring server;
editing this copy changes nothing except your own understanding.
"""

import jax, jax.numpy as jnp
import numpy as np

B, N, DP, DM, K = 4, 2048, 128, 256, 16


def layer_norm(x, g, b, eps=1e-5):
    mu = jnp.mean(x, axis=-1, keepdims=True)
    var = jnp.mean((x - mu) ** 2, axis=-1, keepdims=True)
    return (x - mu) / jnp.sqrt(var + eps) * g + b


def index_points(points, idx):
    raw = idx.shape
    idx_flat = idx.reshape(raw[0], -1)
    res = jnp.take_along_axis(points, idx_flat[:, :, None], axis=1)
    return res.reshape(*raw, points.shape[-1])


def setup_inputs(seed: int = 0) -> dict:
    key = jax.random.key(seed)
    ks = jax.random.split(key, 20)
    s = float(np.sqrt(2.0 / DM))
    inp = {
        'xyz': jax.random.uniform(ks[0], (B, N, 3), dtype=jnp.float32),
        'features': jax.random.normal(ks[1], (B, N, DP), dtype=jnp.float32),
        'W_pre': jax.random.normal(ks[2], (DM, DP), dtype=jnp.float32) * float(np.sqrt(1.0 / DP)),
        'b_pre': jnp.zeros((DM,), dtype=jnp.float32),
        'W_post': jax.random.normal(ks[3], (DP, DM), dtype=jnp.float32) * float(np.sqrt(1.0 / DM)),
        'b_post': jnp.zeros((DP,), dtype=jnp.float32),
        'Wpe1': jax.random.normal(ks[4], (DM, 3), dtype=jnp.float32) * float(np.sqrt(1.0 / 3.0)),
        'Wpe2': jax.random.normal(ks[5], (DM, DM), dtype=jnp.float32) * float(np.sqrt(1.0 / DM)),
        'Wa1': jax.random.normal(ks[6], (DM, DM), dtype=jnp.float32) * float(np.sqrt(1.0 / DM)),
        'Wa2': jax.random.normal(ks[7], (DM, DM), dtype=jnp.float32) * float(np.sqrt(1.0 / DM)),
        'WQ': jax.random.normal(ks[8], (DM, DM), dtype=jnp.float32) * s,
        'WK': jax.random.normal(ks[9], (DM, DM), dtype=jnp.float32) * s,
        'WV': jax.random.normal(ks[10], (DM, DM), dtype=jnp.float32) * s,
        'Wproj': jax.random.normal(ks[11], (DM, DM), dtype=jnp.float32) * float(np.sqrt(1.0 / DM)),
        'g_dm': jnp.ones((DM,), dtype=jnp.float32),
        'b_dm': jnp.zeros((DM,), dtype=jnp.float32),
        'g_dp': jnp.ones((DP,), dtype=jnp.float32),
        'b_dp': jnp.zeros((DP,), dtype=jnp.float32),
    }
    return inp


def reference(xyz, features, W_pre, b_pre, W_post, b_post, Wpe1, Wpe2, Wa1, Wa2, WQ, WK, WV, Wproj, g_dm, b_dm, g_dp, b_dp):
    # kNN retrieval: full pairwise distances + argsort (state='l')
    dists = jnp.sum((xyz[:, :, None, :] - xyz[:, None, :, :]) ** 2, axis=-1)
    knn_idx = jnp.argsort(dists, axis=-1)[:, :, :K]
    knn_xyz = index_points(xyz, knn_idx)
    raw_f = features
    inp = features @ W_pre.T + b_pre
    q = layer_norm(inp @ WQ.T, g_dm, b_dm)
    k_ = index_points(layer_norm(inp @ WK.T, g_dm, b_dm), knn_idx)
    v_ = index_points(layer_norm(inp @ WV.T, g_dm, b_dm), knn_idx)
    # query view(B,N,1,-1).permute(0,2,1,3).flatten(0,1) -> [B,N,C] (single head)
    pos = jax.nn.relu((xyz[:, :, None, :] - knn_xyz) @ Wpe1.T) @ Wpe2.T
    attn = jax.nn.relu((q[:, :, None, :] - k_ + pos) @ Wa1.T) @ Wa2.T
    attn = jax.nn.softmax(attn / float(np.sqrt(DM)), axis=-2)
    res = jnp.einsum('bmnf,bmnf->bmf', attn, v_ + pos)
    res = layer_norm(res @ Wproj.T, g_dm, b_dm)
    res = layer_norm(res @ W_post.T + b_post, g_dp, b_dp) + raw_f
    return res

if __name__ == "__main__":
    import jax
    _d = setup_inputs()
    print(jax.jit(kernel)(*tuple(_d.values())))

</pallas_src>

<mosaic_0001>
#map = affine_map<(d0, d1) -> (0)>
#map1 = affine_map<(d0, d1) -> (0, 0)>
module attributes {stable_mosaic.version = 14 : i64} {
  func.func @gather_k(%arg0: i32, %arg1: i32, %arg2: memref<32768xi32, #tpu.memory_space<hbm>>, %arg3: memref<2048x384xi32, #tpu.memory_space<hbm>>, %arg4: memref<32768x384xi32, #tpu.memory_space<hbm>>, %arg5: memref<128xi32, #tpu.memory_space<vmem>>, %arg6: memref<128x384xi32, #tpu.memory_space<vmem>>, %arg7: memref<!tpu.dma_semaphore, #tpu.memory_space<semaphore_mem>>) attributes {dimension_semantics = [#tpu.dimension_semantics<core_parallel>, #tpu.dimension_semantics<subcore_parallel>], iteration_bounds = array<i64: 2, 16>, scalar_prefetch = 0 : i64, scratch_operands = 3 : i64, tpu.core_type = #tpu.core_type<sc_vector_subcore>, window_params = [{transform_indices = #map}, {transform_indices = #map1}, {transform_indices = #map1}]} {
    %mul3A = arith.constant 2 : i32
    %mul3A_0 = arith.muli %arg1, %mul3A : i32
    %add3A = arith.addi %mul3A_0, %arg0 : i32
    %scan3A = arith.constant 0 : i32
    %scan3A_1 = arith.constant 0 : i32
    %scan3A_2 = arith.constant 8 : i32
    %scan3A_3 = arith.addi %scan3A_1, %scan3A_2 : i32
    %scan3A_4 = arith.constant 1 : i32
    %scan3A_5 = scf.for %scan3A_7 = %scan3A_1 to %scan3A_3 step %scan3A_4 iter_args(%scan3A_8 = %scan3A) -> (i32)  : i32 {
      %mul3A_9 = arith.constant 1024 : i32
      %mul3A_10 = arith.muli %add3A, %mul3A_9 : i32
      %mul3A_11 = arith.constant 128 : i32
      %mul3A_12 = arith.muli %scan3A_7, %mul3A_11 : i32
      %add3A_13 = arith.addi %mul3A_10, %mul3A_12 : i32
      "tpu.region"() ({
        %run_scoped3A = tpu.sem_alloc : memref<!tpu.dma_semaphore, #tpu.memory_space<semaphore_mem>>
        %dma_start3A_19 = tpu.memref_slice %arg2[%add3A_13] : memref<32768xi32, #tpu.memory_space<hbm>> -> memref<128xi32, #tpu.memory_space<hbm>>
        %dma_start3A_20 = tpu.memref_slice %arg2[%add3A_13] : memref<32768xi32, #tpu.memory_space<hbm>> -> memref<128xi32, #tpu.memory_space<hbm>>
        tpu.enqueue_dma source(%dma_start3A_20 : memref<128xi32, #tpu.memory_space<hbm>>) target(%arg5 : memref<128xi32, #tpu.memory_space<vmem>>) target_semaphore(%run_scoped3A : memref<!tpu.dma_semaphore, #tpu.memory_space<semaphore_mem>>)
        %dma_wait3A_21 = tpu.memref_slice %arg2[%add3A_13] : memref<32768xi32, #tpu.memory_space<hbm>> -> memref<128xi32, #tpu.memory_space<hbm>>
        %dma_wait3A_22 = tpu.memref_slice %arg2[%add3A_13] : memref<32768xi32, #tpu.memory_space<hbm>> -> memref<128xi32, #tpu.memory_space<hbm>>
        tpu.wait_dma2 semaphore(%run_scoped3A : memref<!tpu.dma_semaphore, #tpu.memory_space<semaphore_mem>>) src(%dma_wait3A_22 : memref<128xi32, #tpu.memory_space<hbm>>) dst(%arg5 : memref<128xi32, #tpu.memory_space<vmem>>)
        tpu.yield
      }) : () -> ()
      %dma_start3A = arith.constant 0 : i32
      %dma_start3A_14 = arith.constant 0 : i32
      %dma_start3A_15 = tpu.memref_slice %arg3[%dma_start3A, %dma_start3A_14] : memref<2048x384xi32, #tpu.memory_space<hbm>> -> memref<2048x384xi32, #tpu.memory_space<hbm>>
      tpu.enqueue_indirect_dma source(%dma_start3A_15 : memref<2048x384xi32, #tpu.memory_space<hbm>>) target(%arg6 : memref<128x384xi32, #tpu.memory_space<vmem>>) offsets(%arg5 : memref<128xi32, #tpu.memory_space<vmem>>) semaphore(%arg7 : memref<!tpu.dma_semaphore, #tpu.memory_space<semaphore_mem>>)
      %dma_wait3A = arith.constant 0 : i32
      %dma_wait3A_16 = arith.constant 0 : i32
      %dma_wait3A_17 = tpu.memref_slice %arg3[%dma_wait3A, %dma_wait3A_16] : memref<2048x384xi32, #tpu.memory_space<hbm>> -> memref<2048x384xi32, #tpu.memory_space<hbm>>
      tpu.wait_indirect_dma semaphore(%arg7 : memref<!tpu.dma_semaphore, #tpu.memory_space<semaphore_mem>>) src(%dma_wait3A_17 : memref<2048x384xi32, #tpu.memory_space<hbm>>) dst(%arg6 : memref<128x384xi32, #tpu.memory_space<vmem>>)
      "tpu.region"() ({
        %run_scoped3A = tpu.sem_alloc : memref<!tpu.dma_semaphore, #tpu.memory_space<semaphore_mem>>
        %dma_start3A_19 = arith.constant 0 : i32
        %dma_start3A_20 = tpu.memref_slice %arg4[%add3A_13, %dma_start3A_19] : memref<32768x384xi32, #tpu.memory_space<hbm>> -> memref<128x384xi32, #tpu.memory_space<hbm>>
        %dma_start3A_21 = arith.constant 0 : i32
        %dma_start3A_22 = tpu.memref_slice %arg4[%add3A_13, %dma_start3A_21] : memref<32768x384xi32, #tpu.memory_space<hbm>> -> memref<128x384xi32, #tpu.memory_space<hbm>>
        tpu.enqueue_dma source(%arg6 : memref<128x384xi32, #tpu.memory_space<vmem>>) target(%dma_start3A_22 : memref<128x384xi32, #tpu.memory_space<hbm>>) target_semaphore(%run_scoped3A : memref<!tpu.dma_semaphore, #tpu.memory_space<semaphore_mem>>)
        %dma_wait3A_23 = arith.constant 0 : i32
        %dma_wait3A_24 = tpu.memref_slice %arg4[%add3A_13, %dma_wait3A_23] : memref<32768x384xi32, #tpu.memory_space<hbm>> -> memref<128x384xi32, #tpu.memory_space<hbm>>
        %dma_wait3A_25 = arith.constant 0 : i32
        %dma_wait3A_26 = tpu.memref_slice %arg4[%add3A_13, %dma_wait3A_25] : memref<32768x384xi32, #tpu.memory_space<hbm>> -> memref<128x384xi32, #tpu.memory_space<hbm>>
        tpu.wait_dma2 semaphore(%run_scoped3A : memref<!tpu.dma_semaphore, #tpu.memory_space<semaphore_mem>>) src(%arg6 : memref<128x384xi32, #tpu.memory_space<vmem>>) dst(%dma_wait3A_26 : memref<128x384xi32, #tpu.memory_space<hbm>>)
        tpu.yield
      }) : () -> ()
      %scan3A_18 = arith.constant 0 : i32
      scf.yield %scan3A_18 : i32
    }
    %scan3A_6 = arith.constant 8 : i32
    return
  }
}

#map = affine_map<(d0, d1) -> (0)>
#map1 = affine_map<(d0, d1) -> (0, 0)>
module attributes {stable_mosaic.version = 14 : i64} {
  func.func @gather_k(%arg0: i32, %arg1: i32, %arg2: memref<32768xi32, #tpu.memory_space<hbm>>, %arg3: memref<2048x384xi32, #tpu.memory_space<hbm>>, %arg4: memref<32768x384xi32, #tpu.memory_space<hbm>>, %arg5: memref<128xi32, #tpu.memory_space<vmem>>, %arg6: memref<128x384xi32, #tpu.memory_space<vmem>>, %arg7: memref<!tpu.dma_semaphore, #tpu.memory_space<semaphore_mem>>) attributes {dimension_semantics = [#tpu.dimension_semantics<core_parallel>, #tpu.dimension_semantics<subcore_parallel>], iteration_bounds = array<i64: 2, 16>, scalar_prefetch = 0 : i64, scratch_operands = 3 : i64, tpu.core_type = #tpu.core_type<sc_vector_subcore>, window_params = [{transform_indices = #map}, {transform_indices = #map1}, {transform_indices = #map1}]} {
    %mul3A = arith.constant 2 : i32
    %mul3A_0 = arith.muli %arg1, %mul3A : i32
    %add3A = arith.addi %mul3A_0, %arg0 : i32
    %scan3A = arith.constant 0 : i32
    %scan3A_1 = arith.constant 0 : i32
    %scan3A_2 = arith.constant 8 : i32
    %scan3A_3 = arith.addi %scan3A_1, %scan3A_2 : i32
    %scan3A_4 = arith.constant 1 : i32
    %scan3A_5 = scf.for %scan3A_7 = %scan3A_1 to %scan3A_3 step %scan3A_4 iter_args(%scan3A_8 = %scan3A) -> (i32)  : i32 {
      %mul3A_9 = arith.constant 1024 : i32
      %mul3A_10 = arith.muli %add3A, %mul3A_9 : i32
      %mul3A_11 = arith.constant 128 : i32
      %mul3A_12 = arith.muli %scan3A_7, %mul3A_11 : i32
      %add3A_13 = arith.addi %mul3A_10, %mul3A_12 : i32
      "tpu.region"() ({
        %run_scoped3A = tpu.sem_alloc : memref<!tpu.dma_semaphore, #tpu.memory_space<semaphore_mem>>
        %dma_start3A_19 = tpu.memref_slice %arg2[%add3A_13] : memref<32768xi32, #tpu.memory_space<hbm>> -> memref<128xi32, #tpu.memory_space<hbm>>
        %dma_start3A_20 = tpu.memref_slice %arg2[%add3A_13] : memref<32768xi32, #tpu.memory_space<hbm>> -> memref<128xi32, #tpu.memory_space<hbm>>
        tpu.enqueue_dma source(%dma_start3A_20 : memref<128xi32, #tpu.memory_space<hbm>>) target(%arg5 : memref<128xi32, #tpu.memory_space<vmem>>) target_semaphore(%run_scoped3A : memref<!tpu.dma_semaphore, #tpu.memory_space<semaphore_mem>>)
        %dma_wait3A_21 = tpu.memref_slice %arg2[%add3A_13] : memref<32768xi32, #tpu.memory_space<hbm>> -> memref<128xi32, #tpu.memory_space<hbm>>
        %dma_wait3A_22 = tpu.memref_slice %arg2[%add3A_13] : memref<32768xi32, #tpu.memory_space<hbm>> -> memref<128xi32, #tpu.memory_space<hbm>>
        tpu.wait_dma2 semaphore(%run_scoped3A : memref<!tpu.dma_semaphore, #tpu.memory_space<semaphore_mem>>) src(%dma_wait3A_22 : memref<128xi32, #tpu.memory_space<hbm>>) dst(%arg5 : memref<128xi32, #tpu.memory_space<vmem>>)
        tpu.yield
      }) : () -> ()
      %dma_start3A = arith.constant 0 : i32
      %dma_start3A_14 = arith.constant 0 : i32
      %dma_start3A_15 = tpu.memref_slice %arg3[%dma_start3A, %dma_start3A_14] : memref<2048x384xi32, #tpu.memory_space<hbm>> -> memref<2048x384xi32, #tpu.memory_space<hbm>>
      tpu.enqueue_indirect_dma source(%dma_start3A_15 : memref<2048x384xi32, #tpu.memory_space<hbm>>) target(%arg6 : memref<128x384xi32, #tpu.memory_space<vmem>>) offsets(%arg5 : memref<128xi32, #tpu.memory_space<vmem>>) semaphore(%arg7 : memref<!tpu.dma_semaphore, #tpu.memory_space<semaphore_mem>>)
      %dma_wait3A = arith.constant 0 : i32
      %dma_wait3A_16 = arith.constant 0 : i32
      %dma_wait3A_17 = tpu.memref_slice %arg3[%dma_wait3A, %dma_wait3A_16] : memref<2048x384xi32, #tpu.memory_space<hbm>> -> memref<2048x384xi32, #tpu.memory_space<hbm>>
      tpu.wait_indirect_dma semaphore(%arg7 : memref<!tpu.dma_semaphore, #tpu.memory_space<semaphore_mem>>) src(%dma_wait3A_17 : memref<2048x384xi32, #tpu.memory_space<hbm>>) dst(%arg6 : memref<128x384xi32, #tpu.memory_space<vmem>>)
      "tpu.region"() ({
        %run_scoped3A = tpu.sem_alloc : memref<!tpu.dma_semaphore, #tpu.memory_space<semaphore_mem>>
        %dma_start3A_19 = arith.constant 0 : i32
        %dma_start3A_20 = tpu.memref_slice %arg4[%add3A_13, %dma_start3A_19] : memref<32768x384xi32, #tpu.memory_space<hbm>> -> memref<128x384xi32, #tpu.memory_space<hbm>>
        %dma_start3A_21 = arith.constant 0 : i32
        %dma_start3A_22 = tpu.memref_slice %arg4[%add3A_13, %dma_start3A_21] : memref<32768x384xi32, #tpu.memory_space<hbm>> -> memref<128x384xi32, #tpu.memory_space<hbm>>
        tpu.enqueue_dma source(%arg6 : memref<128x384xi32, #tpu.memory_space<vmem>>) target(%dma_start3A_22 : memref<128x384xi32, #tpu.memory_space<hbm>>) target_semaphore(%run_scoped3A : memref<!tpu.dma_semaphore, #tpu.memory_space<semaphore_mem>>)
        %dma_wait3A_23 = arith.constant 0 : i32
        %dma_wait3A_24 = tpu.memref_slice %arg4[%add3A_13, %dma_wait3A_23] : memref<32768x384xi32, #tpu.memory_space<hbm>> -> memref<128x384xi32, #tpu.memory_space<hbm>>
        %dma_wait3A_25 = arith.constant 0 : i32
        %dma_wait3A_26 = tpu.memref_slice %arg4[%add3A_13, %dma_wait3A_25] : memref<32768x384xi32, #tpu.memory_space<hbm>> -> memref<128x384xi32, #tpu.memory_space<hbm>>
        tpu.wait_dma2 semaphore(%run_scoped3A : memref<!tpu.dma_semaphore, #tpu.memory_space<semaphore_mem>>) src(%arg6 : memref<128x384xi32, #tpu.memory_space<vmem>>) dst(%dma_wait3A_26 : memref<128x384xi32, #tpu.memory_space<hbm>>)
        tpu.yield
      }) : () -> ()
      %scan3A_18 = arith.constant 0 : i32
      scf.yield %scan3A_18 : i32
    }
    %scan3A_6 = arith.constant 8 : i32
    return
  }
}

#map = affine_map<(d0, d1) -> (0)>
#map1 = affine_map<(d0, d1) -> (0, 0)>
module attributes {stable_mosaic.version = 14 : i64} {
  func.func @gather_k(%arg0: i32, %arg1: i32, %arg2: memref<32768xi32, #tpu.memory_space<hbm>>, %arg3: memref<2048x384xi32, #tpu.memory_space<hbm>>, %arg4: memref<32768x384xi32, #tpu.memory_space<hbm>>, %arg5: memref<128xi32, #tpu.memory_space<vmem>>, %arg6: memref<128x384xi32, #tpu.memory_space<vmem>>, %arg7: memref<!tpu.dma_semaphore, #tpu.memory_space<semaphore_mem>>) attributes {dimension_semantics = [#tpu.dimension_semantics<core_parallel>, #tpu.dimension_semantics<subcore_parallel>], iteration_bounds = array<i64: 2, 16>, scalar_prefetch = 0 : i64, scratch_operands = 3 : i64, tpu.core_type = #tpu.core_type<sc_vector_subcore>, window_params = [{transform_indices = #map}, {transform_indices = #map1}, {transform_indices = #map1}]} {
    %mul3A = arith.constant 2 : i32
    %mul3A_0 = arith.muli %arg1, %mul3A : i32
    %add3A = arith.addi %mul3A_0, %arg0 : i32
    %scan3A = arith.constant 0 : i32
    %scan3A_1 = arith.constant 0 : i32
    %scan3A_2 = arith.constant 8 : i32
    %scan3A_3 = arith.addi %scan3A_1, %scan3A_2 : i32
    %scan3A_4 = arith.constant 1 : i32
    %scan3A_5 = scf.for %scan3A_7 = %scan3A_1 to %scan3A_3 step %scan3A_4 iter_args(%scan3A_8 = %scan3A) -> (i32)  : i32 {
      %mul3A_9 = arith.constant 1024 : i32
      %mul3A_10 = arith.muli %add3A, %mul3A_9 : i32
      %mul3A_11 = arith.constant 128 : i32
      %mul3A_12 = arith.muli %scan3A_7, %mul3A_11 : i32
      %add3A_13 = arith.addi %mul3A_10, %mul3A_12 : i32
      "tpu.region"() ({
        %run_scoped3A = tpu.sem_alloc : memref<!tpu.dma_semaphore, #tpu.memory_space<semaphore_mem>>
        %dma_start3A_19 = tpu.memref_slice %arg2[%add3A_13] : memref<32768xi32, #tpu.memory_space<hbm>> -> memref<128xi32, #tpu.memory_space<hbm>>
        %dma_start3A_20 = tpu.memref_slice %arg2[%add3A_13] : memref<32768xi32, #tpu.memory_space<hbm>> -> memref<128xi32, #tpu.memory_space<hbm>>
        tpu.enqueue_dma source(%dma_start3A_20 : memref<128xi32, #tpu.memory_space<hbm>>) target(%arg5 : memref<128xi32, #tpu.memory_space<vmem>>) target_semaphore(%run_scoped3A : memref<!tpu.dma_semaphore, #tpu.memory_space<semaphore_mem>>)
        %dma_wait3A_21 = tpu.memref_slice %arg2[%add3A_13] : memref<32768xi32, #tpu.memory_space<hbm>> -> memref<128xi32, #tpu.memory_space<hbm>>
        %dma_wait3A_22 = tpu.memref_slice %arg2[%add3A_13] : memref<32768xi32, #tpu.memory_space<hbm>> -> memref<128xi32, #tpu.memory_space<hbm>>
        tpu.wait_dma2 semaphore(%run_scoped3A : memref<!tpu.dma_semaphore, #tpu.memory_space<semaphore_mem>>) src(%dma_wait3A_22 : memref<128xi32, #tpu.memory_space<hbm>>) dst(%arg5 : memref<128xi32, #tpu.memory_space<vmem>>)
        tpu.yield
      }) : () -> ()
      %dma_start3A = arith.constant 0 : i32
      %dma_start3A_14 = arith.constant 0 : i32
      %dma_start3A_15 = tpu.memref_slice %arg3[%dma_start3A, %dma_start3A_14] : memref<2048x384xi32, #tpu.memory_space<hbm>> -> memref<2048x384xi32, #tpu.memory_space<hbm>>
      tpu.enqueue_indirect_dma source(%dma_start3A_15 : memref<2048x384xi32, #tpu.memory_space<hbm>>) target(%arg6 : memref<128x384xi32, #tpu.memory_space<vmem>>) offsets(%arg5 : memref<128xi32, #tpu.memory_space<vmem>>) semaphore(%arg7 : memref<!tpu.dma_semaphore, #tpu.memory_space<semaphore_mem>>)
      %dma_wait3A = arith.constant 0 : i32
      %dma_wait3A_16 = arith.constant 0 : i32
      %dma_wait3A_17 = tpu.memref_slice %arg3[%dma_wait3A, %dma_wait3A_16] : memref<2048x384xi32, #tpu.memory_space<hbm>> -> memref<2048x384xi32, #tpu.memory_space<hbm>>
      tpu.wait_indirect_dma semaphore(%arg7 : memref<!tpu.dma_semaphore, #tpu.memory_space<semaphore_mem>>) src(%dma_wait3A_17 : memref<2048x384xi32, #tpu.memory_space<hbm>>) dst(%arg6 : memref<128x384xi32, #tpu.memory_space<vmem>>)
      "tpu.region"() ({
        %run_scoped3A = tpu.sem_alloc : memref<!tpu.dma_semaphore, #tpu.memory_space<semaphore_mem>>
        %dma_start3A_19 = arith.constant 0 : i32
        %dma_start3A_20 = tpu.memref_slice %arg4[%add3A_13, %dma_start3A_19] : memref<32768x384xi32, #tpu.memory_space<hbm>> -> memref<128x384xi32, #tpu.memory_space<hbm>>
        %dma_start3A_21 = arith.constant 0 : i32
        %dma_start3A_22 = tpu.memref_slice %arg4[%add3A_13, %dma_start3A_21] : memref<32768x384xi32, #tpu.memory_space<hbm>> -> memref<128x384xi32, #tpu.memory_space<hbm>>
        tpu.enqueue_dma source(%arg6 : memref<128x384xi32, #tpu.memory_space<vmem>>) target(%dma_start3A_22 : memref<128x384xi32, #tpu.memory_space<hbm>>) target_semaphore(%run_scoped3A : memref<!tpu.dma_semaphore, #tpu.memory_space<semaphore_mem>>)
        %dma_wait3A_23 = arith.constant 0 : i32
        %dma_wait3A_24 = tpu.memref_slice %arg4[%add3A_13, %dma_wait3A_23] : memref<32768x384xi32, #tpu.memory_space<hbm>> -> memref<128x384xi32, #tpu.memory_space<hbm>>
        %dma_wait3A_25 = arith.constant 0 : i32
        %dma_wait3A_26 = tpu.memref_slice %arg4[%add3A_13, %dma_wait3A_25] : memref<32768x384xi32, #tpu.memory_space<hbm>> -> memref<128x384xi32, #tpu.memory_space<hbm>>
        tpu.wait_dma2 semaphore(%run_scoped3A : memref<!tpu.dma_semaphore, #tpu.memory_space<semaphore_mem>>) src(%arg6 : memref<128x384xi32, #tpu.memory_space<vmem>>) dst(%dma_wait3A_26 : memref<128x384xi32, #tpu.memory_space<hbm>>)
        tpu.yield
      }) : () -> ()
      %scan3A_18 = arith.constant 0 : i32
      scf.yield %scan3A_18 : i32
    }
    %scan3A_6 = arith.constant 8 : i32
    return
  }
}

#map = affine_map<(d0, d1) -> (0)>
#map1 = affine_map<(d0, d1) -> (0, 0)>
module attributes {stable_mosaic.version = 14 : i64} {
  func.func @gather_k(%arg0: i32, %arg1: i32, %arg2: memref<32768xi32, #tpu.memory_space<hbm>>, %arg3: memref<2048x384xi32, #tpu.memory_space<hbm>>, %arg4: memref<32768x384xi32, #tpu.memory_space<hbm>>, %arg5: memref<128xi32, #tpu.memory_space<vmem>>, %arg6: memref<128x384xi32, #tpu.memory_space<vmem>>, %arg7: memref<!tpu.dma_semaphore, #tpu.memory_space<semaphore_mem>>) attributes {dimension_semantics = [#tpu.dimension_semantics<core_parallel>, #tpu.dimension_semantics<subcore_parallel>], iteration_bounds = array<i64: 2, 16>, scalar_prefetch = 0 : i64, scratch_operands = 3 : i64, tpu.core_type = #tpu.core_type<sc_vector_subcore>, window_params = [{transform_indices = #map}, {transform_indices = #map1}, {transform_indices = #map1}]} {
    %mul3A = arith.constant 2 : i32
    %mul3A_0 = arith.muli %arg1, %mul3A : i32
    %add3A = arith.addi %mul3A_0, %arg0 : i32
    %scan3A = arith.constant 0 : i32
    %scan3A_1 = arith.constant 0 : i32
    %scan3A_2 = arith.constant 8 : i32
    %scan3A_3 = arith.addi %scan3A_1, %scan3A_2 : i32
    %scan3A_4 = arith.constant 1 : i32
    %scan3A_5 = scf.for %scan3A_7 = %scan3A_1 to %scan3A_3 step %scan3A_4 iter_args(%scan3A_8 = %scan3A) -> (i32)  : i32 {
      %mul3A_9 = arith.constant 1024 : i32
      %mul3A_10 = arith.muli %add3A, %mul3A_9 : i32
      %mul3A_11 = arith.constant 128 : i32
      %mul3A_12 = arith.muli %scan3A_7, %mul3A_11 : i32
      %add3A_13 = arith.addi %mul3A_10, %mul3A_12 : i32
      "tpu.region"() ({
        %run_scoped3A = tpu.sem_alloc : memref<!tpu.dma_semaphore, #tpu.memory_space<semaphore_mem>>
        %dma_start3A_19 = tpu.memref_slice %arg2[%add3A_13] : memref<32768xi32, #tpu.memory_space<hbm>> -> memref<128xi32, #tpu.memory_space<hbm>>
        %dma_start3A_20 = tpu.memref_slice %arg2[%add3A_13] : memref<32768xi32, #tpu.memory_space<hbm>> -> memref<128xi32, #tpu.memory_space<hbm>>
        tpu.enqueue_dma source(%dma_start3A_20 : memref<128xi32, #tpu.memory_space<hbm>>) target(%arg5 : memref<128xi32, #tpu.memory_space<vmem>>) target_semaphore(%run_scoped3A : memref<!tpu.dma_semaphore, #tpu.memory_space<semaphore_mem>>)
        %dma_wait3A_21 = tpu.memref_slice %arg2[%add3A_13] : memref<32768xi32, #tpu.memory_space<hbm>> -> memref<128xi32, #tpu.memory_space<hbm>>
        %dma_wait3A_22 = tpu.memref_slice %arg2[%add3A_13] : memref<32768xi32, #tpu.memory_space<hbm>> -> memref<128xi32, #tpu.memory_space<hbm>>
        tpu.wait_dma2 semaphore(%run_scoped3A : memref<!tpu.dma_semaphore, #tpu.memory_space<semaphore_mem>>) src(%dma_wait3A_22 : memref<128xi32, #tpu.memory_space<hbm>>) dst(%arg5 : memref<128xi32, #tpu.memory_space<vmem>>)
        tpu.yield
      }) : () -> ()
      %dma_start3A = arith.constant 0 : i32
      %dma_start3A_14 = arith.constant 0 : i32
      %dma_start3A_15 = tpu.memref_slice %arg3[%dma_start3A, %dma_start3A_14] : memref<2048x384xi32, #tpu.memory_space<hbm>> -> memref<2048x384xi32, #tpu.memory_space<hbm>>
      tpu.enqueue_indirect_dma source(%dma_start3A_15 : memref<2048x384xi32, #tpu.memory_space<hbm>>) target(%arg6 : memref<128x384xi32, #tpu.memory_space<vmem>>) offsets(%arg5 : memref<128xi32, #tpu.memory_space<vmem>>) semaphore(%arg7 : memref<!tpu.dma_semaphore, #tpu.memory_space<semaphore_mem>>)
      %dma_wait3A = arith.constant 0 : i32
      %dma_wait3A_16 = arith.constant 0 : i32
      %dma_wait3A_17 = tpu.memref_slice %arg3[%dma_wait3A, %dma_wait3A_16] : memref<2048x384xi32, #tpu.memory_space<hbm>> -> memref<2048x384xi32, #tpu.memory_space<hbm>>
      tpu.wait_indirect_dma semaphore(%arg7 : memref<!tpu.dma_semaphore, #tpu.memory_space<semaphore_mem>>) src(%dma_wait3A_17 : memref<2048x384xi32, #tpu.memory_space<hbm>>) dst(%arg6 : memref<128x384xi32, #tpu.memory_space<vmem>>)
      "tpu.region"() ({
        %run_scoped3A = tpu.sem_alloc : memref<!tpu.dma_semaphore, #tpu.memory_space<semaphore_mem>>
        %dma_start3A_19 = arith.constant 0 : i32
        %dma_start3A_20 = tpu.memref_slice %arg4[%add3A_13, %dma_start3A_19] : memref<32768x384xi32, #tpu.memory_space<hbm>> -> memref<128x384xi32, #tpu.memory_space<hbm>>
        %dma_start3A_21 = arith.constant 0 : i32
        %dma_start3A_22 = tpu.memref_slice %arg4[%add3A_13, %dma_start3A_21] : memref<32768x384xi32, #tpu.memory_space<hbm>> -> memref<128x384xi32, #tpu.memory_space<hbm>>
        tpu.enqueue_dma source(%arg6 : memref<128x384xi32, #tpu.memory_space<vmem>>) target(%dma_start3A_22 : memref<128x384xi32, #tpu.memory_space<hbm>>) target_semaphore(%run_scoped3A : memref<!tpu.dma_semaphore, #tpu.memory_space<semaphore_mem>>)
        %dma_wait3A_23 = arith.constant 0 : i32
        %dma_wait3A_24 = tpu.memref_slice %arg4[%add3A_13, %dma_wait3A_23] : memref<32768x384xi32, #tpu.memory_space<hbm>> -> memref<128x384xi32, #tpu.memory_space<hbm>>
        %dma_wait3A_25 = arith.constant 0 : i32
        %dma_wait3A_26 = tpu.memref_slice %arg4[%add3A_13, %dma_wait3A_25] : memref<32768x384xi32, #tpu.memory_space<hbm>> -> memref<128x384xi32, #tpu.memory_space<hbm>>
        tpu.wait_dma2 semaphore(%run_scoped3A : memref<!tpu.dma_semaphore, #tpu.memory_space<semaphore_mem>>) src(%arg6 : memref<128x384xi32, #tpu.memory_space<vmem>>) dst(%dma_wait3A_26 : memref<128x384xi32, #tpu.memory_space<hbm>>)
        tpu.yield
      }) : () -> ()
      %scan3A_18 = arith.constant 0 : i32
      scf.yield %scan3A_18 : i32
    }
    %scan3A_6 = arith.constant 8 : i32
    return
  }
}

module attributes {stable_mosaic.version = 14 : i64} {
  func.func @_topk_body(%arg0: i32, %arg1: memref<1x256x3xf32, #tpu.memory_space<vmem>>, %arg2: memref<1x3x2048xf32, #tpu.memory_space<vmem>>, %arg3: memref<1x256x16xi32, #tpu.memory_space<vmem>>) attributes {dimension_semantics = [#tpu.dimension_semantics<arbitrary>], iteration_bounds = array<i64: 8>, scalar_prefetch = 0 : i64, scratch_operands = 0 : i64, tpu.core_type = #tpu.core_type<tc>, window_params = [{transform_indices = @transform_0, window_bounds = array<i64: 1, 256, 3>}, {pipeline_mode = #tpu.pipeline_mode<synchronous>, transform_indices = @transform_1, window_bounds = array<i64: 1, 3, 2048>}, {transform_indices = @transform_2, window_bounds = array<i64: 1, 256, 16>}]} {
    %get3A = arith.constant 0 : index
    %get3A_0 = arith.constant 0 : index
    %get3A_1 = arith.constant 0 : index
    %get3A_2 = vector.load %arg1[%get3A, %get3A_0, %get3A_1] : memref<1x256x3xf32, #tpu.memory_space<vmem>>, vector<1x256x3xf32>
    %get3A_3 = vector.shape_cast %get3A_2 : vector<1x256x3xf32> to vector<256x3xf32>
    %broadcast_in_dim3A = arith.constant 0.000000e+00 : f32
    %broadcast_in_dim3A_4 = vector.broadcast %broadcast_in_dim3A : f32 to vector<256x2048xf32>
    %slice3A = vector.extract_strided_slice %get3A_3 {offsets = [0, 0], sizes = [256, 1], strides = [1, 1]} : vector<256x3xf32> to vector<256x1xf32>
    %get3A_5 = arith.constant 0 : index
    %get3A_6 = arith.constant 0 : index
    %get3A_7 = arith.constant 0 : index
    %get3A_8 = vector.load %arg2[%get3A_5, %get3A_6, %get3A_7] : memref<1x3x2048xf32, #tpu.memory_space<vmem>>, vector<1x1x2048xf32>
    %get3A_9 = vector.shape_cast %get3A_8 : vector<1x1x2048xf32> to vector<1x2048xf32>
    %sub3A = vector.broadcast %slice3A : vector<256x1xf32> to vector<256x2048xf32>
    %sub3A_10 = vector.broadcast %get3A_9 : vector<1x2048xf32> to vector<256x2048xf32>
    %sub3A_11 = arith.subf %sub3A, %sub3A_10 : vector<256x2048xf32>
    %mul3A = arith.mulf %sub3A_11, %sub3A_11 : vector<256x2048xf32>
    %add3A = arith.addf %broadcast_in_dim3A_4, %mul3A : vector<256x2048xf32>
    %slice3A_12 = vector.extract_strided_slice %get3A_3 {offsets = [0, 1], sizes = [256, 1], strides = [1, 1]} : vector<256x3xf32> to vector<256x1xf32>
    %get3A_13 = arith.constant 0 : index
    %get3A_14 = arith.constant 1 : index
    %get3A_15 = arith.constant 0 : index
    %get3A_16 = vector.load %arg2[%get3A_13, %get3A_14, %get3A_15] : memref<1x3x2048xf32, #tpu.memory_space<vmem>>, vector<1x1x2048xf32>
    %get3A_17 = vector.shape_cast %get3A_16 : vector<1x1x2048xf32> to vector<1x2048xf32>
    %sub3A_18 = vector.broadcast %slice3A_12 : vector<256x1xf32> to vector<256x2048xf32>
    %sub3A_19 = vector.broadcast %get3A_17 : vector<1x2048xf32> to vector<256x2048xf32>
    %sub3A_20 = arith.subf %sub3A_18, %sub3A_19 : vector<256x2048xf32>
    %mul3A_21 = arith.mulf %sub3A_20, %sub3A_20 : vector<256x2048xf32>
    %add3A_22 = arith.addf %add3A, %mul3A_21 : vector<256x2048xf32>
    %slice3A_23 = vector.extract_strided_slice %get3A_3 {offsets = [0, 2], sizes = [256, 1], strides = [1, 1]} : vector<256x3xf32> to vector<256x1xf32>
    %get3A_24 = arith.constant 0 : index
    %get3A_25 = arith.constant 2 : index
    %get3A_26 = arith.constant 0 : index
    %get3A_27 = vector.load %arg2[%get3A_24, %get3A_25, %get3A_26] : memref<1x3x2048xf32, #tpu.memory_space<vmem>>, vector<1x1x2048xf32>
    %get3A_28 = vector.shape_cast %get3A_27 : vector<1x1x2048xf32> to vector<1x2048xf32>
    %sub3A_29 = vector.broadcast %slice3A_23 : vector<256x1xf32> to vector<256x2048xf32>
    %sub3A_30 = vector.broadcast %get3A_28 : vector<1x2048xf32> to vector<256x2048xf32>
    %sub3A_31 = arith.subf %sub3A_29, %sub3A_30 : vector<256x2048xf32>
    %mul3A_32 = arith.mulf %sub3A_31, %sub3A_31 : vector<256x2048xf32>
    %add3A_33 = arith.addf %add3A_22, %mul3A_32 : vector<256x2048xf32>
    %iota3A = tpu.iota {dimensions = array<i32: 1>} : vector<256x2048xi32>
    %convert_element_type3A = arith.sitofp %iota3A : vector<256x2048xi32> to vector<256x2048xf32>
    %reduce_min3A = arith.constant dense<0x7F800000> : vector<256xf32>
    %reduce_min3A_34 = vector.multi_reduction <minimumf>, %add3A_33, %reduce_min3A [1] : vector<256x2048xf32> to vector<256xf32>
    %broadcast_in_dim3A_35 = vector.shape_cast %reduce_min3A_34 : vector<256xf32> to vector<256x1xf32>
    %eq3A = vector.broadcast %broadcast_in_dim3A_35 : vector<256x1xf32> to vector<256x2048xf32>
    %eq3A_36 = arith.cmpf oeq, %add3A_33, %eq3A : vector<256x2048xf32>
    %jit3A = arith.constant 2.048000e+03 : f32
    %broadcast_in_dim3A_37 = vector.broadcast %jit3A : f32 to vector<256x2048xf32>
    %select_n3A = arith.select %eq3A_36, %convert_element_type3A, %broadcast_in_dim3A_37 : vector<256x2048xi1>, vector<256x2048xf32>
    %reduce_min3A_38 = arith.constant dense<0x7F800000> : vector<256xf32>
    %reduce_min3A_39 = vector.multi_reduction <minimumf>, %select_n3A, %reduce_min3A_38 [1] : vector<256x2048xf32> to vector<256xf32>
    %broadcast_in_dim3A_40 = vector.shape_cast %reduce_min3A_39 : vector<256xf32> to vector<256x1xf32>
    %eq3A_41 = vector.broadcast %broadcast_in_dim3A_40 : vector<256x1xf32> to vector<256x2048xf32>
    %eq3A_42 = arith.cmpf oeq, %convert_element_type3A, %eq3A_41 : vector<256x2048xf32>
    %jit3A_43 = arith.constant 0x7F800000 : f32
    %broadcast_in_dim3A_44 = vector.broadcast %jit3A_43 : f32 to vector<256x2048xf32>
    %select_n3A_45 = arith.select %eq3A_42, %broadcast_in_dim3A_44, %add3A_33 : vector<256x2048xi1>, vector<256x2048xf32>
    %reduce_min3A_46 = arith.constant dense<0x7F800000> : vector<256xf32>
    %reduce_min3A_47 = vector.multi_reduction <minimumf>, %select_n3A_45, %reduce_min3A_46 [1] : vector<256x2048xf32> to vector<256xf32>
    %broadcast_in_dim3A_48 = vector.shape_cast %reduce_min3A_47 : vector<256xf32> to vector<256x1xf32>
    %eq3A_49 = vector.broadcast %broadcast_in_dim3A_48 : vector<256x1xf32> to vector<256x2048xf32>
    %eq3A_50 = arith.cmpf oeq, %select_n3A_45, %eq3A_49 : vector<256x2048xf32>
    %jit3A_51 = arith.constant 2.048000e+03 : f32
    %broadcast_in_dim3A_52 = vector.broadcast %jit3A_51 : f32 to vector<256x2048xf32>
    %select_n3A_53 = arith.select %eq3A_50, %convert_element_type3A, %broadcast_in_dim3A_52 : vector<256x2048xi1>, vector<256x2048xf32>
    %reduce_min3A_54 = arith.constant dense<0x7F800000> : vector<256xf32>
    %reduce_min3A_55 = vector.multi_reduction <minimumf>, %select_n3A_53, %reduce_min3A_54 [1] : vector<256x2048xf32> to vector<256xf32>
    %broadcast_in_dim3A_56 = vector.shape_cast %reduce_min3A_55 : vector<256xf32> to vector<256x1xf32>
    %eq3A_57 = vector.broadcast %broadcast_in_dim3A_56 : vector<256x1xf32> to vector<256x2048xf32>
    %eq3A_58 = arith.cmpf oeq, %convert_element_type3A, %eq3A_57 : vector<256x2048xf32>
    %jit3A_59 = arith.constant 0x7F800000 : f32
    %broadcast_in_dim3A_60 = vector.broadcast %jit3A_59 : f32 to vector<256x2048xf32>
    %select_n3A_61 = arith.select %eq3A_58, %broadcast_in_dim3A_60, %select_n3A_45 : vector<256x2048xi1>, vector<256x2048xf32>
    %reduce_min3A_62 = arith.constant dense<0x7F800000> : vector<256xf32>
    %reduce_min3A_63 = vector.multi_reduction <minimumf>, %select_n3A_61, %reduce_min3A_62 [1] : vector<256x2048xf32> to vector<256xf32>
    %broadcast_in_dim3A_64 = vector.shape_cast %reduce_min3A_63 : vector<256xf32> to vector<256x1xf32>
    %eq3A_65 = vector.broadcast %broadcast_in_dim3A_64 : vector<256x1xf32> to vector<256x2048xf32>
    %eq3A_66 = arith.cmpf oeq, %select_n3A_61, %eq3A_65 : vector<256x2048xf32>
    %jit3A_67 = arith.constant 2.048000e+03 : f32
    %broadcast_in_dim3A_68 = vector.broadcast %jit3A_67 : f32 to vector<256x2048xf32>
    %select_n3A_69 = arith.select %eq3A_66, %convert_element_type3A, %broadcast_in_dim3A_68 : vector<256x2048xi1>, vector<256x2048xf32>
    %reduce_min3A_70 = arith.constant dense<0x7F800000> : vector<256xf32>
    %reduce_min3A_71 = vector.multi_reduction <minimumf>, %select_n3A_69, %reduce_min3A_70 [1] : vector<256x2048xf32> to vector<256xf32>
    %broadcast_in_dim3A_72 = vector.shape_cast %reduce_min3A_71 : vector<256xf32> to vector<256x1xf32>
    %eq3A_73 = vector.broadcast %broadcast_in_dim3A_72 : vector<256x1xf32> to vector<256x2048xf32>
    %eq3A_74 = arith.cmpf oeq, %convert_element_type3A, %eq3A_73 : vector<256x2048xf32>
    %jit3A_75 = arith.constant 0x7F800000 : f32
    %broadcast_in_dim3A_76 = vector.broadcast %jit3A_75 : f32 to vector<256x2048xf32>
    %select_n3A_77 = arith.select %eq3A_74, %broadcast_in_dim3A_76, %select_n3A_61 : vector<256x2048xi1>, vector<256x2048xf32>
    %reduce_min3A_78 = arith.constant dense<0x7F800000> : vector<256xf32>
    %reduce_min3A_79 = vector.multi_reduction <minimumf>, %select_n3A_77, %reduce_min3A_78 [1] : vector<256x2048xf32> to vector<256xf32>
    %broadcast_in_dim3A_80 = vector.shape_cast %reduce_min3A_79 : vector<256xf32> to vector<256x1xf32>
    %eq3A_81 = vector.broadcast %broadcast_in_dim3A_80 : vector<256x1xf32> to vector<256x2048xf32>
    %eq3A_82 = arith.cmpf oeq, %select_n3A_77, %eq3A_81 : vector<256x2048xf32>
    %jit3A_83 = arith.constant 2.048000e+03 : f32
    %broadcast_in_dim3A_84 = vector.broadcast %jit3A_83 : f32 to vector<256x2048xf32>
    %select_n3A_85 = arith.select %eq3A_82, %convert_element_type3A, %broadcast_in_dim3A_84 : vector<256x2048xi1>, vector<256x2048xf32>
    %reduce_min3A_86 = arith.constant dense<0x7F800000> : vector<256xf32>
    %reduce_min3A_87 = vector.multi_reduction <minimumf>, %select_n3A_85, %reduce_min3A_86 [1] : vector<256x2048xf32> to vector<256xf32>
    %broadcast_in_dim3A_88 = vector.shape_cast %reduce_min3A_87 : vector<256xf32> to vector<256x1xf32>
    %eq3A_89 = vector.broadcast %broadcast_in_dim3A_88 : vector<256x1xf32> to vector<256x2048xf32>
    %eq3A_90 = arith.cmpf oeq, %convert_element_type3A, %eq3A_89 : vector<256x2048xf32>
    %jit3A_91 = arith.constant 0x7F800000 : f32
    %broadcast_in_dim3A_92 = vector.broadcast %jit3A_91 : f32 to vector<256x2048xf32>
    %select_n3A_93 = arith.select %eq3A_90, %broadcast_in_dim3A_92, %select_n3A_77 : vector<256x2048xi1>, vector<256x2048xf32>
    %reduce_min3A_94 = arith.constant dense<0x7F800000> : vector<256xf32>
    %reduce_min3A_95 = vector.multi_reduction <minimumf>, %select_n3A_93, %reduce_min3A_94 [1] : vector<256x2048xf32> to vector<256xf32>
    %broadcast_in_dim3A_96 = vector.shape_cast %reduce_min3A_95 : vector<256xf32> to vector<256x1xf32>
    %eq3A_97 = vector.broadcast %broadcast_in_dim3A_96 : vector<256x1xf32> to vector<256x2048xf32>
    %eq3A_98 = arith.cmpf oeq, %select_n3A_93, %eq3A_97 : vector<256x2048xf32>
    %jit3A_99 = arith.constant 2.048000e+03 : f32
    %broadcast_in_dim3A_100 = vector.broadcast %jit3A_99 : f32 to vector<256x2048xf32>
    %select_n3A_101 = arith.select %eq3A_98, %convert_element_type3A, %broadcast_in_dim3A_100 : vector<256x2048xi1>, vector<256x2048xf32>
    %reduce_min3A_102 = arith.constant dense<0x7F800000> : vector<256xf32>
    %reduce_min3A_103 = vector.multi_reduction <minimumf>, %select_n3A_101, %reduce_min3A_102 [1] : vector<256x2048xf32> to vector<256xf32>
    %broadcast_in_dim3A_104 = vector.shape_cast %reduce_min3A_103 : vector<256xf32> to vector<256x1xf32>
    %eq3A_105 = vector.broadcast %broadcast_in_dim3A_104 : vector<256x1xf32> to vector<256x2048xf32>
    %eq3A_106 = arith.cmpf oeq, %convert_element_type3A, %eq3A_105 : vector<256x2048xf32>
    %jit3A_107 = arith.constant 0x7F800000 : f32
    %broadcast_in_dim3A_108 = vector.broadcast %jit3A_107 : f32 to vector<256x2048xf32>
    %select_n3A_109 = arith.select %eq3A_106, %broadcast_in_dim3A_108, %select_n3A_93 : vector<256x2048xi1>, vector<256x2048xf32>
    %reduce_min3A_110 = arith.constant dense<0x7F800000> : vector<256xf32>
    %reduce_min3A_111 = vector.multi_reduction <minimumf>, %select_n3A_109, %reduce_min3A_110 [1] : vector<256x2048xf32> to vector<256xf32>
    %broadcast_in_dim3A_112 = vector.shape_cast %reduce_min3A_111 : vector<256xf32> to vector<256x1xf32>
    %eq3A_113 = vector.broadcast %broadcast_in_dim3A_112 : vector<256x1xf32> to vector<256x2048xf32>
    %eq3A_114 = arith.cmpf oeq, %select_n3A_109, %eq3A_113 : vector<256x2048xf32>
    %jit3A_115 = arith.constant 2.048000e+03 : f32
    %broadcast_in_dim3A_116 = vector.broadcast %jit3A_115 : f32 to vector<256x2048xf32>
    %select_n3A_117 = arith.select %eq3A_114, %convert_element_type3A, %broadcast_in_dim3A_116 : vector<256x2048xi1>, vector<256x2048xf32>
    %reduce_min3A_118 = arith.constant dense<0x7F800000> : vector<256xf32>
    %reduce_min3A_119 = vector.multi_reduction <minimumf>, %select_n3A_117, %reduce_min3A_118 [1] : vector<256x2048xf32> to vector<256xf32>
    %broadcast_in_dim3A_120 = vector.shape_cast %reduce_min3A_119 : vector<256xf32> to vector<256x1xf32>
    %eq3A_121 = vector.broadcast %broadcast_in_dim3A_120 : vector<256x1xf32> to vector<256x2048xf32>
    %eq3A_122 = arith.cmpf oeq, %convert_element_type3A, %eq3A_121 : vector<256x2048xf32>
    %jit3A_123 = arith.constant 0x7F800000 : f32
    %broadcast_in_dim3A_124 = vector.broadcast %jit3A_123 : f32 to vector<256x2048xf32>
    %select_n3A_125 = arith.select %eq3A_122, %broadcast_in_dim3A_124, %select_n3A_109 : vector<256x2048xi1>, vector<256x2048xf32>
    %reduce_min3A_126 = arith.constant dense<0x7F800000> : vector<256xf32>
    %reduce_min3A_127 = vector.multi_reduction <minimumf>, %select_n3A_125, %reduce_min3A_126 [1] : vector<256x2048xf32> to vector<256xf32>
    %broadcast_in_dim3A_128 = vector.shape_cast %reduce_min3A_127 : vector<256xf32> to vector<256x1xf32>
    %eq3A_129 = vector.broadcast %broadcast_in_dim3A_128 : vector<256x1xf32> to vector<256x2048xf32>
    %eq3A_130 = arith.cmpf oeq, %select_n3A_125, %eq3A_129 : vector<256x2048xf32>
    %jit3A_131 = arith.constant 2.048000e+03 : f32
    %broadcast_in_dim3A_132 = vector.broadcast %jit3A_131 : f32 to vector<256x2048xf32>
    %select_n3A_133 = arith.select %eq3A_130, %convert_element_type3A, %broadcast_in_dim3A_132 : vector<256x2048xi1>, vector<256x2048xf32>
    %reduce_min3A_134 = arith.constant dense<0x7F800000> : vector<256xf32>
    %reduce_min3A_135 = vector.multi_reduction <minimumf>, %select_n3A_133, %reduce_min3A_134 [1] : vector<256x2048xf32> to vector<256xf32>
    %broadcast_in_dim3A_136 = vector.shape_cast %reduce_min3A_135 : vector<256xf32> to vector<256x1xf32>
    %eq3A_137 = vector.broadcast %broadcast_in_dim3A_136 : vector<256x1xf32> to vector<256x2048xf32>
    %eq3A_138 = arith.cmpf oeq, %convert_element_type3A, %eq3A_137 : vector<256x2048xf32>
    %jit3A_139 = arith.constant 0x7F800000 : f32
    %broadcast_in_dim3A_140 = vector.broadcast %jit3A_139 : f32 to vector<256x2048xf32>
    %select_n3A_141 = arith.select %eq3A_138, %broadcast_in_dim3A_140, %select_n3A_125 : vector<256x2048xi1>, vector<256x2048xf32>
    %reduce_min3A_142 = arith.constant dense<0x7F800000> : vector<256xf32>
    %reduce_min3A_143 = vector.multi_reduction <minimumf>, %select_n3A_141, %reduce_min3A_142 [1] : vector<256x2048xf32> to vector<256xf32>
    %broadcast_in_dim3A_144 = vector.shape_cast %reduce_min3A_143 : vector<256xf32> to vector<256x1xf32>
    %eq3A_145 = vector.broadcast %broadcast_in_dim3A_144 : vector<256x1xf32> to vector<256x2048xf32>
    %eq3A_146 = arith.cmpf oeq, %select_n3A_141, %eq3A_145 : vector<256x2048xf32>
    %jit3A_147 = arith.constant 2.048000e+03 : f32
    %broadcast_in_dim3A_148 = vector.broadcast %jit3A_147 : f32 to vector<256x2048xf32>
    %select_n3A_149 = arith.select %eq3A_146, %convert_element_type3A, %broadcast_in_dim3A_148 : vector<256x2048xi1>, vector<256x2048xf32>
    %reduce_min3A_150 = arith.constant dense<0x7F800000> : vector<256xf32>
    %reduce_min3A_151 = vector.multi_reduction <minimumf>, %select_n3A_149, %reduce_min3A_150 [1] : vector<256x2048xf32> to vector<256xf32>
    %broadcast_in_dim3A_152 = vector.shape_cast %reduce_min3A_151 : vector<256xf32> to vector<256x1xf32>
    %eq3A_153 = vector.broadcast %broadcast_in_dim3A_152 : vector<256x1xf32> to vector<256x2048xf32>
    %eq3A_154 = arith.cmpf oeq, %convert_element_type3A, %eq3A_153 : vector<256x2048xf32>
    %jit3A_155 = arith.constant 0x7F800000 : f32
    %broadcast_in_dim3A_156 = vector.broadcast %jit3A_155 : f32 to vector<256x2048xf32>
    %select_n3A_157 = arith.select %eq3A_154, %broadcast_in_dim3A_156, %select_n3A_141 : vector<256x2048xi1>, vector<256x2048xf32>
    %reduce_min3A_158 = arith.constant dense<0x7F800000> : vector<256xf32>
    %reduce_min3A_159 = vector.multi_reduction <minimumf>, %select_n3A_157, %reduce_min3A_158 [1] : vector<256x2048xf32> to vector<256xf32>
    %broadcast_in_dim3A_160 = vector.shape_cast %reduce_min3A_159 : vector<256xf32> to vector<256x1xf32>
    %eq3A_161 = vector.broadcast %broadcast_in_dim3A_160 : vector<256x1xf32> to vector<256x2048xf32>
    %eq3A_162 = arith.cmpf oeq, %select_n3A_157, %eq3A_161 : vector<256x2048xf32>
    %jit3A_163 = arith.constant 2.048000e+03 : f32
    %broadcast_in_dim3A_164 = vector.broadcast %jit3A_163 : f32 to vector<256x2048xf32>
    %select_n3A_165 = arith.select %eq3A_162, %convert_element_type3A, %broadcast_in_dim3A_164 : vector<256x2048xi1>, vector<256x2048xf32>
    %reduce_min3A_166 = arith.constant dense<0x7F800000> : vector<256xf32>
    %reduce_min3A_167 = vector.multi_reduction <minimumf>, %select_n3A_165, %reduce_min3A_166 [1] : vector<256x2048xf32> to vector<256xf32>
    %broadcast_in_dim3A_168 = vector.shape_cast %reduce_min3A_167 : vector<256xf32> to vector<256x1xf32>
    %eq3A_169 = vector.broadcast %broadcast_in_dim3A_168 : vector<256x1xf32> to vector<256x2048xf32>
    %eq3A_170 = arith.cmpf oeq, %convert_element_type3A, %eq3A_169 : vector<256x2048xf32>
    %jit3A_171 = arith.constant 0x7F800000 : f32
    %broadcast_in_dim3A_172 = vector.broadcast %jit3A_171 : f32 to vector<256x2048xf32>
    %select_n3A_173 = arith.select %eq3A_170, %broadcast_in_dim3A_172, %select_n3A_157 : vector<256x2048xi1>, vector<256x2048xf32>
    %reduce_min3A_174 = arith.constant dense<0x7F800000> : vector<256xf32>
    %reduce_min3A_175 = vector.multi_reduction <minimumf>, %select_n3A_173, %reduce_min3A_174 [1] : vector<256x2048xf32> to vector<256xf32>
    %broadcast_in_dim3A_176 = vector.shape_cast %reduce_min3A_175 : vector<256xf32> to vector<256x1xf32>
    %eq3A_177 = vector.broadcast %broadcast_in_dim3A_176 : vector<256x1xf32> to vector<256x2048xf32>
    %eq3A_178 = arith.cmpf oeq, %select_n3A_173, %eq3A_177 : vector<256x2048xf32>
    %jit3A_179 = arith.constant 2.048000e+03 : f32
    %broadcast_in_dim3A_180 = vector.broadcast %jit3A_179 : f32 to vector<256x2048xf32>
    %select_n3A_181 = arith.select %eq3A_178, %convert_element_type3A, %broadcast_in_dim3A_180 : vector<256x2048xi1>, vector<256x2048xf32>
    %reduce_min3A_182 = arith.constant dense<0x7F800000> : vector<256xf32>
    %reduce_min3A_183 = vector.multi_reduction <minimumf>, %select_n3A_181, %reduce_min3A_182 [1] : vector<256x2048xf32> to vector<256xf32>
    %broadcast_in_dim3A_184 = vector.shape_cast %reduce_min3A_183 : vector<256xf32> to vector<256x1xf32>
    %eq3A_185 = vector.broadcast %broadcast_in_dim3A_184 : vector<256x1xf32> to vector<256x2048xf32>
    %eq3A_186 = arith.cmpf oeq, %convert_element_type3A, %eq3A_185 : vector<256x2048xf32>
    %jit3A_187 = arith.constant 0x7F800000 : f32
    %broadcast_in_dim3A_188 = vector.broadcast %jit3A_187 : f32 to vector<256x2048xf32>
    %select_n3A_189 = arith.select %eq3A_186, %broadcast_in_dim3A_188, %select_n3A_173 : vector<256x2048xi1>, vector<256x2048xf32>
    %reduce_min3A_190 = arith.constant dense<0x7F800000> : vector<256xf32>
    %reduce_min3A_191 = vector.multi_reduction <minimumf>, %select_n3A_189, %reduce_min3A_190 [1] : vector<256x2048xf32> to vector<256xf32>
    %broadcast_in_dim3A_192 = vector.shape_cast %reduce_min3A_191 : vector<256xf32> to vector<256x1xf32>
    %eq3A_193 = vector.broadcast %broadcast_in_dim3A_192 : vector<256x1xf32> to vector<256x2048xf32>
    %eq3A_194 = arith.cmpf oeq, %select_n3A_189, %eq3A_193 : vector<256x2048xf32>
    %jit3A_195 = arith.constant 2.048000e+03 : f32
    %broadcast_in_dim3A_196 = vector.broadcast %jit3A_195 : f32 to vector<256x2048xf32>
    %select_n3A_197 = arith.select %eq3A_194, %convert_element_type3A, %broadcast_in_dim3A_196 : vector<256x2048xi1>, vector<256x2048xf32>
    %reduce_min3A_198 = arith.constant dense<0x7F800000> : vector<256xf32>
    %reduce_min3A_199 = vector.multi_reduction <minimumf>, %select_n3A_197, %reduce_min3A_198 [1] : vector<256x2048xf32> to vector<256xf32>
    %broadcast_in_dim3A_200 = vector.shape_cast %reduce_min3A_199 : vector<256xf32> to vector<256x1xf32>
    %eq3A_201 = vector.broadcast %broadcast_in_dim3A_200 : vector<256x1xf32> to vector<256x2048xf32>
    %eq3A_202 = arith.cmpf oeq, %convert_element_type3A, %eq3A_201 : vector<256x2048xf32>
    %jit3A_203 = arith.constant 0x7F800000 : f32
    %broadcast_in_dim3A_204 = vector.broadcast %jit3A_203 : f32 to vector<256x2048xf32>
    %select_n3A_205 = arith.select %eq3A_202, %broadcast_in_dim3A_204, %select_n3A_189 : vector<256x2048xi1>, vector<256x2048xf32>
    %reduce_min3A_206 = arith.constant dense<0x7F800000> : vector<256xf32>
    %reduce_min3A_207 = vector.multi_reduction <minimumf>, %select_n3A_205, %reduce_min3A_206 [1] : vector<256x2048xf32> to vector<256xf32>
    %broadcast_in_dim3A_208 = vector.shape_cast %reduce_min3A_207 : vector<256xf32> to vector<256x1xf32>
    %eq3A_209 = vector.broadcast %broadcast_in_dim3A_208 : vector<256x1xf32> to vector<256x2048xf32>
    %eq3A_210 = arith.cmpf oeq, %select_n3A_205, %eq3A_209 : vector<256x2048xf32>
    %jit3A_211 = arith.constant 2.048000e+03 : f32
    %broadcast_in_dim3A_212 = vector.broadcast %jit3A_211 : f32 to vector<256x2048xf32>
    %select_n3A_213 = arith.select %eq3A_210, %convert_element_type3A, %broadcast_in_dim3A_212 : vector<256x2048xi1>, vector<256x2048xf32>
    %reduce_min3A_214 = arith.constant dense<0x7F800000> : vector<256xf32>
    %reduce_min3A_215 = vector.multi_reduction <minimumf>, %select_n3A_213, %reduce_min3A_214 [1] : vector<256x2048xf32> to vector<256xf32>
    %broadcast_in_dim3A_216 = vector.shape_cast %reduce_min3A_215 : vector<256xf32> to vector<256x1xf32>
    %eq3A_217 = vector.broadcast %broadcast_in_dim3A_216 : vector<256x1xf32> to vector<256x2048xf32>
    %eq3A_218 = arith.cmpf oeq, %convert_element_type3A, %eq3A_217 : vector<256x2048xf32>
    %jit3A_219 = arith.constant 0x7F800000 : f32
    %broadcast_in_dim3A_220 = vector.broadcast %jit3A_219 : f32 to vector<256x2048xf32>
    %select_n3A_221 = arith.select %eq3A_218, %broadcast_in_dim3A_220, %select_n3A_205 : vector<256x2048xi1>, vector<256x2048xf32>
    %reduce_min3A_222 = arith.constant dense<0x7F800000> : vector<256xf32>
    %reduce_min3A_223 = vector.multi_reduction <minimumf>, %select_n3A_221, %reduce_min3A_222 [1] : vector<256x2048xf32> to vector<256xf32>
    %broadcast_in_dim3A_224 = vector.shape_cast %reduce_min3A_223 : vector<256xf32> to vector<256x1xf32>
    %eq3A_225 = vector.broadcast %broadcast_in_dim3A_224 : vector<256x1xf32> to vector<256x2048xf32>
    %eq3A_226 = arith.cmpf oeq, %select_n3A_221, %eq3A_225 : vector<256x2048xf32>
    %jit3A_227 = arith.constant 2.048000e+03 : f32
    %broadcast_in_dim3A_228 = vector.broadcast %jit3A_227 : f32 to vector<256x2048xf32>
    %select_n3A_229 = arith.select %eq3A_226, %convert_element_type3A, %broadcast_in_dim3A_228 : vector<256x2048xi1>, vector<256x2048xf32>
    %reduce_min3A_230 = arith.constant dense<0x7F800000> : vector<256xf32>
    %reduce_min3A_231 = vector.multi_reduction <minimumf>, %select_n3A_229, %reduce_min3A_230 [1] : vector<256x2048xf32> to vector<256xf32>
    %broadcast_in_dim3A_232 = vector.shape_cast %reduce_min3A_231 : vector<256xf32> to vector<256x1xf32>
    %eq3A_233 = vector.broadcast %broadcast_in_dim3A_232 : vector<256x1xf32> to vector<256x2048xf32>
    %eq3A_234 = arith.cmpf oeq, %convert_element_type3A, %eq3A_233 : vector<256x2048xf32>
    %jit3A_235 = arith.constant 0x7F800000 : f32
    %broadcast_in_dim3A_236 = vector.broadcast %jit3A_235 : f32 to vector<256x2048xf32>
    %select_n3A_237 = arith.select %eq3A_234, %broadcast_in_dim3A_236, %select_n3A_221 : vector<256x2048xi1>, vector<256x2048xf32>
    %reduce_min3A_238 = arith.constant dense<0x7F800000> : vector<256xf32>
    %reduce_min3A_239 = vector.multi_reduction <minimumf>, %select_n3A_237, %reduce_min3A_238 [1] : vector<256x2048xf32> to vector<256xf32>
    %broadcast_in_dim3A_240 = vector.shape_cast %reduce_min3A_239 : vector<256xf32> to vector<256x1xf32>
    %eq3A_241 = vector.broadcast %broadcast_in_dim3A_240 : vector<256x1xf32> to vector<256x2048xf32>
    %eq3A_242 = arith.cmpf oeq, %select_n3A_237, %eq3A_241 : vector<256x2048xf32>
    %jit3A_243 = arith.constant 2.048000e+03 : f32
    %broadcast_in_dim3A_244 = vector.broadcast %jit3A_243 : f32 to vector<256x2048xf32>
    %select_n3A_245 = arith.select %eq3A_242, %convert_element_type3A, %broadcast_in_dim3A_244 : vector<256x2048xi1>, vector<256x2048xf32>
    %reduce_min3A_246 = arith.constant dense<0x7F800000> : vector<256xf32>
    %reduce_min3A_247 = vector.multi_reduction <minimumf>, %select_n3A_245, %reduce_min3A_246 [1] : vector<256x2048xf32> to vector<256xf32>
    %broadcast_in_dim3A_248 = vector.shape_cast %reduce_min3A_247 : vector<256xf32> to vector<256x1xf32>
    %eq3A_249 = vector.broadcast %broadcast_in_dim3A_248 : vector<256x1xf32> to vector<256x2048xf32>
    %eq3A_250 = arith.cmpf oeq, %convert_element_type3A, %eq3A_249 : vector<256x2048xf32>
    %jit3A_251 = arith.constant 0x7F800000 : f32
    %broadcast_in_dim3A_252 = vector.broadcast %jit3A_251 : f32 to vector<256x2048xf32>
    %select_n3A_253 = arith.select %eq3A_250, %broadcast_in_dim3A_252, %select_n3A_237 : vector<256x2048xi1>, vector<256x2048xf32>
    %reduce_min3A_254 = arith.constant dense<0x7F800000> : vector<256xf32>
    %reduce_min3A_255 = vector.multi_reduction <minimumf>, %select_n3A_253, %reduce_min3A_254 [1] : vector<256x2048xf32> to vector<256xf32>
    %broadcast_in_dim3A_256 = vector.shape_cast %reduce_min3A_255 : vector<256xf32> to vector<256x1xf32>
    %eq3A_257 = vector.broadcast %broadcast_in_dim3A_256 : vector<256x1xf32> to vector<256x2048xf32>
    %eq3A_258 = arith.cmpf oeq, %select_n3A_253, %eq3A_257 : vector<256x2048xf32>
    %jit3A_259 = arith.constant 2.048000e+03 : f32
    %broadcast_in_dim3A_260 = vector.broadcast %jit3A_259 : f32 to vector<256x2048xf32>
    %select_n3A_261 = arith.select %eq3A_258, %convert_element_type3A, %broadcast_in_dim3A_260 : vector<256x2048xi1>, vector<256x2048xf32>
    %reduce_min3A_262 = arith.constant dense<0x7F800000> : vector<256xf32>
    %reduce_min3A_263 = vector.multi_reduction <minimumf>, %select_n3A_261, %reduce_min3A_262 [1] : vector<256x2048xf32> to vector<256xf32>
    %broadcast_in_dim3A_264 = vector.shape_cast %reduce_min3A_263 : vector<256xf32> to vector<256x1xf32>
    %eq3A_265 = vector.broadcast %broadcast_in_dim3A_264 : vector<256x1xf32> to vector<256x2048xf32>
    %eq3A_266 = arith.cmpf oeq, %convert_element_type3A, %eq3A_265 : vector<256x2048xf32>
    %jit3A_267 = arith.constant 0x7F800000 : f32
    %broadcast_in_dim3A_268 = vector.broadcast %jit3A_267 : f32 to vector<256x2048xf32>
    %select_n3A_269 = arith.select %eq3A_266, %broadcast_in_dim3A_268, %select_n3A_253 : vector<256x2048xi1>, vector<256x2048xf32>
    %reduce_min3A_270 = arith.constant dense<0x7F800000> : vector<256xf32>
    %reduce_min3A_271 = vector.multi_reduction <minimumf>, %select_n3A_269, %reduce_min3A_270 [1] : vector<256x2048xf32> to vector<256xf32>
    %broadcast_in_dim3A_272 = vector.shape_cast %reduce_min3A_271 : vector<256xf32> to vector<256x1xf32>
    %eq3A_273 = vector.broadcast %broadcast_in_dim3A_272 : vector<256x1xf32> to vector<256x2048xf32>
    %eq3A_274 = arith.cmpf oeq, %select_n3A_269, %eq3A_273 : vector<256x2048xf32>
    %jit3A_275 = arith.constant 2.048000e+03 : f32
    %broadcast_in_dim3A_276 = vector.broadcast %jit3A_275 : f32 to vector<256x2048xf32>
    %select_n3A_277 = arith.select %eq3A_274, %convert_element_type3A, %broadcast_in_dim3A_276 : vector<256x2048xi1>, vector<256x2048xf32>
    %reduce_min3A_278 = arith.constant dense<0x7F800000> : vector<256xf32>
    %reduce_min3A_279 = vector.multi_reduction <minimumf>, %select_n3A_277, %reduce_min3A_278 [1] : vector<256x2048xf32> to vector<256xf32>
    %broadcast_in_dim3A_280 = vector.shape_cast %reduce_min3A_279 : vector<256xf32> to vector<256x1xf32>
    %concatenate3A = tpu.concatenate %broadcast_in_dim3A_40, %broadcast_in_dim3A_56, %broadcast_in_dim3A_72, %broadcast_in_dim3A_88, %broadcast_in_dim3A_104, %broadcast_in_dim3A_120, %broadcast_in_dim3A_136, %broadcast_in_dim3A_152, %broadcast_in_dim3A_168, %broadcast_in_dim3A_184, %broadcast_in_dim3A_200, %broadcast_in_dim3A_216, %broadcast_in_dim3A_232, %broadcast_in_dim3A_248, %broadcast_in_dim3A_264, %broadcast_in_dim3A_280 in 1 : vector<256x1xf32>, vector<256x1xf32>, vector<256x1xf32>, vector<256x1xf32>, vector<256x1xf32>, vector<256x1xf32>, vector<256x1xf32>, vector<256x1xf32>, vector<256x1xf32>, vector<256x1xf32>, vector<256x1xf32>, vector<256x1xf32>, vector<256x1xf32>, vector<256x1xf32>, vector<256x1xf32>, vector<256x1xf32> -> vector<256x16xf32>
    %convert_element_type3A_281 = arith.fptosi %concatenate3A : vector<256x16xf32> to vector<256x16xi32>
    %swap3A = arith.constant 0 : index
    %swap3A_282 = arith.constant 0 : index
    %swap3A_283 = arith.constant 0 : index
    %swap3A_284 = vector.load %arg3[%swap3A, %swap3A_282, %swap3A_283] : memref<1x256x16xi32, #tpu.memory_space<vmem>>, vector<1x256x16xi32>
    %swap3A_285 = vector.shape_cast %swap3A_284 : vector<1x256x16xi32> to vector<256x16xi32>
    %swap3A_286 = vector.shape_cast %convert_element_type3A_281 : vector<256x16xi32> to vector<1x256x16xi32>
    tpu.vector_store %arg3[%swap3A, %swap3A_282, %swap3A_283], %swap3A_286 {strides = array<i32>} : memref<1x256x16xi32, #tpu.memory_space<vmem>>, vector<1x256x16xi32>,
    return
  }
  func.func @transform_0(%arg0: i32) -> (i32, i32, i32) {
    %c0_i32 = arith.constant 0 : i32
    %c0_i32_0 = arith.constant 0 : i32
    %c0_i32_1 = arith.constant 0 : i32
    return %c0_i32, %arg0, %c0_i32_0 : i32, i32, i32
  }
  func.func @transform_1(%arg0: i32) -> (i32, i32, i32) {
    %c0_i32 = arith.constant 0 : i32
    %c0_i32_0 = arith.constant 0 : i32
    %c0_i32_1 = arith.constant 0 : i32
    %c0_i32_2 = arith.constant 0 : i32
    return %c0_i32, %c0_i32_0, %c0_i32_1 : i32, i32, i32
  }
  func.func @transform_2(%arg0: i32) -> (i32, i32, i32) {
    %c0_i32 = arith.constant 0 : i32
    %c0_i32_0 = arith.constant 0 : i32
    %c0_i32_1 = arith.constant 0 : i32
    return %c0_i32, %arg0, %c0_i32_0 : i32, i32, i32
  }
}

module attributes {stable_mosaic.version = 14 : i64} {
  func.func @_tables_body(%arg0: i32, %arg1: memref<512x128xf32, #tpu.memory_space<vmem>>, %arg2: memref<512x3xf32, #tpu.memory_space<vmem>>, %arg3: memref<128x256xf32, #tpu.memory_space<vmem>>, %arg4: memref<1x256xf32, #tpu.memory_space<vmem>>, %arg5: memref<256x256xf32, #tpu.memory_space<vmem>>, %arg6: memref<256x256xf32, #tpu.memory_space<vmem>>, %arg7: memref<256x256xf32, #tpu.memory_space<vmem>>, %arg8: memref<256x256xf32, #tpu.memory_space<vmem>>, %arg9: memref<3x256xf32, #tpu.memory_space<vmem>>, %arg10: memref<1x256xf32, #tpu.memory_space<vmem>>, %arg11: memref<1x256xf32, #tpu.memory_space<vmem>>, %arg12: memref<512x384xi32, #tpu.memory_space<vmem>>, %arg13: memref<512x512xf32, #tpu.memory_space<vmem>>) attributes {dimension_semantics = [#tpu.dimension_semantics<arbitrary>], iteration_bounds = array<i64: 4>, scalar_prefetch = 0 : i64, scratch_operands = 0 : i64, tpu.core_type = #tpu.core_type<tc>, window_params = [{transform_indices = @transform_0, window_bounds = array<i64: 512, 128>}, {transform_indices = @transform_1, window_bounds = array<i64: 512, 3>}, {pipeline_mode = #tpu.pipeline_mode<synchronous>, transform_indices = @transform_2, window_bounds = array<i64: 128, 256>}, {pipeline_mode = #tpu.pipeline_mode<synchronous>, transform_indices = @transform_3, window_bounds = array<i64: 1, 256>}, {pipeline_mode = #tpu.pipeline_mode<synchronous>, transform_indices = @transform_4, window_bounds = array<i64: 256, 256>}, {pipeline_mode = #tpu.pipeline_mode<synchronous>, transform_indices = @transform_5, window_bounds = array<i64: 256, 256>}, {pipeline_mode = #tpu.pipeline_mode<synchronous>, transform_indices = @transform_6, window_bounds = array<i64: 256, 256>}, {pipeline_mode = #tpu.pipeline_mode<synchronous>, transform_indices = @transform_7, window_bounds = array<i64: 256, 256>}, {pipeline_mode = #tpu.pipeline_mode<synchronous>, transform_indices = @transform_8, window_bounds = array<i64: 3, 256>}, {pipeline_mode = #tpu.pipeline_mode<synchronous>, transform_indices = @transform_9, window_bounds = array<i64: 1, 256>}, {pipeline_mode = #tpu.pipeline_mode<synchronous>, transform_indices = @transform_10, window_bounds = array<i64: 1, 256>}, {transform_indices = @transform_11, window_bounds = array<i64: 512, 384>}, {transform_indices = @transform_12, window_bounds = array<i64: 512, 512>}]} {
    %get3A = arith.constant 0 : index
    %get3A_0 = arith.constant 0 : index
    %get3A_1 = vector.load %arg1[%get3A, %get3A_0] : memref<512x128xf32, #tpu.memory_space<vmem>>, vector<512x128xf32>
    %convert_element_type3A = arith.truncf %get3A_1 : vector<512x128xf32> to vector<512x128xbf16>
    %get3A_2 = arith.constant 0 : index
    %get3A_3 = arith.constant 0 : index
    %get3A_4 = vector.load %arg3[%get3A_2, %get3A_3] : memref<128x256xf32, #tpu.memory_space<vmem>>, vector<128x256xf32>
    %convert_element_type3A_5 = arith.truncf %get3A_4 : vector<128x256xf32> to vector<128x256xbf16>
    %dot_general3A = arith.constant dense<0.000000e+00> : vector<512x256xf32>
    %dot_general3A_6 = tpu.matmul %convert_element_type3A, %convert_element_type3A_5, %dot_general3A {dimension_numbers = #tpu.dot_dimension_numbers<[1], [0], [0], [1], [0, 0, 1, 1], [], []>, transpose_lhs_hint = false} : vector<512x128xbf16>, vector<128x256xbf16>, vector<512x256xf32> -> vector<512x256xf32>
    %get3A_7 = arith.constant 0 : index
    %get3A_8 = arith.constant 0 : index
    %get3A_9 = vector.load %arg4[%get3A_7, %get3A_8] : memref<1x256xf32, #tpu.memory_space<vmem>>, vector<1x256xf32>
    %add3A = vector.broadcast %get3A_9 : vector<1x256xf32> to vector<512x256xf32>
    %add3A_10 = arith.addf %dot_general3A_6, %add3A : vector<512x256xf32>
    %get3A_11 = arith.constant 0 : index
    %get3A_12 = arith.constant 0 : index
    %get3A_13 = vector.load %arg10[%get3A_11, %get3A_12] : memref<1x256xf32, #tpu.memory_space<vmem>>, vector<1x256xf32>
    %get3A_14 = arith.constant 0 : index
    %get3A_15 = arith.constant 0 : index
    %get3A_16 = vector.load %arg11[%get3A_14, %get3A_15] : memref<1x256xf32, #tpu.memory_space<vmem>>, vector<1x256xf32>
    %convert_element_type3A_17 = arith.truncf %add3A_10 : vector<512x256xf32> to vector<512x256xbf16>
    %get3A_18 = arith.constant 0 : index
    %get3A_19 = arith.constant 0 : index
    %get3A_20 = vector.load %arg5[%get3A_18, %get3A_19] : memref<256x256xf32, #tpu.memory_space<vmem>>, vector<256x256xf32>
    %convert_element_type3A_21 = arith.truncf %get3A_20 : vector<256x256xf32> to vector<256x256xbf16>
    %dot_general3A_22 = arith.constant dense<0.000000e+00> : vector<512x256xf32>
    %dot_general3A_23 = tpu.matmul %convert_element_type3A_17, %convert_element_type3A_21, %dot_general3A_22 {dimension_numbers = #tpu.dot_dimension_numbers<[1], [0], [0], [1], [0, 0, 1, 1], [], []>, transpose_lhs_hint = false} : vector<512x256xbf16>, vector<256x256xbf16>, vector<512x256xf32> -> vector<512x256xf32>
    %reduce_sum3A = arith.constant dense<0.000000e+00> : vector<512xf32>
    %reduce_sum3A_24 = vector.multi_reduction <add>, %dot_general3A_23, %reduce_sum3A [1] : vector<512x256xf32> to vector<512xf32>
    %broadcast_in_dim3A = vector.shape_cast %reduce_sum3A_24 : vector<512xf32> to vector<512x1xf32>
    %div3A = arith.constant 2.560000e+02 : f32
    %div3A_25 = vector.broadcast %div3A : f32 to vector<512x1xf32>
    %div3A_26 = arith.divf %broadcast_in_dim3A, %div3A_25 : vector<512x1xf32>
    %sub3A = vector.broadcast %div3A_26 : vector<512x1xf32> to vector<512x256xf32>
    %sub3A_27 = arith.subf %dot_general3A_23, %sub3A : vector<512x256xf32>
    %mul3A = arith.mulf %sub3A_27, %sub3A_27 : vector<512x256xf32>
    %reduce_sum3A_28 = arith.constant dense<0.000000e+00> : vector<512xf32>
    %reduce_sum3A_29 = vector.multi_reduction <add>, %mul3A, %reduce_sum3A_28 [1] : vector<512x256xf32> to vector<512xf32>
    %broadcast_in_dim3A_30 = vector.shape_cast %reduce_sum3A_29 : vector<512xf32> to vector<512x1xf32>
    %div3A_31 = arith.constant 2.560000e+02 : f32
    %div3A_32 = vector.broadcast %div3A_31 : f32 to vector<512x1xf32>
    %div3A_33 = arith.divf %broadcast_in_dim3A_30, %div3A_32 : vector<512x1xf32>
    %add3A_34 = arith.constant 9.99999974E-6 : f32
    %add3A_35 = vector.broadcast %add3A_34 : f32 to vector<512x1xf32>
    %add3A_36 = arith.addf %div3A_33, %add3A_35 : vector<512x1xf32>
    %rsqrt3A = math.rsqrt %add3A_36 : vector<512x1xf32>
    %mul3A_37 = vector.broadcast %rsqrt3A : vector<512x1xf32> to vector<512x256xf32>
    %mul3A_38 = arith.mulf %sub3A_27, %mul3A_37 : vector<512x256xf32>
    %mul3A_39 = vector.broadcast %get3A_13 : vector<1x256xf32> to vector<512x256xf32>
    %mul3A_40 = arith.mulf %mul3A_38, %mul3A_39 : vector<512x256xf32>
    %add3A_41 = vector.broadcast %get3A_16 : vector<1x256xf32> to vector<512x256xf32>
    %add3A_42 = arith.addf %mul3A_40, %add3A_41 : vector<512x256xf32>
    %get3A_43 = arith.constant 0 : index
    %get3A_44 = arith.constant 0 : index
    %get3A_45 = vector.load %arg6[%get3A_43, %get3A_44] : memref<256x256xf32, #tpu.memory_space<vmem>>, vector<256x256xf32>
    %convert_element_type3A_46 = arith.truncf %get3A_45 : vector<256x256xf32> to vector<256x256xbf16>
    %dot_general3A_47 = arith.constant dense<0.000000e+00> : vector<512x256xf32>
    %dot_general3A_48 = tpu.matmul %convert_element_type3A_17, %convert_element_type3A_46, %dot_general3A_47 {dimension_numbers = #tpu.dot_dimension_numbers<[1], [0], [0], [1], [0, 0, 1, 1], [], []>, transpose_lhs_hint = false} : vector<512x256xbf16>, vector<256x256xbf16>, vector<512x256xf32> -> vector<512x256xf32>
    %reduce_sum3A_49 = arith.constant dense<0.000000e+00> : vector<512xf32>
    %reduce_sum3A_50 = vector.multi_reduction <add>, %dot_general3A_48, %reduce_sum3A_49 [1] : vector<512x256xf32> to vector<512xf32>
    %broadcast_in_dim3A_51 = vector.shape_cast %reduce_sum3A_50 : vector<512xf32> to vector<512x1xf32>
    %div3A_52 = arith.constant 2.560000e+02 : f32
    %div3A_53 = vector.broadcast %div3A_52 : f32 to vector<512x1xf32>
    %div3A_54 = arith.divf %broadcast_in_dim3A_51, %div3A_53 : vector<512x1xf32>
    %sub3A_55 = vector.broadcast %div3A_54 : vector<512x1xf32> to vector<512x256xf32>
    %sub3A_56 = arith.subf %dot_general3A_48, %sub3A_55 : vector<512x256xf32>
    %mul3A_57 = arith.mulf %sub3A_56, %sub3A_56 : vector<512x256xf32>
    %reduce_sum3A_58 = arith.constant dense<0.000000e+00> : vector<512xf32>
    %reduce_sum3A_59 = vector.multi_reduction <add>, %mul3A_57, %reduce_sum3A_58 [1] : vector<512x256xf32> to vector<512xf32>
    %broadcast_in_dim3A_60 = vector.shape_cast %reduce_sum3A_59 : vector<512xf32> to vector<512x1xf32>
    %div3A_61 = arith.constant 2.560000e+02 : f32
    %div3A_62 = vector.broadcast %div3A_61 : f32 to vector<512x1xf32>
    %div3A_63 = arith.divf %broadcast_in_dim3A_60, %div3A_62 : vector<512x1xf32>
    %add3A_64 = arith.constant 9.99999974E-6 : f32
    %add3A_65 = vector.broadcast %add3A_64 : f32 to vector<512x1xf32>
    %add3A_66 = arith.addf %div3A_63, %add3A_65 : vector<512x1xf32>
    %rsqrt3A_67 = math.rsqrt %add3A_66 : vector<512x1xf32>
    %mul3A_68 = vector.broadcast %rsqrt3A_67 : vector<512x1xf32> to vector<512x256xf32>
    %mul3A_69 = arith.mulf %sub3A_56, %mul3A_68 : vector<512x256xf32>
    %mul3A_70 = vector.broadcast %get3A_13 : vector<1x256xf32> to vector<512x256xf32>
    %mul3A_71 = arith.mulf %mul3A_69, %mul3A_70 : vector<512x256xf32>
    %add3A_72 = vector.broadcast %get3A_16 : vector<1x256xf32> to vector<512x256xf32>
    %add3A_73 = arith.addf %mul3A_71, %add3A_72 : vector<512x256xf32>
    %get3A_74 = arith.constant 0 : index
    %get3A_75 = arith.constant 0 : index
    %get3A_76 = vector.load %arg7[%get3A_74, %get3A_75] : memref<256x256xf32, #tpu.memory_space<vmem>>, vector<256x256xf32>
    %convert_element_type3A_77 = arith.truncf %get3A_76 : vector<256x256xf32> to vector<256x256xbf16>
    %dot_general3A_78 = arith.constant dense<0.000000e+00> : vector<512x256xf32>
    %dot_general3A_79 = tpu.matmul %convert_element_type3A_17, %convert_element_type3A_77, %dot_general3A_78 {dimension_numbers = #tpu.dot_dimension_numbers<[1], [0], [0], [1], [0, 0, 1, 1], [], []>, transpose_lhs_hint = false} : vector<512x256xbf16>, vector<256x256xbf16>, vector<512x256xf32> -> vector<512x256xf32>
    %reduce_sum3A_80 = arith.constant dense<0.000000e+00> : vector<512xf32>
    %reduce_sum3A_81 = vector.multi_reduction <add>, %dot_general3A_79, %reduce_sum3A_80 [1] : vector<512x256xf32> to vector<512xf32>
    %broadcast_in_dim3A_82 = vector.shape_cast %reduce_sum3A_81 : vector<512xf32> to vector<512x1xf32>
    %div3A_83 = arith.constant 2.560000e+02 : f32
    %div3A_84 = vector.broadcast %div3A_83 : f32 to vector<512x1xf32>
    %div3A_85 = arith.divf %broadcast_in_dim3A_82, %div3A_84 : vector<512x1xf32>
    %sub3A_86 = vector.broadcast %div3A_85 : vector<512x1xf32> to vector<512x256xf32>
    %sub3A_87 = arith.subf %dot_general3A_79, %sub3A_86 : vector<512x256xf32>
    %mul3A_88 = arith.mulf %sub3A_87, %sub3A_87 : vector<512x256xf32>
    %reduce_sum3A_89 = arith.constant dense<0.000000e+00> : vector<512xf32>
    %reduce_sum3A_90 = vector.multi_reduction <add>, %mul3A_88, %reduce_sum3A_89 [1] : vector<512x256xf32> to vector<512xf32>
    %broadcast_in_dim3A_91 = vector.shape_cast %reduce_sum3A_90 : vector<512xf32> to vector<512x1xf32>
    %div3A_92 = arith.constant 2.560000e+02 : f32
    %div3A_93 = vector.broadcast %div3A_92 : f32 to vector<512x1xf32>
    %div3A_94 = arith.divf %broadcast_in_dim3A_91, %div3A_93 : vector<512x1xf32>
    %add3A_95 = arith.constant 9.99999974E-6 : f32
    %add3A_96 = vector.broadcast %add3A_95 : f32 to vector<512x1xf32>
    %add3A_97 = arith.addf %div3A_94, %add3A_96 : vector<512x1xf32>
    %rsqrt3A_98 = math.rsqrt %add3A_97 : vector<512x1xf32>
    %mul3A_99 = vector.broadcast %rsqrt3A_98 : vector<512x1xf32> to vector<512x256xf32>
    %mul3A_100 = arith.mulf %sub3A_87, %mul3A_99 : vector<512x256xf32>
    %mul3A_101 = vector.broadcast %get3A_13 : vector<1x256xf32> to vector<512x256xf32>
    %mul3A_102 = arith.mulf %mul3A_100, %mul3A_101 : vector<512x256xf32>
    %add3A_103 = vector.broadcast %get3A_16 : vector<1x256xf32> to vector<512x256xf32>
    %add3A_104 = arith.addf %mul3A_102, %add3A_103 : vector<512x256xf32>
    %get3A_105 = arith.constant 0 : index
    %get3A_106 = arith.constant 0 : index
    %get3A_107 = vector.load %arg8[%get3A_105, %get3A_106] : memref<256x256xf32, #tpu.memory_space<vmem>>, vector<256x256xf32>
    %convert_element_type3A_108 = arith.truncf %get3A_107 : vector<256x256xf32> to vector<256x256xbf16>
    %convert_element_type3A_109 = arith.truncf %add3A_42 : vector<512x256xf32> to vector<512x256xbf16>
    %dot_general3A_110 = arith.constant dense<0.000000e+00> : vector<512x256xf32>
    %dot_general3A_111 = tpu.matmul %convert_element_type3A_109, %convert_element_type3A_108, %dot_general3A_110 {dimension_numbers = #tpu.dot_dimension_numbers<[1], [0], [0], [1], [0, 0, 1, 1], [], []>, transpose_lhs_hint = false} : vector<512x256xbf16>, vector<256x256xbf16>, vector<512x256xf32> -> vector<512x256xf32>
    %convert_element_type3A_112 = arith.truncf %add3A_73 : vector<512x256xf32> to vector<512x256xbf16>
    %dot_general3A_113 = arith.constant dense<0.000000e+00> : vector<512x256xf32>
    %dot_general3A_114 = tpu.matmul %convert_element_type3A_112, %convert_element_type3A_108, %dot_general3A_113 {dimension_numbers = #tpu.dot_dimension_numbers<[1], [0], [0], [1], [0, 0, 1, 1], [], []>, transpose_lhs_hint = false} : vector<512x256xbf16>, vector<256x256xbf16>, vector<512x256xf32> -> vector<512x256xf32>
    %get3A_115 = arith.constant 0 : index
    %get3A_116 = arith.constant 0 : index
    %get3A_117 = vector.load %arg2[%get3A_115, %get3A_116] : memref<512x3xf32, #tpu.memory_space<vmem>>, vector<512x3xf32>
    %get3A_118 = arith.constant 0 : index
    %get3A_119 = arith.constant 0 : index
    %get3A_120 = vector.load %arg9[%get3A_118, %get3A_119] : memref<3x256xf32, #tpu.memory_space<vmem>>, vector<3x256xf32>
    %dot_general3A_121 = arith.constant dense<0.000000e+00> : vector<512x256xf32>
    %dot_general3A_122 = tpu.matmul %get3A_117, %get3A_120, %dot_general3A_121 {dimension_numbers = #tpu.dot_dimension_numbers<[1], [0], [0], [1], [0, 0, 1, 1], [], []>, transpose_lhs_hint = false} : vector<512x3xf32>, vector<3x256xf32>, vector<512x256xf32> -> vector<512x256xf32>
    %slice3A = vector.extract_strided_slice %dot_general3A_114 {offsets = [0, 0], sizes = [512, 128], strides = [1, 1]} : vector<512x256xf32> to vector<512x128xf32>
    %slice3A_123 = vector.extract_strided_slice %dot_general3A_114 {offsets = [0, 128], sizes = [512, 128], strides = [1, 1]} : vector<512x256xf32> to vector<512x128xf32>
    %bitcast_convert_type3A = tpu.bitcast %slice3A : vector<512x128xf32> -> vector<512x128xi32>
    %add3A_124 = arith.constant 32768 : i32
    %add3A_125 = vector.broadcast %add3A_124 : i32 to vector<512x128xi32>
    %add3A_126 = arith.addi %bitcast_convert_type3A, %add3A_125 : vector<512x128xi32>
    %bitcast_convert_type3A_127 = tpu.bitcast %slice3A_123 : vector<512x128xf32> -> vector<512x128xi32>
    %add3A_128 = arith.constant 32768 : i32
    %add3A_129 = vector.broadcast %add3A_128 : i32 to vector<512x128xi32>
    %add3A_130 = arith.addi %bitcast_convert_type3A_127, %add3A_129 : vector<512x128xi32>
    %and3A = arith.constant -65536 : i32
    %and3A_131 = vector.broadcast %and3A : i32 to vector<512x128xi32>
    %and3A_132 = arith.andi %add3A_126, %and3A_131 : vector<512x128xi32>
    %shift_right_arithmetic3A = arith.constant 16 : i32
    %shift_right_arithmetic3A_133 = vector.broadcast %shift_right_arithmetic3A : i32 to vector<512x128xi32>
    %shift_right_arithmetic3A_134 = arith.shrsi %add3A_130, %shift_right_arithmetic3A_133 : vector<512x128xi32>
    %and3A_135 = arith.constant 65535 : i32
    %and3A_136 = vector.broadcast %and3A_135 : i32 to vector<512x128xi32>
    %and3A_137 = arith.andi %shift_right_arithmetic3A_134, %and3A_136 : vector<512x128xi32>
    %or3A = arith.ori %and3A_132, %and3A_137 : vector<512x128xi32>
    %swap3A = arith.constant 0 : index
    %swap3A_138 = arith.constant 0 : index
    %swap3A_139 = vector.load %arg12[%swap3A, %swap3A_138] : memref<512x384xi32, #tpu.memory_space<vmem>>, vector<512x128xi32>
    tpu.vector_store %arg12[%swap3A, %swap3A_138], %or3A {strides = array<i32>} : memref<512x384xi32, #tpu.memory_space<vmem>>, vector<512x128xi32>,
    %slice3A_140 = vector.extract_strided_slice %add3A_104 {offsets = [0, 0], sizes = [512, 128], strides = [1, 1]} : vector<512x256xf32> to vector<512x128xf32>
    %slice3A_141 = vector.extract_strided_slice %add3A_104 {offsets = [0, 128], sizes = [512, 128], strides = [1, 1]} : vector<512x256xf32> to vector<512x128xf32>
    %bitcast_convert_type3A_142 = tpu.bitcast %slice3A_140 : vector<512x128xf32> -> vector<512x128xi32>
    %add3A_143 = arith.constant 32768 : i32
    %add3A_144 = vector.broadcast %add3A_143 : i32 to vector<512x128xi32>
    %add3A_145 = arith.addi %bitcast_convert_type3A_142, %add3A_144 : vector<512x128xi32>
    %bitcast_convert_type3A_146 = tpu.bitcast %slice3A_141 : vector<512x128xf32> -> vector<512x128xi32>
    %add3A_147 = arith.constant 32768 : i32
    %add3A_148 = vector.broadcast %add3A_147 : i32 to vector<512x128xi32>
    %add3A_149 = arith.addi %bitcast_convert_type3A_146, %add3A_148 : vector<512x128xi32>
    %and3A_150 = arith.constant -65536 : i32
    %and3A_151 = vector.broadcast %and3A_150 : i32 to vector<512x128xi32>
    %and3A_152 = arith.andi %add3A_145, %and3A_151 : vector<512x128xi32>
    %shift_right_arithmetic3A_153 = arith.constant 16 : i32
    %shift_right_arithmetic3A_154 = vector.broadcast %shift_right_arithmetic3A_153 : i32 to vector<512x128xi32>
    %shift_right_arithmetic3A_155 = arith.shrsi %add3A_149, %shift_right_arithmetic3A_154 : vector<512x128xi32>
    %and3A_156 = arith.constant 65535 : i32
    %and3A_157 = vector.broadcast %and3A_156 : i32 to vector<512x128xi32>
    %and3A_158 = arith.andi %shift_right_arithmetic3A_155, %and3A_157 : vector<512x128xi32>
    %or3A_159 = arith.ori %and3A_152, %and3A_158 : vector<512x128xi32>
    %swap3A_160 = arith.constant 0 : index
    %swap3A_161 = arith.constant 128 : index
    %swap3A_162 = vector.load %arg12[%swap3A_160, %swap3A_161] : memref<512x384xi32, #tpu.memory_space<vmem>>, vector<512x128xi32>
    tpu.vector_store %arg12[%swap3A_160, %swap3A_161], %or3A_159 {strides = array<i32>} : memref<512x384xi32, #tpu.memory_space<vmem>>, vector<512x128xi32>,
    %slice3A_163 = vector.extract_strided_slice %dot_general3A_122 {offsets = [0, 0], sizes = [512, 128], strides = [1, 1]} : vector<512x256xf32> to vector<512x128xf32>
    %slice3A_164 = vector.extract_strided_slice %dot_general3A_122 {offsets = [0, 128], sizes = [512, 128], strides = [1, 1]} : vector<512x256xf32> to vector<512x128xf32>
    %bitcast_convert_type3A_165 = tpu.bitcast %slice3A_163 : vector<512x128xf32> -> vector<512x128xi32>
    %add3A_166 = arith.constant 32768 : i32
    %add3A_167 = vector.broadcast %add3A_166 : i32 to vector<512x128xi32>
    %add3A_168 = arith.addi %bitcast_convert_type3A_165, %add3A_167 : vector<512x128xi32>
    %bitcast_convert_type3A_169 = tpu.bitcast %slice3A_164 : vector<512x128xf32> -> vector<512x128xi32>
    %add3A_170 = arith.constant 32768 : i32
    %add3A_171 = vector.broadcast %add3A_170 : i32 to vector<512x128xi32>
    %add3A_172 = arith.addi %bitcast_convert_type3A_169, %add3A_171 : vector<512x128xi32>
    %and3A_173 = arith.constant -65536 : i32
    %and3A_174 = vector.broadcast %and3A_173 : i32 to vector<512x128xi32>
    %and3A_175 = arith.andi %add3A_168, %and3A_174 : vector<512x128xi32>
    %shift_right_arithmetic3A_176 = arith.constant 16 : i32
    %shift_right_arithmetic3A_177 = vector.broadcast %shift_right_arithmetic3A_176 : i32 to vector<512x128xi32>
    %shift_right_arithmetic3A_178 = arith.shrsi %add3A_172, %shift_right_arithmetic3A_177 : vector<512x128xi32>
    %and3A_179 = arith.constant 65535 : i32
    %and3A_180 = vector.broadcast %and3A_179 : i32 to vector<512x128xi32>
    %and3A_181 = arith.andi %shift_right_arithmetic3A_178, %and3A_180 : vector<512x128xi32>
    %or3A_182 = arith.ori %and3A_175, %and3A_181 : vector<512x128xi32>
    %swap3A_183 = arith.constant 0 : index
    %swap3A_184 = arith.constant 256 : index
    %swap3A_185 = vector.load %arg12[%swap3A_183, %swap3A_184] : memref<512x384xi32, #tpu.memory_space<vmem>>, vector<512x128xi32>
    tpu.vector_store %arg12[%swap3A_183, %swap3A_184], %or3A_182 {strides = array<i32>} : memref<512x384xi32, #tpu.memory_space<vmem>>, vector<512x128xi32>,
    %swap3A_186 = arith.constant 0 : index
    %swap3A_187 = arith.constant 0 : index
    %swap3A_188 = vector.load %arg13[%swap3A_186, %swap3A_187] : memref<512x512xf32, #tpu.memory_space<vmem>>, vector<512x256xf32>
    tpu.vector_store %arg13[%swap3A_186, %swap3A_187], %dot_general3A_111 {strides = array<i32>} : memref<512x512xf32, #tpu.memory_space<vmem>>, vector<512x256xf32>,
    %swap3A_189 = arith.constant 0 : index
    %swap3A_190 = arith.constant 256 : index
    %swap3A_191 = vector.load %arg13[%swap3A_189, %swap3A_190] : memref<512x512xf32, #tpu.memory_space<vmem>>, vector<512x256xf32>
    tpu.vector_store %arg13[%swap3A_189, %swap3A_190], %dot_general3A_122 {strides = array<i32>} : memref<512x512xf32, #tpu.memory_space<vmem>>, vector<512x256xf32>,
    return
  }
  func.func @transform_0(%arg0: i32) -> (i32, i32) {
    %c0_i32 = arith.constant 0 : i32
    %c0_i32_0 = arith.constant 0 : i32
    return %arg0, %c0_i32 : i32, i32
  }
  func.func @transform_1(%arg0: i32) -> (i32, i32) {
    %c0_i32 = arith.constant 0 : i32
    %c0_i32_0 = arith.constant 0 : i32
    return %arg0, %c0_i32 : i32, i32
  }
  func.func @transform_2(%arg0: i32) -> (i32, i32) {
    %c0_i32 = arith.constant 0 : i32
    %c0_i32_0 = arith.constant 0 : i32
    %c0_i32_1 = arith.constant 0 : i32
    return %c0_i32, %c0_i32_0 : i32, i32
  }
  func.func @transform_3(%arg0: i32) -> (i32, i32) {
    %c0_i32 = arith.constant 0 : i32
    %c0_i32_0 = arith.constant 0 : i32
    %c0_i32_1 = arith.constant 0 : i32
    return %c0_i32, %c0_i32_0 : i32, i32
  }
  func.func @transform_4(%arg0: i32) -> (i32, i32) {
    %c0_i32 = arith.constant 0 : i32
    %c0_i32_0 = arith.constant 0 : i32
    %c0_i32_1 = arith.constant 0 : i32
    return %c0_i32, %c0_i32_0 : i32, i32
  }
  func.func @transform_5(%arg0: i32) -> (i32, i32) {
    %c0_i32 = arith.constant 0 : i32
    %c0_i32_0 = arith.constant 0 : i32
    %c0_i32_1 = arith.constant 0 : i32
    return %c0_i32, %c0_i32_0 : i32, i32
  }
  func.func @transform_6(%arg0: i32) -> (i32, i32) {
    %c0_i32 = arith.constant 0 : i32
    %c0_i32_0 = arith.constant 0 : i32
    %c0_i32_1 = arith.constant 0 : i32
    return %c0_i32, %c0_i32_0 : i32, i32
  }
  func.func @transform_7(%arg0: i32) -> (i32, i32) {
    %c0_i32 = arith.constant 0 : i32
    %c0_i32_0 = arith.constant 0 : i32
    %c0_i32_1 = arith.constant 0 : i32
    return %c0_i32, %c0_i32_0 : i32, i32
  }
  func.func @transform_8(%arg0: i32) -> (i32, i32) {
    %c0_i32 = arith.constant 0 : i32
    %c0_i32_0 = arith.constant 0 : i32
    %c0_i32_1 = arith.constant 0 : i32
    return %c0_i32, %c0_i32_0 : i32, i32
  }
  func.func @transform_9(%arg0: i32) -> (i32, i32) {
    %c0_i32 = arith.constant 0 : i32
    %c0_i32_0 = arith.constant 0 : i32
    %c0_i32_1 = arith.constant 0 : i32
    return %c0_i32, %c0_i32_0 : i32, i32
  }
  func.func @transform_10(%arg0: i32) -> (i32, i32) {
    %c0_i32 = arith.constant 0 : i32
    %c0_i32_0 = arith.constant 0 : i32
    %c0_i32_1 = arith.constant 0 : i32
    return %c0_i32, %c0_i32_0 : i32, i32
  }
  func.func @transform_11(%arg0: i32) -> (i32, i32) {
    %c0_i32 = arith.constant 0 : i32
    %c0_i32_0 = arith.constant 0 : i32
    return %arg0, %c0_i32 : i32, i32
  }
  func.func @transform_12(%arg0: i32) -> (i32, i32) {
    %c0_i32 = arith.constant 0 : i32
    %c0_i32_0 = arith.constant 0 : i32
    return %arg0, %c0_i32 : i32, i32
  }
}

module attributes {stable_mosaic.version = 14 : i64} {
  func.func @_fold_body(%arg0: memref<256x256xf32, #tpu.memory_space<vmem>>, %arg1: memref<256x256xf32, #tpu.memory_space<vmem>>, %arg2: memref<256x256xf32, #tpu.memory_space<vmem>>) attributes {dimension_semantics = [], scalar_prefetch = 0 : i64, scratch_operands = 0 : i64, tpu.core_type = #tpu.core_type<tc>} {
    %get3A = arith.constant 0 : index
    %get3A_0 = arith.constant 0 : index
    %get3A_1 = vector.load %arg0[%get3A, %get3A_0] : memref<256x256xf32, #tpu.memory_space<vmem>>, vector<256x256xf32>
    %get3A_2 = arith.constant 0 : index
    %get3A_3 = arith.constant 0 : index
    %get3A_4 = vector.load %arg1[%get3A_2, %get3A_3] : memref<256x256xf32, #tpu.memory_space<vmem>>, vector<256x256xf32>
    %dot_general3A = arith.constant dense<0.000000e+00> : vector<256x256xf32>
    %dot_general3A_5 = tpu.matmul %get3A_1, %get3A_4, %dot_general3A {dimension_numbers = #tpu.dot_dimension_numbers<[1], [0], [0], [1], [0, 0, 1, 1], [], []>, transpose_lhs_hint = false} : vector<256x256xf32>, vector<256x256xf32>, vector<256x256xf32> -> vector<256x256xf32>
    %swap3A = arith.constant 0 : index
    %swap3A_6 = arith.constant 0 : index
    %swap3A_7 = vector.load %arg2[%swap3A, %swap3A_6] : memref<256x256xf32, #tpu.memory_space<vmem>>, vector<256x256xf32>
    tpu.vector_store %arg2[%swap3A, %swap3A_6], %dot_general3A_5 {strides = array<i32>} : memref<256x256xf32, #tpu.memory_space<vmem>>, vector<256x256xf32>,
    return
  }
}

module attributes {stable_mosaic.version = 14 : i64} {
  func.func @_attn_body(%arg0: i32, %arg1: memref<256x128xf32, #tpu.memory_space<vmem>>, %arg2: memref<4096x384xi32, #tpu.memory_space<vmem>>, %arg3: memref<256x512xf32, #tpu.memory_space<vmem>>, %arg4: memref<256x256xf32, #tpu.memory_space<vmem>>, %arg5: memref<256x256xf32, #tpu.memory_space<vmem>>, %arg6: memref<256x256xf32, #tpu.memory_space<vmem>>, %arg7: memref<256x256xf32, #tpu.memory_space<vmem>>, %arg8: memref<256x128xf32, #tpu.memory_space<vmem>>, %arg9: memref<1x128xf32, #tpu.memory_space<vmem>>, %arg10: memref<1x256xf32, #tpu.memory_space<vmem>>, %arg11: memref<1x256xf32, #tpu.memory_space<vmem>>, %arg12: memref<1x128xf32, #tpu.memory_space<vmem>>, %arg13: memref<1x128xf32, #tpu.memory_space<vmem>>, %arg14: memref<256x128xf32, #tpu.memory_space<vmem>>) attributes {dimension_semantics = [#tpu.dimension_semantics<arbitrary>], iteration_bounds = array<i64: 8>, scalar_prefetch = 0 : i64, scratch_operands = 0 : i64, tpu.core_type = #tpu.core_type<tc>, window_params = [{transform_indices = @transform_0, window_bounds = array<i64: 256, 128>}, {transform_indices = @transform_1, window_bounds = array<i64: 4096, 384>}, {transform_indices = @transform_2, window_bounds = array<i64: 256, 512>}, {pipeline_mode = #tpu.pipeline_mode<synchronous>, transform_indices = @transform_3, window_bounds = array<i64: 256, 256>}, {pipeline_mode = #tpu.pipeline_mode<synchronous>, transform_indices = @transform_4, window_bounds = array<i64: 256, 256>}, {pipeline_mode = #tpu.pipeline_mode<synchronous>, transform_indices = @transform_5, window_bounds = array<i64: 256, 256>}, {pipeline_mode = #tpu.pipeline_mode<synchronous>, transform_indices = @transform_6, window_bounds = array<i64: 256, 256>}, {pipeline_mode = #tpu.pipeline_mode<synchronous>, transform_indices = @transform_7, window_bounds = array<i64: 256, 128>}, {pipeline_mode = #tpu.pipeline_mode<synchronous>, transform_indices = @transform_8, window_bounds = array<i64: 1, 128>}, {pipeline_mode = #tpu.pipeline_mode<synchronous>, transform_indices = @transform_9, window_bounds = array<i64: 1, 256>}, {pipeline_mode = #tpu.pipeline_mode<synchronous>, transform_indices = @transform_10, window_bounds = array<i64: 1, 256>}, {pipeline_mode = #tpu.pipeline_mode<synchronous>, transform_indices = @transform_11, window_bounds = array<i64: 1, 128>}, {pipeline_mode = #tpu.pipeline_mode<synchronous>, transform_indices = @transform_12, window_bounds = array<i64: 1, 128>}, {transform_indices = @transform_13, window_bounds = array<i64: 256, 128>}]} {
    %get3A = arith.constant 0 : index
    %get3A_0 = arith.constant 0 : index
    %get3A_1 = vector.load %arg3[%get3A, %get3A_0] : memref<256x512xf32, #tpu.memory_space<vmem>>, vector<256x512xf32>
    %get3A_2 = arith.constant 0 : index
    %get3A_3 = arith.constant 0 : index
    %get3A_4 = vector.load %arg2[%get3A_2, %get3A_3] : memref<4096x384xi32, #tpu.memory_space<vmem>>, vector<4096x384xi32>
    %slice3A = vector.extract_strided_slice %get3A_4 {offsets = [0, 0], sizes = [4096, 128], strides = [1, 1]} : vector<4096x384xi32> to vector<4096x128xi32>
    %and3A = arith.constant -65536 : i32
    %and3A_5 = vector.broadcast %and3A : i32 to vector<4096x128xi32>
    %and3A_6 = arith.andi %slice3A, %and3A_5 : vector<4096x128xi32>
    %bitcast_convert_type3A = tpu.bitcast %and3A_6 : vector<4096x128xi32> -> vector<4096x128xf32>
    %shift_left3A = arith.constant 16 : i32
    %shift_left3A_7 = vector.broadcast %shift_left3A : i32 to vector<4096x128xi32>
    %shift_left3A_8 = arith.shli %slice3A, %shift_left3A_7 : vector<4096x128xi32>
    %bitcast_convert_type3A_9 = tpu.bitcast %shift_left3A_8 : vector<4096x128xi32> -> vector<4096x128xf32>
    %slice3A_10 = vector.extract_strided_slice %get3A_4 {offsets = [0, 128], sizes = [4096, 128], strides = [1, 1]} : vector<4096x384xi32> to vector<4096x128xi32>
    %and3A_11 = arith.constant -65536 : i32
    %and3A_12 = vector.broadcast %and3A_11 : i32 to vector<4096x128xi32>
    %and3A_13 = arith.andi %slice3A_10, %and3A_12 : vector<4096x128xi32>
    %bitcast_convert_type3A_14 = tpu.bitcast %and3A_13 : vector<4096x128xi32> -> vector<4096x128xf32>
    %shift_left3A_15 = arith.constant 16 : i32
    %shift_left3A_16 = vector.broadcast %shift_left3A_15 : i32 to vector<4096x128xi32>
    %shift_left3A_17 = arith.shli %slice3A_10, %shift_left3A_16 : vector<4096x128xi32>
    %bitcast_convert_type3A_18 = tpu.bitcast %shift_left3A_17 : vector<4096x128xi32> -> vector<4096x128xf32>
    %slice3A_19 = vector.extract_strided_slice %get3A_4 {offsets = [0, 256], sizes = [4096, 128], strides = [1, 1]} : vector<4096x384xi32> to vector<4096x128xi32>
    %and3A_20 = arith.constant -65536 : i32
    %and3A_21 = vector.broadcast %and3A_20 : i32 to vector<4096x128xi32>
    %and3A_22 = arith.andi %slice3A_19, %and3A_21 : vector<4096x128xi32>
    %bitcast_convert_type3A_23 = tpu.bitcast %and3A_22 : vector<4096x128xi32> -> vector<4096x128xf32>
    %shift_left3A_24 = arith.constant 16 : i32
    %shift_left3A_25 = vector.broadcast %shift_left3A_24 : i32 to vector<4096x128xi32>
    %shift_left3A_26 = arith.shli %slice3A_19, %shift_left3A_25 : vector<4096x128xi32>
    %bitcast_convert_type3A_27 = tpu.bitcast %shift_left3A_26 : vector<4096x128xi32> -> vector<4096x128xf32>
    %slice3A_28 = vector.extract_strided_slice %get3A_1 {offsets = [0, 256], sizes = [256, 128], strides = [1, 1]} : vector<256x512xf32> to vector<256x128xf32>
    %broadcast_in_dim3A = vector.shape_cast %slice3A_28 : vector<256x128xf32> to vector<256x1x128xf32>
    %broadcast_in_dim3A_29 = vector.shape_cast %broadcast_in_dim3A : vector<256x1x128xf32> to vector<256x1x128xf32>
    %broadcast_in_dim3A_30 = vector.broadcast %broadcast_in_dim3A_29 : vector<256x1x128xf32> to vector<256x16x128xf32>
    %reshape3A = vector.shape_cast %broadcast_in_dim3A_30 : vector<256x16x128xf32> to vector<4096x128xf32>
    %sub3A = arith.subf %reshape3A, %bitcast_convert_type3A_23 : vector<4096x128xf32>
    %max3A = arith.constant 0.000000e+00 : f32
    %max3A_31 = vector.broadcast %max3A : f32 to vector<4096x128xf32>
    %max3A_32 = arith.maximumf %sub3A, %max3A_31 : vector<4096x128xf32>
    %convert_element_type3A = arith.truncf %max3A_32 : vector<4096x128xf32> to vector<4096x128xbf16>
    %slice3A_33 = vector.extract_strided_slice %get3A_1 {offsets = [0, 384], sizes = [256, 128], strides = [1, 1]} : vector<256x512xf32> to vector<256x128xf32>
    %broadcast_in_dim3A_34 = vector.shape_cast %slice3A_33 : vector<256x128xf32> to vector<256x1x128xf32>
    %broadcast_in_dim3A_35 = vector.shape_cast %broadcast_in_dim3A_34 : vector<256x1x128xf32> to vector<256x1x128xf32>
    %broadcast_in_dim3A_36 = vector.broadcast %broadcast_in_dim3A_35 : vector<256x1x128xf32> to vector<256x16x128xf32>
    %reshape3A_37 = vector.shape_cast %broadcast_in_dim3A_36 : vector<256x16x128xf32> to vector<4096x128xf32>
    %sub3A_38 = arith.subf %reshape3A_37, %bitcast_convert_type3A_27 : vector<4096x128xf32>
    %max3A_39 = arith.constant 0.000000e+00 : f32
    %max3A_40 = vector.broadcast %max3A_39 : f32 to vector<4096x128xf32>
    %max3A_41 = arith.maximumf %sub3A_38, %max3A_40 : vector<4096x128xf32>
    %convert_element_type3A_42 = arith.truncf %max3A_41 : vector<4096x128xf32> to vector<4096x128xbf16>
    %get3A_43 = arith.constant 0 : index
    %get3A_44 = arith.constant 0 : index
    %get3A_45 = vector.load %arg4[%get3A_43, %get3A_44] : memref<256x256xf32, #tpu.memory_space<vmem>>, vector<256x256xf32>
    %convert_element_type3A_46 = arith.truncf %get3A_45 : vector<256x256xf32> to vector<256x256xbf16>
    %get3A_47 = arith.constant 0 : index
    %get3A_48 = arith.constant 0 : index
    %get3A_49 = vector.load %arg5[%get3A_47, %get3A_48] : memref<256x256xf32, #tpu.memory_space<vmem>>, vector<256x256xf32>
    %convert_element_type3A_50 = arith.truncf %get3A_49 : vector<256x256xf32> to vector<256x256xbf16>
    %slice3A_51 = vector.extract_strided_slice %convert_element_type3A_46 {offsets = [0, 0], sizes = [128, 128], strides = [1, 1]} : vector<256x256xbf16> to vector<128x128xbf16>
    %dot_general3A = arith.constant dense<0.000000e+00> : vector<4096x128xf32>
    %dot_general3A_52 = tpu.matmul %convert_element_type3A, %slice3A_51, %dot_general3A {dimension_numbers = #tpu.dot_dimension_numbers<[1], [0], [0], [1], [0, 0, 1, 1], [], []>, transpose_lhs_hint = false} : vector<4096x128xbf16>, vector<128x128xbf16>, vector<4096x128xf32> -> vector<4096x128xf32>
    %slice3A_53 = vector.extract_strided_slice %convert_element_type3A_46 {offsets = [128, 0], sizes = [128, 128], strides = [1, 1]} : vector<256x256xbf16> to vector<128x128xbf16>
    %dot_general3A_54 = arith.constant dense<0.000000e+00> : vector<4096x128xf32>
    %dot_general3A_55 = tpu.matmul %convert_element_type3A_42, %slice3A_53, %dot_general3A_54 {dimension_numbers = #tpu.dot_dimension_numbers<[1], [0], [0], [1], [0, 0, 1, 1], [], []>, transpose_lhs_hint = false} : vector<4096x128xbf16>, vector<128x128xbf16>, vector<4096x128xf32> -> vector<4096x128xf32>
    %add3A = arith.addf %dot_general3A_52, %dot_general3A_55 : vector<4096x128xf32>
    %slice3A_56 = vector.extract_strided_slice %convert_element_type3A_50 {offsets = [0, 0], sizes = [128, 128], strides = [1, 1]} : vector<256x256xbf16> to vector<128x128xbf16>
    %dot_general3A_57 = arith.constant dense<0.000000e+00> : vector<4096x128xf32>
    %dot_general3A_58 = tpu.matmul %convert_element_type3A, %slice3A_56, %dot_general3A_57 {dimension_numbers = #tpu.dot_dimension_numbers<[1], [0], [0], [1], [0, 0, 1, 1], [], []>, transpose_lhs_hint = false} : vector<4096x128xbf16>, vector<128x128xbf16>, vector<4096x128xf32> -> vector<4096x128xf32>
    %slice3A_59 = vector.extract_strided_slice %convert_element_type3A_50 {offsets = [128, 0], sizes = [128, 128], strides = [1, 1]} : vector<256x256xbf16> to vector<128x128xbf16>
    %dot_general3A_60 = arith.constant dense<0.000000e+00> : vector<4096x128xf32>
    %dot_general3A_61 = tpu.matmul %convert_element_type3A_42, %slice3A_59, %dot_general3A_60 {dimension_numbers = #tpu.dot_dimension_numbers<[1], [0], [0], [1], [0, 0, 1, 1], [], []>, transpose_lhs_hint = false} : vector<4096x128xbf16>, vector<128x128xbf16>, vector<4096x128xf32> -> vector<4096x128xf32>
    %add3A_62 = arith.addf %dot_general3A_58, %dot_general3A_61 : vector<4096x128xf32>
    %slice3A_63 = vector.extract_strided_slice %convert_element_type3A_46 {offsets = [0, 128], sizes = [128, 128], strides = [1, 1]} : vector<256x256xbf16> to vector<128x128xbf16>
    %dot_general3A_64 = arith.constant dense<0.000000e+00> : vector<4096x128xf32>
    %dot_general3A_65 = tpu.matmul %convert_element_type3A, %slice3A_63, %dot_general3A_64 {dimension_numbers = #tpu.dot_dimension_numbers<[1], [0], [0], [1], [0, 0, 1, 1], [], []>, transpose_lhs_hint = false} : vector<4096x128xbf16>, vector<128x128xbf16>, vector<4096x128xf32> -> vector<4096x128xf32>
    %slice3A_66 = vector.extract_strided_slice %convert_element_type3A_46 {offsets = [128, 128], sizes = [128, 128], strides = [1, 1]} : vector<256x256xbf16> to vector<128x128xbf16>
    %dot_general3A_67 = arith.constant dense<0.000000e+00> : vector<4096x128xf32>
    %dot_general3A_68 = tpu.matmul %convert_element_type3A_42, %slice3A_66, %dot_general3A_67 {dimension_numbers = #tpu.dot_dimension_numbers<[1], [0], [0], [1], [0, 0, 1, 1], [], []>, transpose_lhs_hint = false} : vector<4096x128xbf16>, vector<128x128xbf16>, vector<4096x128xf32> -> vector<4096x128xf32>
    %add3A_69 = arith.addf %dot_general3A_65, %dot_general3A_68 : vector<4096x128xf32>
    %slice3A_70 = vector.extract_strided_slice %convert_element_type3A_50 {offsets = [0, 128], sizes = [128, 128], strides = [1, 1]} : vector<256x256xbf16> to vector<128x128xbf16>
    %dot_general3A_71 = arith.constant dense<0.000000e+00> : vector<4096x128xf32>
    %dot_general3A_72 = tpu.matmul %convert_element_type3A, %slice3A_70, %dot_general3A_71 {dimension_numbers = #tpu.dot_dimension_numbers<[1], [0], [0], [1], [0, 0, 1, 1], [], []>, transpose_lhs_hint = false} : vector<4096x128xbf16>, vector<128x128xbf16>, vector<4096x128xf32> -> vector<4096x128xf32>
    %slice3A_73 = vector.extract_strided_slice %convert_element_type3A_50 {offsets = [128, 128], sizes = [128, 128], strides = [1, 1]} : vector<256x256xbf16> to vector<128x128xbf16>
    %dot_general3A_74 = arith.constant dense<0.000000e+00> : vector<4096x128xf32>
    %dot_general3A_75 = tpu.matmul %convert_element_type3A_42, %slice3A_73, %dot_general3A_74 {dimension_numbers = #tpu.dot_dimension_numbers<[1], [0], [0], [1], [0, 0, 1, 1], [], []>, transpose_lhs_hint = false} : vector<4096x128xbf16>, vector<128x128xbf16>, vector<4096x128xf32> -> vector<4096x128xf32>
    %add3A_76 = arith.addf %dot_general3A_72, %dot_general3A_75 : vector<4096x128xf32>
    %slice3A_77 = vector.extract_strided_slice %get3A_1 {offsets = [0, 0], sizes = [256, 128], strides = [1, 1]} : vector<256x512xf32> to vector<256x128xf32>
    %broadcast_in_dim3A_78 = vector.shape_cast %slice3A_77 : vector<256x128xf32> to vector<256x1x128xf32>
    %broadcast_in_dim3A_79 = vector.shape_cast %broadcast_in_dim3A_78 : vector<256x1x128xf32> to vector<256x1x128xf32>
    %broadcast_in_dim3A_80 = vector.broadcast %broadcast_in_dim3A_79 : vector<256x1x128xf32> to vector<256x16x128xf32>
    %reshape3A_81 = vector.shape_cast %broadcast_in_dim3A_80 : vector<256x16x128xf32> to vector<4096x128xf32>
    %sub3A_82 = arith.subf %reshape3A_81, %bitcast_convert_type3A : vector<4096x128xf32>
    %add3A_83 = arith.addf %sub3A_82, %add3A_62 : vector<4096x128xf32>
    %max3A_84 = arith.constant 0.000000e+00 : f32
    %max3A_85 = vector.broadcast %max3A_84 : f32 to vector<4096x128xf32>
    %max3A_86 = arith.maximumf %add3A_83, %max3A_85 : vector<4096x128xf32>
    %convert_element_type3A_87 = arith.truncf %max3A_86 : vector<4096x128xf32> to vector<4096x128xbf16>
    %slice3A_88 = vector.extract_strided_slice %get3A_1 {offsets = [0, 128], sizes = [256, 128], strides = [1, 1]} : vector<256x512xf32> to vector<256x128xf32>
    %broadcast_in_dim3A_89 = vector.shape_cast %slice3A_88 : vector<256x128xf32> to vector<256x1x128xf32>
    %broadcast_in_dim3A_90 = vector.shape_cast %broadcast_in_dim3A_89 : vector<256x1x128xf32> to vector<256x1x128xf32>
    %broadcast_in_dim3A_91 = vector.broadcast %broadcast_in_dim3A_90 : vector<256x1x128xf32> to vector<256x16x128xf32>
    %reshape3A_92 = vector.shape_cast %broadcast_in_dim3A_91 : vector<256x16x128xf32> to vector<4096x128xf32>
    %sub3A_93 = arith.subf %reshape3A_92, %bitcast_convert_type3A_9 : vector<4096x128xf32>
    %add3A_94 = arith.addf %sub3A_93, %add3A_76 : vector<4096x128xf32>
    %max3A_95 = arith.constant 0.000000e+00 : f32
    %max3A_96 = vector.broadcast %max3A_95 : f32 to vector<4096x128xf32>
    %max3A_97 = arith.maximumf %add3A_94, %max3A_96 : vector<4096x128xf32>
    %convert_element_type3A_98 = arith.truncf %max3A_97 : vector<4096x128xf32> to vector<4096x128xbf16>
    %get3A_99 = arith.constant 0 : index
    %get3A_100 = arith.constant 0 : index
    %get3A_101 = vector.load %arg6[%get3A_99, %get3A_100] : memref<256x256xf32, #tpu.memory_space<vmem>>, vector<256x256xf32>
    %convert_element_type3A_102 = arith.truncf %get3A_101 : vector<256x256xf32> to vector<256x256xbf16>
    %slice3A_103 = vector.extract_strided_slice %convert_element_type3A_102 {offsets = [0, 0], sizes = [128, 128], strides = [1, 1]} : vector<256x256xbf16> to vector<128x128xbf16>
    %dot_general3A_104 = arith.constant dense<0.000000e+00> : vector<4096x128xf32>
    %dot_general3A_105 = tpu.matmul %convert_element_type3A_87, %slice3A_103, %dot_general3A_104 {dimension_numbers = #tpu.dot_dimension_numbers<[1], [0], [0], [1], [0, 0, 1, 1], [], []>, transpose_lhs_hint = false} : vector<4096x128xbf16>, vector<128x128xbf16>, vector<4096x128xf32> -> vector<4096x128xf32>
    %slice3A_106 = vector.extract_strided_slice %convert_element_type3A_102 {offsets = [128, 0], sizes = [128, 128], strides = [1, 1]} : vector<256x256xbf16> to vector<128x128xbf16>
    %dot_general3A_107 = arith.constant dense<0.000000e+00> : vector<4096x128xf32>
    %dot_general3A_108 = tpu.matmul %convert_element_type3A_98, %slice3A_106, %dot_general3A_107 {dimension_numbers = #tpu.dot_dimension_numbers<[1], [0], [0], [1], [0, 0, 1, 1], [], []>, transpose_lhs_hint = false} : vector<4096x128xbf16>, vector<128x128xbf16>, vector<4096x128xf32> -> vector<4096x128xf32>
    %add3A_109 = arith.addf %dot_general3A_105, %dot_general3A_108 : vector<4096x128xf32>
    %mul3A = arith.constant 6.250000e-02 : f32
    %mul3A_110 = vector.broadcast %mul3A : f32 to vector<4096x128xf32>
    %mul3A_111 = arith.mulf %add3A_109, %mul3A_110 : vector<4096x128xf32>
    %exp3A = math.exp %mul3A_111 : vector<4096x128xf32>
    %reshape3A_112 = vector.shape_cast %exp3A : vector<4096x128xf32> to vector<256x16x128xf32>
    %reduce_sum3A = arith.constant dense<0.000000e+00> : vector<256x128xf32>
    %reduce_sum3A_113 = vector.multi_reduction <add>, %reshape3A_112, %reduce_sum3A [1] : vector<256x16x128xf32> to vector<256x128xf32>
    %add3A_114 = arith.addf %bitcast_convert_type3A_14, %add3A : vector<4096x128xf32>
    %reshape3A_115 = vector.shape_cast %add3A_114 : vector<4096x128xf32> to vector<256x16x128xf32>
    %mul3A_116 = arith.mulf %reshape3A_112, %reshape3A_115 : vector<256x16x128xf32>
    %reduce_sum3A_117 = arith.constant dense<0.000000e+00> : vector<256x128xf32>
    %reduce_sum3A_118 = vector.multi_reduction <add>, %mul3A_116, %reduce_sum3A_117 [1] : vector<256x16x128xf32> to vector<256x128xf32>
    %div3A = arith.divf %reduce_sum3A_118, %reduce_sum3A_113 : vector<256x128xf32>
    %slice3A_119 = vector.extract_strided_slice %convert_element_type3A_102 {offsets = [0, 128], sizes = [128, 128], strides = [1, 1]} : vector<256x256xbf16> to vector<128x128xbf16>
    %dot_general3A_120 = arith.constant dense<0.000000e+00> : vector<4096x128xf32>
    %dot_general3A_121 = tpu.matmul %convert_element_type3A_87, %slice3A_119, %dot_general3A_120 {dimension_numbers = #tpu.dot_dimension_numbers<[1], [0], [0], [1], [0, 0, 1, 1], [], []>, transpose_lhs_hint = false} : vector<4096x128xbf16>, vector<128x128xbf16>, vector<4096x128xf32> -> vector<4096x128xf32>
    %slice3A_122 = vector.extract_strided_slice %convert_element_type3A_102 {offsets = [128, 128], sizes = [128, 128], strides = [1, 1]} : vector<256x256xbf16> to vector<128x128xbf16>
    %dot_general3A_123 = arith.constant dense<0.000000e+00> : vector<4096x128xf32>
    %dot_general3A_124 = tpu.matmul %convert_element_type3A_98, %slice3A_122, %dot_general3A_123 {dimension_numbers = #tpu.dot_dimension_numbers<[1], [0], [0], [1], [0, 0, 1, 1], [], []>, transpose_lhs_hint = false} : vector<4096x128xbf16>, vector<128x128xbf16>, vector<4096x128xf32> -> vector<4096x128xf32>
    %add3A_125 = arith.addf %dot_general3A_121, %dot_general3A_124 : vector<4096x128xf32>
    %mul3A_126 = arith.constant 6.250000e-02 : f32
    %mul3A_127 = vector.broadcast %mul3A_126 : f32 to vector<4096x128xf32>
    %mul3A_128 = arith.mulf %add3A_125, %mul3A_127 : vector<4096x128xf32>
    %exp3A_129 = math.exp %mul3A_128 : vector<4096x128xf32>
    %reshape3A_130 = vector.shape_cast %exp3A_129 : vector<4096x128xf32> to vector<256x16x128xf32>
    %reduce_sum3A_131 = arith.constant dense<0.000000e+00> : vector<256x128xf32>
    %reduce_sum3A_132 = vector.multi_reduction <add>, %reshape3A_130, %reduce_sum3A_131 [1] : vector<256x16x128xf32> to vector<256x128xf32>
    %add3A_133 = arith.addf %bitcast_convert_type3A_18, %add3A_69 : vector<4096x128xf32>
    %reshape3A_134 = vector.shape_cast %add3A_133 : vector<4096x128xf32> to vector<256x16x128xf32>
    %mul3A_135 = arith.mulf %reshape3A_130, %reshape3A_134 : vector<256x16x128xf32>
    %reduce_sum3A_136 = arith.constant dense<0.000000e+00> : vector<256x128xf32>
    %reduce_sum3A_137 = vector.multi_reduction <add>, %mul3A_135, %reduce_sum3A_136 [1] : vector<256x16x128xf32> to vector<256x128xf32>
    %div3A_138 = arith.divf %reduce_sum3A_137, %reduce_sum3A_132 : vector<256x128xf32>
    %get3A_139 = arith.constant 0 : index
    %get3A_140 = arith.constant 0 : index
    %get3A_141 = vector.load %arg7[%get3A_139, %get3A_140] : memref<256x256xf32, #tpu.memory_space<vmem>>, vector<256x256xf32>
    %slice3A_142 = vector.extract_strided_slice %get3A_141 {offsets = [0, 0], sizes = [128, 256], strides = [1, 1]} : vector<256x256xf32> to vector<128x256xf32>
    %dot_general3A_143 = arith.constant dense<0.000000e+00> : vector<256x256xf32>
    %dot_general3A_144 = tpu.matmul %div3A, %slice3A_142, %dot_general3A_143 {dimension_numbers = #tpu.dot_dimension_numbers<[1], [0], [0], [1], [0, 0, 1, 1], [], []>, transpose_lhs_hint = false} : vector<256x128xf32>, vector<128x256xf32>, vector<256x256xf32> -> vector<256x256xf32>
    %slice3A_145 = vector.extract_strided_slice %get3A_141 {offsets = [128, 0], sizes = [128, 256], strides = [1, 1]} : vector<256x256xf32> to vector<128x256xf32>
    %dot_general3A_146 = arith.constant dense<0.000000e+00> : vector<256x256xf32>
    %dot_general3A_147 = tpu.matmul %div3A_138, %slice3A_145, %dot_general3A_146 {dimension_numbers = #tpu.dot_dimension_numbers<[1], [0], [0], [1], [0, 0, 1, 1], [], []>, transpose_lhs_hint = false} : vector<256x128xf32>, vector<128x256xf32>, vector<256x256xf32> -> vector<256x256xf32>
    %add3A_148 = arith.addf %dot_general3A_144, %dot_general3A_147 : vector<256x256xf32>
    %get3A_149 = arith.constant 0 : index
    %get3A_150 = arith.constant 0 : index
    %get3A_151 = vector.load %arg10[%get3A_149, %get3A_150] : memref<1x256xf32, #tpu.memory_space<vmem>>, vector<1x256xf32>
    %get3A_152 = arith.constant 0 : index
    %get3A_153 = arith.constant 0 : index
    %get3A_154 = vector.load %arg11[%get3A_152, %get3A_153] : memref<1x256xf32, #tpu.memory_space<vmem>>, vector<1x256xf32>
    %reduce_sum3A_155 = arith.constant dense<0.000000e+00> : vector<256xf32>
    %reduce_sum3A_156 = vector.multi_reduction <add>, %add3A_148, %reduce_sum3A_155 [1] : vector<256x256xf32> to vector<256xf32>
    %broadcast_in_dim3A_157 = vector.shape_cast %reduce_sum3A_156 : vector<256xf32> to vector<256x1xf32>
    %div3A_158 = arith.constant 2.560000e+02 : f32
    %div3A_159 = vector.broadcast %div3A_158 : f32 to vector<256x1xf32>
    %div3A_160 = arith.divf %broadcast_in_dim3A_157, %div3A_159 : vector<256x1xf32>
    %sub3A_161 = vector.broadcast %div3A_160 : vector<256x1xf32> to vector<256x256xf32>
    %sub3A_162 = arith.subf %add3A_148, %sub3A_161 : vector<256x256xf32>
    %mul3A_163 = arith.mulf %sub3A_162, %sub3A_162 : vector<256x256xf32>
    %reduce_sum3A_164 = arith.constant dense<0.000000e+00> : vector<256xf32>
    %reduce_sum3A_165 = vector.multi_reduction <add>, %mul3A_163, %reduce_sum3A_164 [1] : vector<256x256xf32> to vector<256xf32>
    %broadcast_in_dim3A_166 = vector.shape_cast %reduce_sum3A_165 : vector<256xf32> to vector<256x1xf32>
    %div3A_167 = arith.constant 2.560000e+02 : f32
    %div3A_168 = vector.broadcast %div3A_167 : f32 to vector<256x1xf32>
    %div3A_169 = arith.divf %broadcast_in_dim3A_166, %div3A_168 : vector<256x1xf32>
    %add3A_170 = arith.constant 9.99999974E-6 : f32
    %add3A_171 = vector.broadcast %add3A_170 : f32 to vector<256x1xf32>
    %add3A_172 = arith.addf %div3A_169, %add3A_171 : vector<256x1xf32>
    %rsqrt3A = math.rsqrt %add3A_172 : vector<256x1xf32>
    %mul3A_173 = vector.broadcast %rsqrt3A : vector<256x1xf32> to vector<256x256xf32>
    %mul3A_174 = arith.mulf %sub3A_162, %mul3A_173 : vector<256x256xf32>
    %mul3A_175 = vector.broadcast %get3A_151 : vector<1x256xf32> to vector<256x256xf32>
    %mul3A_176 = arith.mulf %mul3A_174, %mul3A_175 : vector<256x256xf32>
    %add3A_177 = vector.broadcast %get3A_154 : vector<1x256xf32> to vector<256x256xf32>
    %add3A_178 = arith.addf %mul3A_176, %add3A_177 : vector<256x256xf32>
    %get3A_179 = arith.constant 0 : index
    %get3A_180 = arith.constant 0 : index
    %get3A_181 = vector.load %arg8[%get3A_179, %get3A_180] : memref<256x128xf32, #tpu.memory_space<vmem>>, vector<256x128xf32>
    %dot_general3A_182 = arith.constant dense<0.000000e+00> : vector<256x128xf32>
    %dot_general3A_183 = tpu.matmul %add3A_178, %get3A_181, %dot_general3A_182 {dimension_numbers = #tpu.dot_dimension_numbers<[1], [0], [0], [1], [0, 0, 1, 1], [], []>, transpose_lhs_hint = false} : vector<256x256xf32>, vector<256x128xf32>, vector<256x128xf32> -> vector<256x128xf32>
    %get3A_184 = arith.constant 0 : index
    %get3A_185 = arith.constant 0 : index
    %get3A_186 = vector.load %arg9[%get3A_184, %get3A_185] : memref<1x128xf32, #tpu.memory_space<vmem>>, vector<1x128xf32>
    %add3A_187 = vector.broadcast %get3A_186 : vector<1x128xf32> to vector<256x128xf32>
    %add3A_188 = arith.addf %dot_general3A_183, %add3A_187 : vector<256x128xf32>
    %get3A_189 = arith.constant 0 : index
    %get3A_190 = arith.constant 0 : index
    %get3A_191 = vector.load %arg12[%get3A_189, %get3A_190] : memref<1x128xf32, #tpu.memory_space<vmem>>, vector<1x128xf32>
    %get3A_192 = arith.constant 0 : index
    %get3A_193 = arith.constant 0 : index
    %get3A_194 = vector.load %arg13[%get3A_192, %get3A_193] : memref<1x128xf32, #tpu.memory_space<vmem>>, vector<1x128xf32>
    %reduce_sum3A_195 = arith.constant dense<0.000000e+00> : vector<256xf32>
    %reduce_sum3A_196 = vector.multi_reduction <add>, %add3A_188, %reduce_sum3A_195 [1] : vector<256x128xf32> to vector<256xf32>
    %broadcast_in_dim3A_197 = vector.shape_cast %reduce_sum3A_196 : vector<256xf32> to vector<256x1xf32>
    %div3A_198 = arith.constant 1.280000e+02 : f32
    %div3A_199 = vector.broadcast %div3A_198 : f32 to vector<256x1xf32>
    %div3A_200 = arith.divf %broadcast_in_dim3A_197, %div3A_199 : vector<256x1xf32>
    %sub3A_201 = vector.broadcast %div3A_200 : vector<256x1xf32> to vector<256x128xf32>
    %sub3A_202 = arith.subf %add3A_188, %sub3A_201 : vector<256x128xf32>
    %mul3A_203 = arith.mulf %sub3A_202, %sub3A_202 : vector<256x128xf32>
    %reduce_sum3A_204 = arith.constant dense<0.000000e+00> : vector<256xf32>
    %reduce_sum3A_205 = vector.multi_reduction <add>, %mul3A_203, %reduce_sum3A_204 [1] : vector<256x128xf32> to vector<256xf32>
    %broadcast_in_dim3A_206 = vector.shape_cast %reduce_sum3A_205 : vector<256xf32> to vector<256x1xf32>
    %div3A_207 = arith.constant 1.280000e+02 : f32
    %div3A_208 = vector.broadcast %div3A_207 : f32 to vector<256x1xf32>
    %div3A_209 = arith.divf %broadcast_in_dim3A_206, %div3A_208 : vector<256x1xf32>
    %add3A_210 = arith.constant 9.99999974E-6 : f32
    %add3A_211 = vector.broadcast %add3A_210 : f32 to vector<256x1xf32>
    %add3A_212 = arith.addf %div3A_209, %add3A_211 : vector<256x1xf32>
    %rsqrt3A_213 = math.rsqrt %add3A_212 : vector<256x1xf32>
    %mul3A_214 = vector.broadcast %rsqrt3A_213 : vector<256x1xf32> to vector<256x128xf32>
    %mul3A_215 = arith.mulf %sub3A_202, %mul3A_214 : vector<256x128xf32>
    %mul3A_216 = vector.broadcast %get3A_191 : vector<1x128xf32> to vector<256x128xf32>
    %mul3A_217 = arith.mulf %mul3A_215, %mul3A_216 : vector<256x128xf32>
    %add3A_218 = vector.broadcast %get3A_194 : vector<1x128xf32> to vector<256x128xf32>
    %add3A_219 = arith.addf %mul3A_217, %add3A_218 : vector<256x128xf32>
    %get3A_220 = arith.constant 0 : index
    %get3A_221 = arith.constant 0 : index
    %get3A_222 = vector.load %arg1[%get3A_220, %get3A_221] : memref<256x128xf32, #tpu.memory_space<vmem>>, vector<256x128xf32>
    %add3A_223 = arith.addf %add3A_219, %get3A_222 : vector<256x128xf32>
    %swap3A = arith.constant 0 : index
    %swap3A_224 = arith.constant 0 : index
    %swap3A_225 = vector.load %arg14[%swap3A, %swap3A_224] : memref<256x128xf32, #tpu.memory_space<vmem>>, vector<256x128xf32>
    tpu.vector_store %arg14[%swap3A, %swap3A_224], %add3A_223 {strides = array<i32>} : memref<256x128xf32, #tpu.memory_space<vmem>>, vector<256x128xf32>,
    return
  }
  func.func @transform_0(%arg0: i32) -> (i32, i32) {
    %c0_i32 = arith.constant 0 : i32
    %c0_i32_0 = arith.constant 0 : i32
    return %arg0, %c0_i32 : i32, i32
  }
  func.func @transform_1(%arg0: i32) -> (i32, i32) {
    %c0_i32 = arith.constant 0 : i32
    %c0_i32_0 = arith.constant 0 : i32
    return %arg0, %c0_i32 : i32, i32
  }
  func.func @transform_2(%arg0: i32) -> (i32, i32) {
    %c0_i32 = arith.constant 0 : i32
    %c0_i32_0 = arith.constant 0 : i32
    return %arg0, %c0_i32 : i32, i32
  }
  func.func @transform_3(%arg0: i32) -> (i32, i32) {
    %c0_i32 = arith.constant 0 : i32
    %c0_i32_0 = arith.constant 0 : i32
    %c0_i32_1 = arith.constant 0 : i32
    return %c0_i32, %c0_i32_0 : i32, i32
  }
  func.func @transform_4(%arg0: i32) -> (i32, i32) {
    %c0_i32 = arith.constant 0 : i32
    %c0_i32_0 = arith.constant 0 : i32
    %c0_i32_1 = arith.constant 0 : i32
    return %c0_i32, %c0_i32_0 : i32, i32
  }
  func.func @transform_5(%arg0: i32) -> (i32, i32) {
    %c0_i32 = arith.constant 0 : i32
    %c0_i32_0 = arith.constant 0 : i32
    %c0_i32_1 = arith.constant 0 : i32
    return %c0_i32, %c0_i32_0 : i32, i32
  }
  func.func @transform_6(%arg0: i32) -> (i32, i32) {
    %c0_i32 = arith.constant 0 : i32
    %c0_i32_0 = arith.constant 0 : i32
    %c0_i32_1 = arith.constant 0 : i32
    return %c0_i32, %c0_i32_0 : i32, i32
  }
  func.func @transform_7(%arg0: i32) -> (i32, i32) {
    %c0_i32 = arith.constant 0 : i32
    %c0_i32_0 = arith.constant 0 : i32
    %c0_i32_1 = arith.constant 0 : i32
    return %c0_i32, %c0_i32_0 : i32, i32
  }
  func.func @transform_8(%arg0: i32) -> (i32, i32) {
    %c0_i32 = arith.constant 0 : i32
    %c0_i32_0 = arith.constant 0 : i32
    %c0_i32_1 = arith.constant 0 : i32
    return %c0_i32, %c0_i32_0 : i32, i32
  }
  func.func @transform_9(%arg0: i32) -> (i32, i32) {
    %c0_i32 = arith.constant 0 : i32
    %c0_i32_0 = arith.constant 0 : i32
    %c0_i32_1 = arith.constant 0 : i32
    return %c0_i32, %c0_i32_0 : i32, i32
  }
  func.func @transform_10(%arg0: i32) -> (i32, i32) {
    %c0_i32 = arith.constant 0 : i32
    %c0_i32_0 = arith.constant 0 : i32
    %c0_i32_1 = arith.constant 0 : i32
    return %c0_i32, %c0_i32_0 : i32, i32
  }
  func.func @transform_11(%arg0: i32) -> (i32, i32) {
    %c0_i32 = arith.constant 0 : i32
    %c0_i32_0 = arith.constant 0 : i32
    %c0_i32_1 = arith.constant 0 : i32
    return %c0_i32, %c0_i32_0 : i32, i32
  }
  func.func @transform_12(%arg0: i32) -> (i32, i32) {
    %c0_i32 = arith.constant 0 : i32
    %c0_i32_0 = arith.constant 0 : i32
    %c0_i32_1 = arith.constant 0 : i32
    return %c0_i32, %c0_i32_0 : i32, i32
  }
  func.func @transform_13(%arg0: i32) -> (i32, i32) {
    %c0_i32 = arith.constant 0 : i32
    %c0_i32_0 = arith.constant 0 : i32
    return %arg0, %c0_i32 : i32, i32
  }
}

</mosaic_0001>

<sc_bundles>
// kernel: kernel.19.cloned.1.call-start
scs
__scs_entry_jumppad:
0x0: {  	(pc) =	sbr.rel $0x88, $3  }
0x1: {  	(tag) =	ssettag $0x0;
	lr =	simm.s32 $0x1  }
0x2: {  	[smem:$0x3F8F] =	sst lr;
	_ =	strace $0xD0000000  }
0x3: {  	_ = 	snop  }
0x4: {  	_ = 	snop  }
0x5: {  	_ = 	snop  }
0x6: {  	_ = 	snop  }
0x7: {  	_ = 	snop  }
__scs_overlays_trampoline_lowered:
0x8: {  	[smem:$0x3F9E] =	sst s0  }
0x9: {  	[smem:$0x3F9F] =	sst s1  }
0xa: {  	[smem:$0x3FA0] =	sst s2  }
0xb: {  	[smem:$0x3FA1] =	sst s3  }
0xc: {  	[smem:$0x3FA2] =	sst s4  }
0xd: {  	[smem:$0x3FA3] =	sst s5  }
0xe: {  	[smem:$0x3FA4] =	sst s6  }
0xf: {  	[smem:$0x3FA5] =	sst s7  }
0x10: {  	[smem:$0x3FA6] =	sst s8  }
0x11: {  	[smem:$0x3FA7] =	sst s9;
	s0 =	simm.s32 @!p0 $0x0  }
0x12: {  	s1 =	sld [smem:$0x3F8D];
	s0 =	simm.s32 @p0 $0x1  }
0x13: {  	[smem:$0x3FA8] =	sst s0;
	s0 =	simm.s32 @!p1 $0x0  }
0x14: {  	s2 =	sld [smem:$0x3F8C];
	s0 =	simm.s32 @p1 $0x1  }
0x15: {  	[smem:$0x3FA9] =	sst s0;
	s0 =	simm.s32 @!p2 $0x0  }
0x16: {  	s3 =	sld [smem:$0x3FDB];
	s0 =	simm.s32 @p2 $0x1  }
0x17: {  	s4 =	simm.s32 $0x1BF5;
	[smem:$0x3FAB] =	sst s0  }
0x18: {  	s0 =	sld [smem:$0x3F8E];
	_ =	swait.ge [sflag:s4], $0x0  }
0x19: {  	s7 =	sld [smem:$0x3F8F]  }
0x1a: {  	s8 =	sadd.s32 $0xFFFFE003, lr  }
0x1b: {  	s9 =	sadd.s32 $0xFFFFFEF7, lr;
	s5 =	simm.s32 $0xFFFFFFFF;
	p2 =	slt.u32 s8, $0xFFFFF086  }
0x1c: {  	p1 =	slt.u32 s9, $0xF7A;
	s5 =	simm.s32 @!p2 $0x0  }
0x1d: {  	s5 =	simm.s32 @p1 $0x1;
	p0 =	seq.s32 s7, s2  }
0x1e: {  	s7 =	smul.u32 @!p0 $0xF7A, s2;
	p2 =	seq.s32 @!p0 s5, $0x0  }
0x1f: {  	s9 =	smul.u32 $0xF7A, s1;
	s8 =	simm.s32 @!p0 $0x1BF5;
	p2 =	por !p2, p0  }
0x20: {  	[sflag:s8] =	ssyncset.s32 @!p0 $0xFFFFF086;
	s6 =	sadd.s32 @!p0 s3, s7;
	s7 =	simm.s32 @!p0 $0x108  }
0x21: {  	s3 =	sadd.s32 s3, s9;
	s6 =	sadd.s32 @!p0 $0x88, s6;
	s7 =	simm.s32 @p2 $0x1082  }
0x22: {  	[simem:s7], [sflag:s8] =	dma.local @!p0 [hbm:s6], $0xF7A  }
0x23: {  	s9 =	sor.u32 $0xD0000000, s2;
	s6 =	simm.s32 $0x108;
	_ =	swait.ge @!p0 [sflag:s8], $0x0  }
0x24: {  	s3 =	sadd.s32 $0x88, s3;
	s6 =	simm.s32 @!p1 $0x1082;
	[sflag:s4] =	ssyncset.s32 $0xFFFFF086  }
0x25: {  	[simem:s6], [sflag:s4] =	dma.local [hbm:s3], $0xF7A  }
0x26: {  	[smem:$0x3F8F] =	sst s1;
	(tag) =	ssettag s2;
	_ =	strace s9  }
0x27: {  	s1 =	sld [smem:$0x3F9F]  }
0x28: {  	s2 =	sld [smem:$0x3FA0]  }
0x29: {  	s4 =	sld [smem:$0x3FA2]  }
0x2a: {  	p0 =	seq.s32 s5, $0x0;
	s5 =	sld [smem:$0x3FA3]  }
0x2b: {  	s6 =	sld [smem:$0x3FA4]  }
0x2c: {  	s7 =	sld [smem:$0x3FA5]  }
0x2d: {  	s3 =	simm.s32 $0x108;
	s8 =	sld [smem:$0x3FA6]  }
0x2e: {  	s3 =	simm.s32 @!p0 $0x1082;
	s9 =	sld [smem:$0x3FA7]  }
0x2f: {  	lr =	sadd.s32 s0, s3;
	s0 =	sld [smem:$0x3F9E]  }
0x30: {  	s3 =	sld [smem:$0x3FA1]  }
0x31: {  	[smem:$0x3FAA] =	sst s10  }
0x32: {  	s10 =	sld [smem:$0x3FA8];
	_ =	sdelay $0x3  }
0x33: {  	p0 =	seq.s32 s10, $0x1;
	s10 =	sld [smem:$0x3FAA];
	_ =	sdelay $0x3  }
0x34: {  	[smem:$0x3FAA] =	sst s10  }
0x35: {  	s10 =	sld [smem:$0x3FA9];
	_ =	sdelay $0x3  }
0x36: {  	p1 =	seq.s32 s10, $0x1;
	s10 =	sld [smem:$0x3FAA];
	_ =	sdelay $0x3  }
0x37: {  	[smem:$0x3FAA] =	sst s10  }
0x38: {  	s10 =	sld [smem:$0x3FAB]  }
0x39: {  	_ = 	snop;
	(pc) =	sbr.ind lr, $3  }
0x3a: {  	_ = 	snop  }
0x3b: {  	_ = 	snop  }
0x3c: {  	p2 =	seq.s32 s10, $0x1;
	s10 =	sld [smem:$0x3FAA]  }
0x3d: {  	_ =	shalt  }
0x3e: {  	_ =	shalt  }
0x3f: {  	_ =	shalt  }
0x40: {  	_ =	shalt  }
0x41: {  	_ =	shalt  }
0x42: {  	_ =	shalt  }
0x43: {  	_ =	shalt  }
0x44: {  	_ =	shalt  }
0x45: {  	_ =	shalt  }
0x46: {  	_ =	shalt  }
0x47: {  	_ =	shalt  }
0x48: {  	_ =	shalt  }
0x49: {  	_ =	shalt  }
0x4a: {  	_ =	shalt  }
0x4b: {  	_ =	shalt  }
0x4c: {  	_ =	shalt  }
0x4d: {  	_ =	shalt  }
0x4e: {  	_ =	shalt  }
0x4f: {  	_ =	shalt  }
0x50: {  	_ =	shalt  }
0x51: {  	_ =	shalt  }
0x52: {  	_ =	shalt  }
0x53: {  	_ =	shalt  }
0x54: {  	_ =	shalt  }
0x55: {  	_ =	shalt  }
0x56: {  	_ =	shalt  }
0x57: {  	_ =	shalt  }
0x58: {  	_ =	shalt  }
0x59: {  	_ =	shalt  }
0x5a: {  	_ =	shalt  }
0x5b: {  	_ =	shalt  }
0x5c: {  	_ =	shalt  }
0x5d: {  	_ =	shalt  }
0x5e: {  	_ =	shalt  }
0x5f: {  	_ =	shalt  }
0x60: {  	_ =	shalt  }
0x61: {  	_ =	shalt  }
0x62: {  	_ =	shalt  }
0x63: {  	_ =	shalt  }
0x64: {  	_ =	shalt  }
0x65: {  	_ =	shalt  }
0x66: {  	_ =	shalt  }
0x67: {  	_ =	shalt  }
0x68: {  	_ =	shalt  }
0x69: {  	_ =	shalt  }
0x6a: {  	_ =	shalt  }
0x6b: {  	_ =	shalt  }
0x6c: {  	_ =	shalt  }
0x6d: {  	_ =	shalt  }
0x6e: {  	_ =	shalt  }
0x6f: {  	_ =	shalt  }
0x70: {  	_ =	shalt  }
0x71: {  	_ =	shalt  }
0x72: {  	_ =	shalt  }
0x73: {  	_ =	shalt  }
0x74: {  	_ =	shalt  }
0x75: {  	_ =	shalt  }
0x76: {  	_ =	shalt  }
0x77: {  	_ =	shalt  }
0x78: {  	_ =	shalt  }
0x79: {  	_ =	shalt  }
0x7a: {  	_ =	shalt  }
0x7b: {  	_ =	shalt  }
0x7c: {  	_ =	shalt  }
0x7d: {  	_ =	shalt  }
0x7e: {  	_ =	shalt  }
0x7f: {  	_ =	shalt  }
0x80: {  	_ =	shalt  }
0x81: {  	_ =	shalt  }
0x82: {  	_ =	shalt  }
0x83: {  	_ =	shalt  }
0x84: {  	_ =	shalt  }
0x85: {  	_ =	shalt  }
0x86: {  	_ =	shalt  }
0x87: {  	_ =	shalt  }
.Lfunc_end0:
.L_simem_size_0:
called_computation_lowered:
.L_overlay_start_0:
0x88: {  	s2 =	sld [smem:$0x3FD9]  }
0x89: {  	s3 =	sld [smem:$0x3FFE];
	_ =	sdelay $0x1  }
0x8a: {  	s1 =	srdreg.scid  }
0x8b: {  	s0 =	sand.u32 $0x1, s1  }
0x8c: {  	s16 =	sshll.u32 s0, $0xA;
	s2 =	sadd.s32 s3, s2  }
0x8d: {  	s2 =	sadd.s32 s2, s16  }
0x8e: {  	[smem:$0x3FB6] =	sst s2  }
0x8f: {  	_ = 	snop  }
0x90: {  	(tm) =	ssettm $0x1  }
0x91: {  	s17 =	sld [smem:$0x3FFB];
	_ =	sdelay $0x3  }
0x92: {  	_ =	strace s17  }
0x93: {  	s2 =	sld [smem:$0x3FFC];
	_ =	sdelay $0x3  }
0x94: {  	_ =	strace s2  }
0x95: {  	s2 =	sld [smem:$0x3FFD];
	_ =	sdelay $0x3  }
0x96: {  	_ =	strace s2  }
0x97: {  	_ =	strace $0x8FFFFFFF  }
0x98: {  	s18 =	sld [smem:$0x3FDB];
	_ =	sdelay $0x1  }
0x99: {  	s19 =	simm.s32 $_scs_section_size  }
0x9a: {  	s4 =	simm.s32 $_size__tile_overlayer_lowered;
	s5 =	simm.s32 $_tile_overlayer_lowered  }
0x9b: {  	s22 =	simm.s32 $0x1BFF;
	s21 =	sshll.u32 s5, $0x1;
	s2 =	sadd.s32 s19, s18  }
0x9c: {  	s6 =	simm.s32 $0x0;
	s20 =	sshll.u32 s4, $0x1;
	s4 =	sadd.s32 s21, s2  }
0x9d: {  	[timem:s6], [sflag:s22] =	dma.local [hbm:s4], s20  }
0x9e: {  	_ =	swait.ge [sflag:s22], s20  }
0x9f: {  	s3 =	ssub.s32 $0x0, s20;
	[sflag:s22] =	ssyncset.done $0x0  }
0xa0: {  	[sflag:s22] =	ssyncadd.s32 s3;
	_ =	sdelay $0x1  }
0xa1: {  	s23 =	simm.s32 $0x1B8B  }
0xa2: {  	_ =	swait.ge [sflag:s23], $0x1  }
0xa3: {  	[sflag:s23] =	ssyncset.done $0x0  }
0xa4: {  	s25 =	simm.s32 $0x1B8E;
	s24 =	sld [smem:$0x3FFE];
	[sflag:s23] =	ssyncadd.s32 $0xFFFFFFFF  }
0xa5: {  	s26 =	simm.s32 $execute0_lowered;
	[smem:$0x3FD2] =	sst s25  }
0xa6: {  	s4 =	sshll.u32 s26, $0x1;
	_ =	strace $0x80000046;
	[dreg:$0x1] =	wrdreg $0xFFFFFFFF  }
0xa7: {  	s28 =	simm.s32 $_size_execute0_lowered;
	s2 =	sadd.s32 s2, s4;
	[dreg:$0x0] =	wrdreg $0x0  }
0xa8: {  	s4 =	sshll.u32 s28, $0x1;
	[dreg:$0x2] =	wrdreg s2  }
0xa9: {  	[dreg:$0x3] =	wrdreg s4  }
0xaa: {  	[dreg:$0x4] =	wrdreg $0xC0  }
0xab: {  	_ =	task [dreg:s6], $0x5FFFF  }
0xac: {  	[dreg:$0x1] =	wrdreg $0xFFFFFFFF  }
0xad: {  	[dreg:$0x0] =	wrdreg $0x60  }
0xae: {  	[dreg:$0x2] =	wrdreg s24  }
0xaf: {  	[dreg:$0x3] =	wrdreg $0x9  }
0xb0: {  	_ =	task.clear_ibuf [dreg:s6], $0x4FFFF;
	_ =	strace $0x90000046  }
0xb1: {  	s29 =	simm.s32 $0x9;
	_ =	strace $0x80000048  }
0xb2: {  	_ =	swait.ge [sflag:s29], $0x1  }
0xb3: {  	[sflag:s29] =	ssyncadd.s32 $0xFFFFFFFF  }
0xb4: {  	_ =	strace $0x90000048  }
0xb5: {  	_ =	sfence  }
0xb6: {  	s30 =	sld [smem:$0x0];
	_ =	sdelay $0x2  }
0xb7: {  	s31 =	sshll.u32 s1, $0xD;
	s1 =	sshrl.u32 s1, $0x2  }
0xb8: {  	s3 =	sand.u32 $0x4000, s31;
	s1 =	sadd.s32 s1, s30  }
0xb9: {  	s0 =	sor.u32 s3, s0;
	s1 =	sshll.u32 s1, $0x11  }
0xba: {  	s0 =	sor.u32 s1, s0  }
0xbb: {  	s0 =	sadd.s32 $0x8F2B, s0  }
0xbc: {  	[sflag:s0] =	ssyncadd.remote.s32 $0x1  }
0xbd: {  	_ =	sfence.sel $0xFFFF  }
0xbe: {  	[dreg:$0x0] =	wrdreg $0xFFFFFFFF;
	(pc) =	sbr.abs _section_cstart, $3  }
0xbf: {  	[dreg:$0x1] =	wrdreg $0xFFFFFFFF  }
0xc0: {  	_ =	task.clear_ibuf [dreg:s6], $0x2FFFF;
	_ =	strace $0x9FFFFFFF  }
0xc1: {  	(tm) =	ssettm $0x7FFFFFFF  }
tec
execute0_lowered:
.L_overlay_start_1:
0x0: {  	(tag) =	ssettag $0x1  }
0x1: {  	s0 =	rddreg [dreg:$0x0]  }
0x2: {  	s5 =	stileid.u32;
	s1 =	srdreg.scid  }
0x3: {  	s2 =	simm.s32 $0x0;
	s14 =	simm.s32 $0x880;
	s15 =	simm.s32 $0xC80  }
0x4: {  	s17 =	simm.s32 $0x1480;
	s18 =	simm.s32 $0x1880;
	s19 =	simm.s32 $0x2080  }
0x5: {  	s20 =	simm.s32 $0x2480;
	s21 =	simm.s32 $0x2C80;
	[smem:$0x7FF] =	sst s2  }
0x6: {  	s22 =	simm.s32 $0x3080;
	_ =	strace $0x80000047;
	[dreg:$0x3] =	wrdreg s14  }
0x7: {  	s23 =	simm.s32 $0x3880;
	s25 =	simm.s32 $0x3C80;
	[dreg:$0x4] =	wrdreg s15  }
0x8: {  	s26 =	simm.s32 $0x4480;
	s8 =	simm.s32 $0x80;
	[dreg:$0x5] =	wrdreg s17  }
0x9: {  	s9 =	simm.s32 $0x4880;
	s10 =	simm.s32 $0x5080;
	[dreg:$0x6] =	wrdreg s18  }
0xa: {  	s11 =	simm.s32 $0x5480;
	s28 =	simm.s32 $0xB480;
	[dreg:$0x7] =	wrdreg s19  }
0xb: {  	s29 =	simm.s32 $0xBC80;
	s30 =	simm.s32 $0x1;
	[dreg:$0x8] =	wrdreg s20  }
0xc: {  	s31 =	simm.s32 $0x0;
	s3 =	sshll.u32 s5, $0x8;
	[dreg:$0x9] =	wrdreg s21  }
0xd: {  	s1 =	sand.u32 $0x1, s1;
	s12 =	smul.u32 $0x18000, s5;
	[dreg:$0xa] =	wrdreg s22  }
0xe: {  	s3 =	sadd.s32 s3, s0;
	s4 =	sshll.u32 s1, $0x7;
	[dreg:$0xb] =	wrdreg s23  }
0xf: {  	s16 =	ssub.s32 $0x2, s1;
	s1 =	smul.u32 $0xC000, s1;
	[dreg:$0xc] =	wrdreg s25  }
0x10: {  	[dreg:$0xd] =	wrdreg s26;
	s14 =	simm.s32 $0x6880;
	s15 =	simm.s32 $0x6C80  }
0x11: {  	s17 =	simm.s32 $0x7880;
	s18 =	simm.s32 $0x8080;
	s19 =	simm.s32 $0x8480  }
0x12: {  	s20 =	simm.s32 $0x8C80;
	s21 =	simm.s32 $0x9080;
	s22 =	simm.s32 $0x9880  }
0x13: {  	s23 =	simm.s32 $0x9C80;
	s25 =	simm.s32 $0xA880;
	s26 =	simm.s32 $0xB080  }
0x14: {  	s3 =	sadd.s32 s4, s3;
	s6 =	sadd.s32 s12, s0;
	s7 =	sshrl.u32 s16, $0x1  }
0x15: {  	s4 =	sadd.s32 $0x27D00, s0;
	s12 =	simm.s32 $0x5C80;
	s13 =	sadd.s32 $0x26C00, s3  }
0x16: {  	s3 =	sadd.s32 $0x27C00, s0;
	s5 =	ssub.s32 s16, s7;
	s1 =	sadd.s32 s1, s6  }
0x17: {  	v2 =	vlaneseq.u32;
	s7 =	simm.s32 $0x2;
	[dreg:$0x2] =	wrdreg s13;
	s5 =	smax.u32 s5, $0x1  }
0x18: {  	vm0 =	vmmov $0xffff;
	vm1 =	vmmov $0xff;
	v1 =	vshrl.u32 v2, $0x3;
	s16 =	simm.s32 $0x7480;
	s24 =	sadd.s32 $0x5FC00, s1;
	[dreg:$0xe] =	wrdreg s5  }
0x19: {  	v0 =	vand.u32 $0x7, v2;
	v2 =	vor.u32 $0x8, v2;
	v1 =	vmul.u32 $0x8, v1;
	s13 =	simm.s32 $0x6080;
	[dreg:$0xf] =	wrdreg s24;
	s24 =	simm.s32 $0xA480  }
.LBB2_1:
0x1a: {  	s6 =	rddreg [dreg:$0xf];
	s1 =	simm.s32 $0x0  }
.LBB2_2:
0x1b: {  	s5 =	rddreg [dreg:$0x2]  }
0x1c: {  	s5 =	sadd.s32 s1, s5  }
0x1d: {  	[tilespmem:s2], [sflag:$0x2] =	stream.linear.gather [hbm4b:s5+s2], $0x80, $0x38;
	[tilespmem:$0xC080] =	vst v63  }
0x1e: {  	_ =	swait.ge [sflag:s7], $0x80  }
0x1f: {  	[sflag:s7] =	ssyncset.done $0x0  }
0x20: {  	[sflag:s7] =	ssyncadd.s32 $0xFFFFFF80  }
0x21: {  	v3 =	vld [tilespmem:$0x0];
	_ =	sdelay $0x4  }
0x22: {  	v4 =	vshrl.u32 v3, $0x3  }
0x23: {  	v4 =	vmul.u32 $0x18, v4  }
0x24: {  	v3 =	vand.u32 $0x7, v3  }
0x25: {  	v3 =	vor.u32 v3, v4  }
0x26: {  	v4 =	vperm.xlane v3, v0;
	_ =	sdelay $0x1  }
0x27: {  	v4 =	vadd.s32 v1, v4;
	_ =	sdelay $0x1  }
0x28: {  	v3 =	vperm.xlane v3, v2;
	_ =	sdelay $0x1  }
0x29: {  	v3 =	vadd.s32 v1, v3  }
0x2a: {  	[tilespmem:s8], [sflag:$0x1] =	stream.indirect_vreg.gather [hbm4b:s3+s2], $0x80, v4, vm0, $0xb8;
	[tilespmem:$0xC080] =	vst v63  }
0x2b: {  	s5 =	rddreg [dreg:$0x3]  }
0x2c: {  	[tilespmem:s5], [sflag:$0x1] =	stream.indirect_vreg.gather [hbm4b:s4+s2], $0x80, v4, vm1, $0xb8;
	[tilespmem:$0xC080] =	vst v63  }
0x2d: {  	s0 =	rddreg [dreg:$0x4]  }
0x2e: {  	[tilespmem:s0], [sflag:$0x1] =	stream.indirect_vreg.gather [hbm4b:s3+s2], $0x80, v3, vm0, $0xb8;
	[tilespmem:$0xC080] =	vst v63  }
0x2f: {  	s5 =	rddreg [dreg:$0x5]  }
0x30: {  	[tilespmem:s5], [sflag:$0x1] =	stream.indirect_vreg.gather [hbm4b:s4+s2], $0x80, v3, vm1, $0xb8;
	[tilespmem:$0xC080] =	vst v63  }
0x31: {  	v3 =	vld [tilespmem:$0x10];
	_ =	sdelay $0x4  }
0x32: {  	v57 =	vshrl.u32 v3, $0x3  }
0x33: {  	v4 =	vmul.u32 $0x18, v57  }
0x34: {  	v3 =	vand.u32 $0x7, v3  }
0x35: {  	v3 =	vor.u32 v3, v4  }
0x36: {  	v4 =	vperm.xlane v3, v0;
	_ =	sdelay $0x1  }
0x37: {  	v4 =	vadd.s32 v1, v4;
	_ =	sdelay $0x1  }
0x38: {  	v3 =	vperm.xlane v3, v2;
	_ =	sdelay $0x1  }
0x39: {  	s0 =	rddreg [dreg:$0x6];
	v3 =	vadd.s32 v1, v3  }
0x3a: {  	[tilespmem:s0], [sflag:$0x1] =	stream.indirect_vreg.gather [hbm4b:s3+s2], $0x80, v4, vm0, $0xb8;
	[tilespmem:$0xC080] =	vst v63  }
0x3b: {  	s5 =	rddreg [dreg:$0x7]  }
0x3c: {  	[tilespmem:s5], [sflag:$0x1] =	stream.indirect_vreg.gather [hbm4b:s4+s2], $0x80, v4, vm1, $0xb8;
	[tilespmem:$0xC080] =	vst v63  }
0x3d: {  	s0 =	rddreg [dreg:$0x8]  }
0x3e: {  	[tilespmem:s0], [sflag:$0x1] =	stream.indirect_vreg.gather [hbm4b:s3+s2], $0x80, v3, vm0, $0xb8;
	[tilespmem:$0xC080] =	vst v63  }
0x3f: {  	s5 =	rddreg [dreg:$0x9]  }
0x40: {  	[tilespmem:s5], [sflag:$0x1] =	stream.indirect_vreg.gather [hbm4b:s4+s2], $0x80, v3, vm1, $0xb8;
	[tilespmem:$0xC080] =	vst v63  }
0x41: {  	v3 =	vld [tilespmem:$0x20];
	_ =	sdelay $0x4  }
0x42: {  	v58 =	vshrl.u32 v3, $0x3  }
0x43: {  	v4 =	vmul.u32 $0x18, v58  }
0x44: {  	v3 =	vand.u32 $0x7, v3  }
0x45: {  	v3 =	vor.u32 v3, v4  }
0x46: {  	v4 =	vperm.xlane v3, v0;
	_ =	sdelay $0x1  }
0x47: {  	v4 =	vadd.s32 v1, v4;
	_ =	sdelay $0x1  }
0x48: {  	v3 =	vperm.xlane v3, v2;
	_ =	sdelay $0x1  }
0x49: {  	s0 =	rddreg [dreg:$0xa];
	v3 =	vadd.s32 v1, v3  }
0x4a: {  	[tilespmem:s0], [sflag:$0x1] =	stream.indirect_vreg.gather [hbm4b:s3+s2], $0x80, v4, vm0, $0xb8;
	[tilespmem:$0xC080] =	vst v63  }
0x4b: {  	s5 =	rddreg [dreg:$0xb]  }
0x4c: {  	[tilespmem:s5], [sflag:$0x1] =	stream.indirect_vreg.gather [hbm4b:s4+s2], $0x80, v4, vm1, $0xb8;
	[tilespmem:$0xC080] =	vst v63  }
0x4d: {  	s0 =	rddreg [dreg:$0xc]  }
0x4e: {  	[tilespmem:s0], [sflag:$0x1] =	stream.indirect_vreg.gather [hbm4b:s3+s2], $0x80, v3, vm0, $0xb8;
	[tilespmem:$0xC080] =	vst v63  }
0x4f: {  	s5 =	rddreg [dreg:$0xd]  }
0x50: {  	[tilespmem:s5], [sflag:$0x1] =	stream.indirect_vreg.gather [hbm4b:s4+s2], $0x80, v3, vm1, $0xb8;
	[tilespmem:$0xC080] =	vst v63  }
0x51: {  	v3 =	vld [tilespmem:$0x30];
	_ =	sdelay $0x4  }
0x52: {  	v59 =	vshrl.u32 v3, $0x3  }
0x53: {  	v4 =	vmul.u32 $0x18, v59  }
0x54: {  	v3 =	vand.u32 $0x7, v3  }
0x55: {  	v3 =	vor.u32 v3, v4  }
0x56: {  	v4 =	vperm.xlane v3, v0;
	_ =	sdelay $0x1  }
0x57: {  	v4 =	vadd.s32 v1, v4;
	_ =	sdelay $0x1  }
0x58: {  	v3 =	vperm.xlane v3, v2;
	_ =	sdelay $0x1  }
0x59: {  	v3 =	vadd.s32 v1, v3  }
0x5a: {  	[tilespmem:s9], [sflag:$0x1] =	stream.indirect_vreg.gather [hbm4b:s3+s2], $0x80, v4, vm0, $0xb8;
	[tilespmem:$0xC080] =	vst v63  }
0x5b: {  	_ = 	snop  }
0x5c: {  	[tilespmem:s10], [sflag:$0x1] =	stream.indirect_vreg.gather [hbm4b:s4+s2], $0x80, v4, vm1, $0xb8;
	[tilespmem:$0xC080] =	vst v63  }
0x5d: {  	_ = 	snop  }
0x5e: {  	[tilespmem:s11], [sflag:$0x1] =	stream.indirect_vreg.gather [hbm4b:s3+s2], $0x80, v3, vm0, $0xb8;
	[tilespmem:$0xC080] =	vst v63  }
0x5f: {  	_ = 	snop  }
0x60: {  	[tilespmem:s12], [sflag:$0x1] =	stream.indirect_vreg.gather [hbm4b:s4+s2], $0x80, v3, vm1, $0xb8;
	[tilespmem:$0xC080] =	vst v63  }
0x61: {  	v3 =	vld [tilespmem:$0x40];
	_ =	sdelay $0x4  }
0x62: {  	v60 =	vshrl.u32 v3, $0x3  }
0x63: {  	v4 =	vmul.u32 $0x18, v60  }
0x64: {  	v3 =	vand.u32 $0x7, v3  }
0x65: {  	v3 =	vor.u32 v3, v4  }
0x66: {  	v4 =	vperm.xlane v3, v0;
	_ =	sdelay $0x1  }
0x67: {  	v4 =	vadd.s32 v1, v4;
	_ =	sdelay $0x1  }
0x68: {  	v3 =	vperm.xlane v3, v2;
	_ =	sdelay $0x1  }
0x69: {  	v3 =	vadd.s32 v1, v3  }
0x6a: {  	[tilespmem:s13], [sflag:$0x1] =	stream.indirect_vreg.gather [hbm4b:s3+s2], $0x80, v4, vm0, $0xb8;
	[tilespmem:$0xC080] =	vst v63  }
0x6b: {  	_ = 	snop  }
0x6c: {  	[tilespmem:s14], [sflag:$0x1] =	stream.indirect_vreg.gather [hbm4b:s4+s2], $0x80, v4, vm1, $0xb8;
	[tilespmem:$0xC080] =	vst v63  }
0x6d: {  	_ = 	snop  }
0x6e: {  	[tilespmem:s15], [sflag:$0x1] =	stream.indirect_vreg.gather [hbm4b:s3+s2], $0x80, v3, vm0, $0xb8;
	[tilespmem:$0xC080] =	vst v63  }
0x6f: {  	_ = 	snop  }
0x70: {  	[tilespmem:s16], [sflag:$0x1] =	stream.indirect_vreg.gather [hbm4b:s4+s2], $0x80, v3, vm1, $0xb8;
	[tilespmem:$0xC080] =	vst v63  }
0x71: {  	v3 =	vld [tilespmem:$0x50];
	_ =	sdelay $0x4  }
0x72: {  	v61 =	vshrl.u32 v3, $0x3  }
0x73: {  	v4 =	vmul.u32 $0x18, v61  }
0x74: {  	v3 =	vand.u32 $0x7, v3  }
0x75: {  	v3 =	vor.u32 v3, v4  }
0x76: {  	v4 =	vperm.xlane v3, v0;
	_ =	sdelay $0x1  }
0x77: {  	v4 =	vadd.s32 v1, v4;
	_ =	sdelay $0x1  }
0x78: {  	v3 =	vperm.xlane v3, v2;
	_ =	sdelay $0x1  }
0x79: {  	v3 =	vadd.s32 v1, v3  }
0x7a: {  	[tilespmem:s17], [sflag:$0x1] =	stream.indirect_vreg.gather [hbm4b:s3+s2], $0x80, v4, vm0, $0xb8;
	[tilespmem:$0xC080] =	vst v63  }
0x7b: {  	_ = 	snop  }
0x7c: {  	[tilespmem:s18], [sflag:$0x1] =	stream.indirect_vreg.gather [hbm4b:s4+s2], $0x80, v4, vm1, $0xb8;
	[tilespmem:$0xC080] =	vst v63  }
0x7d: {  	_ = 	snop  }
0x7e: {  	[tilespmem:s19], [sflag:$0x1] =	stream.indirect_vreg.gather [hbm4b:s3+s2], $0x80, v3, vm0, $0xb8;
	[tilespmem:$0xC080] =	vst v63  }
0x7f: {  	_ = 	snop  }
0x80: {  	[tilespmem:s20], [sflag:$0x1] =	stream.indirect_vreg.gather [hbm4b:s4+s2], $0x80, v3, vm1, $0xb8;
	[tilespmem:$0xC080] =	vst v63  }
0x81: {  	v3 =	vld [tilespmem:$0x60];
	_ =	sdelay $0x4  }
0x82: {  	v62 =	vshrl.u32 v3, $0x3  }
0x83: {  	v4 =	vmul.u32 $0x18, v62  }
0x84: {  	v3 =	vand.u32 $0x7, v3  }
0x85: {  	v3 =	vor.u32 v3, v4  }
0x86: {  	v4 =	vperm.xlane v3, v0;
	_ =	sdelay $0x1  }
0x87: {  	v4 =	vadd.s32 v1, v4;
	_ =	sdelay $0x1  }
0x88: {  	v3 =	vperm.xlane v3, v2;
	_ =	sdelay $0x1  }
0x89: {  	v3 =	vadd.s32 v1, v3  }
0x8a: {  	[tilespmem:s21], [sflag:$0x1] =	stream.indirect_vreg.gather [hbm4b:s3+s2], $0x80, v4, vm0, $0xb8;
	[tilespmem:$0xC080] =	vst v63  }
0x8b: {  	_ = 	snop  }
0x8c: {  	[tilespmem:s22], [sflag:$0x1] =	stream.indirect_vreg.gather [hbm4b:s4+s2], $0x80, v4, vm1, $0xb8;
	[tilespmem:$0xC080] =	vst v63  }
0x8d: {  	_ = 	snop  }
0x8e: {  	[tilespmem:s23], [sflag:$0x1] =	stream.indirect_vreg.gather [hbm4b:s3+s2], $0x80, v3, vm0, $0xb8;
	[tilespmem:$0xC080] =	vst v63  }
0x8f: {  	_ = 	snop  }
0x90: {  	[tilespmem:s24], [sflag:$0x1] =	stream.indirect_vreg.gather [hbm4b:s4+s2], $0x80, v3, vm1, $0xb8;
	[tilespmem:$0xC080] =	vst v63  }
0x91: {  	v3 =	vld [tilespmem:$0x70];
	_ =	sdelay $0x4  }
0x92: {  	v63 =	vshrl.u32 v3, $0x3  }
0x93: {  	v4 =	vmul.u32 $0x18, v63  }
0x94: {  	v3 =	vand.u32 $0x7, v3  }
0x95: {  	v3 =	vor.u32 v3, v4  }
0x96: {  	v4 =	vperm.xlane v3, v0;
	_ =	sdelay $0x1  }
0x97: {  	v4 =	vadd.s32 v1, v4;
	_ =	sdelay $0x1  }
0x98: {  	v3 =	vperm.xlane v3, v2;
	_ =	sdelay $0x1  }
0x99: {  	v3 =	vadd.s32 v1, v3  }
0x9a: {  	[tilespmem:s25], [sflag:$0x1] =	stream.indirect_vreg.gather [hbm4b:s3+s2], $0x80, v4, vm0, $0xb8;
	[tilespmem:$0xC080] =	vst v63  }
0x9b: {  	_ = 	snop  }
0x9c: {  	[tilespmem:s26], [sflag:$0x1] =	stream.indirect_vreg.gather [hbm4b:s4+s2], $0x80, v4, vm1, $0xb8;
	[tilespmem:$0xC080] =	vst v63  }
0x9d: {  	_ = 	snop  }
0x9e: {  	[tilespmem:s28], [sflag:$0x1] =	stream.indirect_vreg.gather [hbm4b:s3+s2], $0x80, v3, vm0, $0xb8;
	[tilespmem:$0xC080] =	vst v63  }
0x9f: {  	_ = 	snop  }
0xa0: {  	[tilespmem:s29], [sflag:$0x1] =	stream.indirect_vreg.gather [hbm4b:s4+s2], $0x80, v3, vm1, $0xb8;
	[tilespmem:$0xC080] =	vst v63  }
0xa1: {  	_ =	swait.ge [sflag:s30], $0xC000  }
0xa2: {  	p0 =	sne.s32 s1, $0x70;
	[sflag:s30] =	ssyncset.done $0x0  }
.Ltmp0:
0xa3: {  	[sflag:s30] =	ssyncadd.s32 $0xFFFF4000;
	(pc) =	sbr.rel @p0 .LBB2_2-.Ltmp0, $4  }
0xa4: {  	[hbm4b:s6+s2] =	stream.linear.scatter [tilespmem:s8], [sflag:$0x2], $0xC000, $0x38;
	[tilespmem:$0xC080] =	vst v63  }
0xa5: {  	_ =	swait.ge [sflag:s7], $0xC000  }
0xa6: {  	[sflag:s7] =	ssyncset.done $0x0  }
0xa7: {  	s1 =	sadd.s32 $0x10, s1;
	s6 =	sadd.s32 $0x1800, s6;
	[sflag:s7] =	ssyncadd.s32 $0xFFFF4000  }
0xa8: {  	s31 =	sadd.s32 $0x1, s31;
	s0 =	rddreg [dreg:$0xe]  }
0xa9: {  	p0 =	sne.s32 s31, s0  }
.Ltmp1:
0xaa: {  	_ = 	snop;
	(pc) =	sbr.rel @p0 .LBB2_1-.Ltmp1, $1  }
0xab: {  	_ =	sdelay $0x3  }
0xac: {  	_ =	sfence.sel $0x180000  }
0xad: {  	[bflag:$0x0] =	sbarrier.arrive $0xFFFF  }
0xae: {  	_ =	strace $0x90000047  }
0xaf: {  	s0 =	stileid.u32;
	[bflag:$0x2] =	sbarrier.arrive $0xFFFF  }
0xb0: {  	p0 =	sne.s32 s0, $0x0;
	s0 =	rddreg [dreg:$0x1]  }
0xb1: {  	s0 =	sadd.s32 @!p0 $0x100000, s0  }
0xb2: {  	[sflag:s0] =	ssyncadd.tile.s32 @!p0 $0x1;
	_ =	shalt  }
.Lfunc_end2:
_tile_overlayer_lowered:
.L_overlay_start_2:
0xb3: {  	(tag) =	ssettag $0x2  }
0xb4: {  	s0 =	rddreg [dreg:$0x0];
	s2 =	stileid.u32  }
0xb5: {  	s1 =	rddreg [dreg:$0x1];
	p0 =	sne.s32 s2, $0x0  }
0xb6: {  	s3 =	rddreg [dreg:$0x2];
	[bflag:$0x3] =	sbarrier.arrive $0xFFFF;
	s2 =	simm.s32 @!p0 $0x1C02  }
0xb7: {  	[timem:s3], [sflag:s2] =	dma.local @!p0 [hbm:s0], s1  }
0xb8: {  	s0 =	simm.s32 @!p0 $0x2  }
0xb9: {  	_ =	swait.ge @!p0 [sflag:s0], s1  }
0xba: {  	s1 =	ssub.s32 @!p0 $0x0, s1;
	[sflag:s0] =	ssyncset.done @!p0 $0x0  }
0xbb: {  	[sflag:s0] =	ssyncadd.s32 @!p0 s1  }
0xbc: {  	[bflag:$0x3] =	sbarrier.arrive $0xFFFF  }
0xbd: {  	_ =	shalt  }

// kernel: kernel.22.cloned.1.call-start
scs
__scs_entry_jumppad:
0x0: {  	(pc) =	sbr.rel $0x88, $3  }
0x1: {  	(tag) =	ssettag $0x0;
	lr =	simm.s32 $0x1  }
0x2: {  	[smem:$0x3F8F] =	sst lr;
	_ =	strace $0xD0000000  }
0x3: {  	_ = 	snop  }
0x4: {  	_ = 	snop  }
0x5: {  	_ = 	snop  }
0x6: {  	_ = 	snop  }
0x7: {  	_ = 	snop  }
__scs_overlays_trampoline_lowered:
0x8: {  	[smem:$0x3F9E] =	sst s0  }
0x9: {  	[smem:$0x3F9F] =	sst s1  }
0xa: {  	[smem:$0x3FA0] =	sst s2  }
0xb: {  	[smem:$0x3FA1] =	sst s3  }
0xc: {  	[smem:$0x3FA2] =	sst s4  }
0xd: {  	[smem:$0x3FA3] =	sst s5  }
0xe: {  	[smem:$0x3FA4] =	sst s6  }
0xf: {  	[smem:$0x3FA5] =	sst s7  }
0x10: {  	[smem:$0x3FA6] =	sst s8  }
0x11: {  	[smem:$0x3FA7] =	sst s9;
	s0 =	simm.s32 @!p0 $0x0  }
0x12: {  	s1 =	sld [smem:$0x3F8D];
	s0 =	simm.s32 @p0 $0x1  }
0x13: {  	[smem:$0x3FA8] =	sst s0;
	s0 =	simm.s32 @!p1 $0x0  }
0x14: {  	s2 =	sld [smem:$0x3F8C];
	s0 =	simm.s32 @p1 $0x1  }
0x15: {  	[smem:$0x3FA9] =	sst s0;
	s0 =	simm.s32 @!p2 $0x0  }
0x16: {  	s3 =	sld [smem:$0x3FDB];
	s0 =	simm.s32 @p2 $0x1  }
0x17: {  	s4 =	simm.s32 $0x1BF5;
	[smem:$0x3FAB] =	sst s0  }
0x18: {  	s0 =	sld [smem:$0x3F8E];
	_ =	swait.ge [sflag:s4], $0x0  }
0x19: {  	s7 =	sld [smem:$0x3F8F]  }
0x1a: {  	s8 =	sadd.s32 $0xFFFFE003, lr  }
0x1b: {  	s9 =	sadd.s32 $0xFFFFFEF7, lr;
	s5 =	simm.s32 $0xFFFFFFFF;
	p2 =	slt.u32 s8, $0xFFFFF086  }
0x1c: {  	p1 =	slt.u32 s9, $0xF7A;
	s5 =	simm.s32 @!p2 $0x0  }
0x1d: {  	s5 =	simm.s32 @p1 $0x1;
	p0 =	seq.s32 s7, s2  }
0x1e: {  	s7 =	smul.u32 @!p0 $0xF7A, s2;
	p2 =	seq.s32 @!p0 s5, $0x0  }
0x1f: {  	s9 =	smul.u32 $0xF7A, s1;
	s8 =	simm.s32 @!p0 $0x1BF5;
	p2 =	por !p2, p0  }
0x20: {  	[sflag:s8] =	ssyncset.s32 @!p0 $0xFFFFF086;
	s6 =	sadd.s32 @!p0 s3, s7;
	s7 =	simm.s32 @!p0 $0x108  }
0x21: {  	s3 =	sadd.s32 s3, s9;
	s6 =	sadd.s32 @!p0 $0x88, s6;
	s7 =	simm.s32 @p2 $0x1082  }
0x22: {  	[simem:s7], [sflag:s8] =	dma.local @!p0 [hbm:s6], $0xF7A  }
0x23: {  	s9 =	sor.u32 $0xD0000000, s2;
	s6 =	simm.s32 $0x108;
	_ =	swait.ge @!p0 [sflag:s8], $0x0  }
0x24: {  	s3 =	sadd.s32 $0x88, s3;
	s6 =	simm.s32 @!p1 $0x1082;
	[sflag:s4] =	ssyncset.s32 $0xFFFFF086  }
0x25: {  	[simem:s6], [sflag:s4] =	dma.local [hbm:s3], $0xF7A  }
0x26: {  	[smem:$0x3F8F] =	sst s1;
	(tag) =	ssettag s2;
	_ =	strace s9  }
0x27: {  	s1 =	sld [smem:$0x3F9F]  }
0x28: {  	s2 =	sld [smem:$0x3FA0]  }
0x29: {  	s4 =	sld [smem:$0x3FA2]  }
0x2a: {  	p0 =	seq.s32 s5, $0x0;
	s5 =	sld [smem:$0x3FA3]  }
0x2b: {  	s6 =	sld [smem:$0x3FA4]  }
0x2c: {  	s7 =	sld [smem:$0x3FA5]  }
0x2d: {  	s3 =	simm.s32 $0x108;
	s8 =	sld [smem:$0x3FA6]  }
0x2e: {  	s3 =	simm.s32 @!p0 $0x1082;
	s9 =	sld [smem:$0x3FA7]  }
0x2f: {  	lr =	sadd.s32 s0, s3;
	s0 =	sld [smem:$0x3F9E]  }
0x30: {  	s3 =	sld [smem:$0x3FA1]  }
0x31: {  	[smem:$0x3FAA] =	sst s10  }
0x32: {  	s10 =	sld [smem:$0x3FA8];
	_ =	sdelay $0x3  }
0x33: {  	p0 =	seq.s32 s10, $0x1;
	s10 =	sld [smem:$0x3FAA];
	_ =	sdelay $0x3  }
0x34: {  	[smem:$0x3FAA] =	sst s10  }
0x35: {  	s10 =	sld [smem:$0x3FA9];
	_ =	sdelay $0x3  }
0x36: {  	p1 =	seq.s32 s10, $0x1;
	s10 =	sld [smem:$0x3FAA];
	_ =	sdelay $0x3  }
0x37: {  	[smem:$0x3FAA] =	sst s10  }
0x38: {  	s10 =	sld [smem:$0x3FAB]  }
0x39: {  	_ = 	snop;
	(pc) =	sbr.ind lr, $3  }
0x3a: {  	_ = 	snop  }
0x3b: {  	_ = 	snop  }
0x3c: {  	p2 =	seq.s32 s10, $0x1;
	s10 =	sld [smem:$0x3FAA]  }
0x3d: {  	_ =	shalt  }
0x3e: {  	_ =	shalt  }
0x3f: {  	_ =	shalt  }
0x40: {  	_ =	shalt  }
0x41: {  	_ =	shalt  }
0x42: {  	_ =	shalt  }
0x43: {  	_ =	shalt  }
0x44: {  	_ =	shalt  }
0x45: {  	_ =	shalt  }
0x46: {  	_ =	shalt  }
0x47: {  	_ =	shalt  }
0x48: {  	_ =	shalt  }
0x49: {  	_ =	shalt  }
0x4a: {  	_ =	shalt  }
0x4b: {  	_ =	shalt  }
0x4c: {  	_ =	shalt  }
0x4d: {  	_ =	shalt  }
0x4e: {  	_ =	shalt  }
0x4f: {  	_ =	shalt  }
0x50: {  	_ =	shalt  }
0x51: {  	_ =	shalt  }
0x52: {  	_ =	shalt  }
0x53: {  	_ =	shalt  }
0x54: {  	_ =	shalt  }
0x55: {  	_ =	shalt  }
0x56: {  	_ =	shalt  }
0x57: {  	_ =	shalt  }
0x58: {  	_ =	shalt  }
0x59: {  	_ =	shalt  }
0x5a: {  	_ =	shalt  }
0x5b: {  	_ =	shalt  }
0x5c: {  	_ =	shalt  }
0x5d: {  	_ =	shalt  }
0x5e: {  	_ =	shalt  }
0x5f: {  	_ =	shalt  }
0x60: {  	_ =	shalt  }
0x61: {  	_ =	shalt  }
0x62: {  	_ =	shalt  }
0x63: {  	_ =	shalt  }
0x64: {  	_ =	shalt  }
0x65: {  	_ =	shalt  }
0x66: {  	_ =	shalt  }
0x67: {  	_ =	shalt  }
0x68: {  	_ =	shalt  }
0x69: {  	_ =	shalt  }
0x6a: {  	_ =	shalt  }
0x6b: {  	_ =	shalt  }
0x6c: {  	_ =	shalt  }
0x6d: {  	_ =	shalt  }
0x6e: {  	_ =	shalt  }
0x6f: {  	_ =	shalt  }
0x70: {  	_ =	shalt  }
0x71: {  	_ =	shalt  }
0x72: {  	_ =	shalt  }
0x73: {  	_ =	shalt  }
0x74: {  	_ =	shalt  }
0x75: {  	_ =	shalt  }
0x76: {  	_ =	shalt  }
0x77: {  	_ =	shalt  }
0x78: {  	_ =	shalt  }
0x79: {  	_ =	shalt  }
0x7a: {  	_ =	shalt  }
0x7b: {  	_ =	shalt  }
0x7c: {  	_ =	shalt  }
0x7d: {  	_ =	shalt  }
0x7e: {  	_ =	shalt  }
0x7f: {  	_ =	shalt  }
0x80: {  	_ =	shalt  }
0x81: {  	_ =	shalt  }
0x82: {  	_ =	shalt  }
0x83: {  	_ =	shalt  }
0x84: {  	_ =	shalt  }
0x85: {  	_ =	shalt  }
0x86: {  	_ =	shalt  }
0x87: {  	_ =	shalt  }
.Lfunc_end0:
.L_simem_size_0:
called_computation.1_lowered:
.L_overlay_start_0:
0x88: {  	s2 =	sld [smem:$0x3FD9]  }
0x89: {  	s3 =	sld [smem:$0x3FFE];
	_ =	sdelay $0x1  }
0x8a: {  	s1 =	srdreg.scid  }
0x8b: {  	s0 =	sand.u32 $0x1, s1  }
0x8c: {  	s17 =	sshll.u32 s0, $0xA;
	s2 =	sadd.s32 s3, s2  }
0x8d: {  	s2 =	sadd.s32 s2, s17  }
0x8e: {  	[smem:$0x3FB6] =	sst s2  }
0x8f: {  	_ = 	snop  }
0x90: {  	(tm) =	ssettm $0x1  }
0x91: {  	s18 =	sld [smem:$0x3FFB];
	_ =	sdelay $0x3  }
0x92: {  	_ =	strace s18  }
0x93: {  	s2 =	sld [smem:$0x3FFC];
	_ =	sdelay $0x3  }
0x94: {  	_ =	strace s2  }
0x95: {  	s2 =	sld [smem:$0x3FFD];
	_ =	sdelay $0x3  }
0x96: {  	_ =	strace s2  }
0x97: {  	_ =	strace $0x8FFFFFFF  }
0x98: {  	s19 =	sld [smem:$0x3FDB];
	_ =	sdelay $0x1  }
0x99: {  	s20 =	simm.s32 $_scs_section_size  }
0x9a: {  	s4 =	simm.s32 $_size__tile_overlayer_lowered;
	s5 =	simm.s32 $_tile_overlayer_lowered  }
0x9b: {  	s6 =	simm.s32 $0x1BFF;
	s21 =	sshll.u32 s5, $0x1;
	s3 =	sadd.s32 s20, s19  }
0x9c: {  	s22 =	simm.s32 $0x0;
	s4 =	sshll.u32 s4, $0x1;
	s5 =	sadd.s32 s21, s3  }
0x9d: {  	[timem:s22], [sflag:s6] =	dma.local [hbm:s5], s4  }
0x9e: {  	_ =	swait.ge [sflag:s6], s4  }
0x9f: {  	s4 =	ssub.s32 $0x0, s4;
	[sflag:s6] =	ssyncset.done $0x0  }
0xa0: {  	[sflag:s6] =	ssyncadd.s32 s4;
	_ =	sdelay $0x1  }
0xa1: {  	s23 =	simm.s32 $0x1B8B  }
0xa2: {  	_ =	swait.ge [sflag:s23], $0x1  }
0xa3: {  	[sflag:s23] =	ssyncset.done $0x0  }
0xa4: {  	[sflag:s23] =	ssyncadd.s32 $0xFFFFFFFF  }
0xa5: {  	s4 =	sld [smem:$0x0]  }
0xa6: {  	s5 =	sand.u32 $0xFFFFFFFE, s1  }
0xa7: {  	p0 =	sne.s32 s1, s5  }
0xa8: {  	s5 =	sshll.u32 @p0 s5, $0xE  }
0xa9: {  	s5 =	sadd.s32 @p0 $0x11B8D, s5;
	s6 =	sshll.u32 @p0 s4, $0x11  }
0xaa: {  	s5 =	sor.u32 @p0 s6, s5  }
0xab: {  	[sflag:s5] =	ssyncadd.remote.s32 @p0 $0x1;
	_ =	sdelay $0x1  }
0xac: {  	s5 =	simm.s32 @p0 $0x1B8D  }
0xad: {  	_ =	swait.eq @p0 [sflag:s5], $0x1  }
0xae: {  	[sflag:s5] =	ssyncadd.s32 @p0 $0xFFFFFFFF  }
0xaf: {  	s6 =	sshll.u32 @!p0 s1, $0xE  }
0xb0: {  	s6 =	sor.u32 @!p0 $0x4000, s6;
	s5 =	simm.s32 @!p0 $0x1B8D  }
0xb1: {  	s4 =	sshll.u32 @!p0 s4, $0x11;
	s6 =	sadd.s32 @!p0 $0x11B8D, s6;
	_ =	swait.eq @!p0 [sflag:s5], $0x1  }
0xb2: {  	s4 =	sor.u32 @!p0 s4, s6;
	[sflag:s5] =	ssyncadd.s32 @!p0 $0xFFFFFFFF  }
0xb3: {  	s25 =	simm.s32 $0x1B8E;
	s24 =	sld [smem:$0x3FFE];
	[sflag:s4] =	ssyncadd.remote.s32 @!p0 $0x1  }
0xb4: {  	s26 =	simm.s32 $execute0_lowered;
	[smem:$0x3FD2] =	sst s25  }
0xb5: {  	s5 =	sshll.u32 s26, $0x1;
	_ =	strace $0x80000049;
	[dreg:$0x1] =	wrdreg $0xFFFFFFFF  }
0xb6: {  	s28 =	simm.s32 $_size_execute0_lowered;
	s3 =	sadd.s32 s3, s5;
	[dreg:$0x0] =	wrdreg $0x0  }
0xb7: {  	s5 =	sshll.u32 s28, $0x1;
	[dreg:$0x2] =	wrdreg s3  }
0xb8: {  	[dreg:$0x3] =	wrdreg s5  }
0xb9: {  	[dreg:$0x4] =	wrdreg $0xC0  }
0xba: {  	_ =	task [dreg:s22], $0x5FFFF  }
0xbb: {  	[dreg:$0x1] =	wrdreg $0xFFFFFFFF  }
0xbc: {  	[dreg:$0x0] =	wrdreg $0x60  }
0xbd: {  	[dreg:$0x2] =	wrdreg s24  }
0xbe: {  	[dreg:$0x3] =	wrdreg $0xA  }
0xbf: {  	_ =	task.clear_ibuf [dreg:s22], $0x4FFFF;
	_ =	strace $0x90000049  }
0xc0: {  	s29 =	simm.s32 $0xA;
	_ =	strace $0x8000004B  }
0xc1: {  	_ =	swait.ge [sflag:s29], $0x1  }
0xc2: {  	[sflag:s29] =	ssyncadd.s32 $0xFFFFFFFF  }
0xc3: {  	_ =	strace $0x9000004B  }
0xc4: {  	_ =	sfence  }
0xc5: {  	s30 =	sld [smem:$0x0];
	_ =	sdelay $0x2  }
0xc6: {  	s31 =	sshll.u32 s1, $0xD;
	s1 =	sshrl.u32 s1, $0x2  }
0xc7: {  	s4 =	sand.u32 $0x4000, s31;
	s1 =	sadd.s32 s1, s30  }
0xc8: {  	s0 =	sor.u32 s4, s0;
	s1 =	sshll.u32 s1, $0x11  }
0xc9: {  	s0 =	sor.u32 s1, s0  }
0xca: {  	s0 =	sadd.s32 $0x8F2B, s0  }
0xcb: {  	[sflag:s0] =	ssyncadd.remote.s32 $0x1  }
0xcc: {  	_ =	sfence.sel $0xFFFF  }
0xcd: {  	[dreg:$0x0] =	wrdreg $0xFFFFFFFF;
	(pc) =	sbr.abs _section_cstart, $3  }
0xce: {  	[dreg:$0x1] =	wrdreg $0xFFFFFFFF  }
0xcf: {  	_ =	task.clear_ibuf [dreg:s22], $0x2FFFF;
	_ =	strace $0x9FFFFFFF  }
0xd0: {  	(tm) =	ssettm $0x7FFFFFFF  }
0xd1: {  	_ =	shalt  }
tec
execute0_lowered:
.L_overlay_start_1:
0x0: {  	(tag) =	ssettag $0x1  }
0x1: {  	s0 =	rddreg [dreg:$0x0]  }
0x2: {  	s5 =	stileid.u32;
	s1 =	srdreg.scid  }
0x3: {  	s2 =	simm.s32 $0x0;
	s14 =	simm.s32 $0x880;
	s15 =	simm.s32 $0xC80  }
0x4: {  	s17 =	simm.s32 $0x1480;
	s18 =	simm.s32 $0x1880;
	s19 =	simm.s32 $0x2080  }
0x5: {  	s20 =	simm.s32 $0x2480;
	s21 =	simm.s32 $0x2C80;
	[smem:$0x7FF] =	sst s2  }
0x6: {  	s22 =	simm.s32 $0x3080;
	_ =	strace $0x8000004A;
	[dreg:$0x3] =	wrdreg s14  }
0x7: {  	s23 =	simm.s32 $0x3880;
	s25 =	simm.s32 $0x3C80;
	[dreg:$0x4] =	wrdreg s15  }
0x8: {  	s26 =	simm.s32 $0x4480;
	s8 =	simm.s32 $0x80;
	[dreg:$0x5] =	wrdreg s17  }
0x9: {  	s9 =	simm.s32 $0x4880;
	s10 =	simm.s32 $0x5080;
	[dreg:$0x6] =	wrdreg s18  }
0xa: {  	s11 =	simm.s32 $0x5480;
	s28 =	simm.s32 $0xB480;
	[dreg:$0x7] =	wrdreg s19  }
0xb: {  	s29 =	simm.s32 $0xBC80;
	s30 =	simm.s32 $0x1;
	[dreg:$0x8] =	wrdreg s20  }
0xc: {  	s31 =	simm.s32 $0x0;
	s3 =	sshll.u32 s5, $0x8;
	[dreg:$0x9] =	wrdreg s21  }
0xd: {  	s1 =	sand.u32 $0x1, s1;
	s12 =	smul.u32 $0x18000, s5;
	[dreg:$0xa] =	wrdreg s22  }
0xe: {  	s3 =	sadd.s32 s3, s0;
	s4 =	sshll.u32 s1, $0x7;
	[dreg:$0xb] =	wrdreg s23  }
0xf: {  	s16 =	ssub.s32 $0x2, s1;
	s1 =	smul.u32 $0xC000, s1;
	[dreg:$0xc] =	wrdreg s25  }
0x10: {  	[dreg:$0xd] =	wrdreg s26;
	s14 =	simm.s32 $0x6880;
	s15 =	simm.s32 $0x6C80  }
0x11: {  	s17 =	simm.s32 $0x7880;
	s18 =	simm.s32 $0x8080;
	s19 =	simm.s32 $0x8480  }
0x12: {  	s20 =	simm.s32 $0x8C80;
	s21 =	simm.s32 $0x9080;
	s22 =	simm.s32 $0x9880  }
0x13: {  	s23 =	simm.s32 $0x9C80;
	s25 =	simm.s32 $0xA880;
	s26 =	simm.s32 $0xB080  }
0x14: {  	s3 =	sadd.s32 s4, s3;
	s6 =	sadd.s32 s12, s0;
	s4 =	sadd.s32 $0x1E0D00, s0  }
0x15: {  	s7 =	sshrl.u32 s16, $0x1;
	s12 =	simm.s32 $0x5C80;
	s13 =	sadd.s32 $0x1DFC00, s3  }
0x16: {  	s3 =	sadd.s32 $0x1E0C00, s0;
	s5 =	ssub.s32 s16, s7;
	s1 =	sadd.s32 s1, s6  }
0x17: {  	v2 =	vlaneseq.u32;
	s7 =	simm.s32 $0x2;
	[dreg:$0x2] =	wrdreg s13;
	s5 =	smax.u32 s5, $0x1  }
0x18: {  	vm0 =	vmmov $0xffff;
	vm1 =	vmmov $0xff;
	v1 =	vshrl.u32 v2, $0x3;
	s16 =	simm.s32 $0x7480;
	s24 =	sadd.s32 $0x218C00, s1;
	[dreg:$0xe] =	wrdreg s5  }
0x19: {  	v0 =	vand.u32 $0x7, v2;
	v2 =	vor.u32 $0x8, v2;
	v1 =	vmul.u32 $0x8, v1;
	s13 =	simm.s32 $0x6080;
	[dreg:$0xf] =	wrdreg s24;
	s24 =	simm.s32 $0xA480  }
.LBB2_1:
0x1a: {  	s6 =	rddreg [dreg:$0xf];
	s1 =	simm.s32 $0x0  }
.LBB2_2:
0x1b: {  	s5 =	rddreg [dreg:$0x2]  }
0x1c: {  	s5 =	sadd.s32 s1, s5  }
0x1d: {  	[tilespmem:s2], [sflag:$0x2] =	stream.linear.gather [hbm4b:s5+s2], $0x80, $0x38;
	[tilespmem:$0xC080] =	vst v63  }
0x1e: {  	_ =	swait.ge [sflag:s7], $0x80  }
0x1f: {  	[sflag:s7] =	ssyncset.done $0x0  }
0x20: {  	[sflag:s7] =	ssyncadd.s32 $0xFFFFFF80  }
0x21: {  	v3 =	vld [tilespmem:$0x0];
	_ =	sdelay $0x4  }
0x22: {  	v4 =	vshrl.u32 v3, $0x3  }
0x23: {  	v4 =	vmul.u32 $0x18, v4  }
0x24: {  	v3 =	vand.u32 $0x7, v3  }
0x25: {  	v3 =	vor.u32 v3, v4  }
0x26: {  	v4 =	vperm.xlane v3, v0;
	_ =	sdelay $0x1  }
0x27: {  	v4 =	vadd.s32 v1, v4;
	_ =	sdelay $0x1  }
0x28: {  	v3 =	vperm.xlane v3, v2;
	_ =	sdelay $0x1  }
0x29: {  	v3 =	vadd.s32 v1, v3  }
0x2a: {  	[tilespmem:s8], [sflag:$0x1] =	stream.indirect_vreg.gather [hbm4b:s3+s2], $0x80, v4, vm0, $0xb8;
	[tilespmem:$0xC080] =	vst v63  }
0x2b: {  	s5 =	rddreg [dreg:$0x3]  }
0x2c: {  	[tilespmem:s5], [sflag:$0x1] =	stream.indirect_vreg.gather [hbm4b:s4+s2], $0x80, v4, vm1, $0xb8;
	[tilespmem:$0xC080] =	vst v63  }
0x2d: {  	s0 =	rddreg [dreg:$0x4]  }
0x2e: {  	[tilespmem:s0], [sflag:$0x1] =	stream.indirect_vreg.gather [hbm4b:s3+s2], $0x80, v3, vm0, $0xb8;
	[tilespmem:$0xC080] =	vst v63  }
0x2f: {  	s5 =	rddreg [dreg:$0x5]  }
0x30: {  	[tilespmem:s5], [sflag:$0x1] =	stream.indirect_vreg.gather [hbm4b:s4+s2], $0x80, v3, vm1, $0xb8;
	[tilespmem:$0xC080] =	vst v63  }
0x31: {  	v3 =	vld [tilespmem:$0x10];
	_ =	sdelay $0x4  }
0x32: {  	v57 =	vshrl.u32 v3, $0x3  }
0x33: {  	v4 =	vmul.u32 $0x18, v57  }
0x34: {  	v3 =	vand.u32 $0x7, v3  }
0x35: {  	v3 =	vor.u32 v3, v4  }
0x36: {  	v4 =	vperm.xlane v3, v0;
	_ =	sdelay $0x1  }
0x37: {  	v4 =	vadd.s32 v1, v4;
	_ =	sdelay $0x1  }
0x38: {  	v3 =	vperm.xlane v3, v2;
	_ =	sdelay $0x1  }
0x39: {  	s0 =	rddreg [dreg:$0x6];
	v3 =	vadd.s32 v1, v3  }
0x3a: {  	[tilespmem:s0], [sflag:$0x1] =	stream.indirect_vreg.gather [hbm4b:s3+s2], $0x80, v4, vm0, $0xb8;
	[tilespmem:$0xC080] =	vst v63  }
0x3b: {  	s5 =	rddreg [dreg:$0x7]  }
0x3c: {  	[tilespmem:s5], [sflag:$0x1] =	stream.indirect_vreg.gather [hbm4b:s4+s2], $0x80, v4, vm1, $0xb8;
	[tilespmem:$0xC080] =	vst v63  }
0x3d: {  	s0 =	rddreg [dreg:$0x8]  }
0x3e: {  	[tilespmem:s0], [sflag:$0x1] =	stream.indirect_vreg.gather [hbm4b:s3+s2], $0x80, v3, vm0, $0xb8;
	[tilespmem:$0xC080] =	vst v63  }
0x3f: {  	s5 =	rddreg [dreg:$0x9]  }
0x40: {  	[tilespmem:s5], [sflag:$0x1] =	stream.indirect_vreg.gather [hbm4b:s4+s2], $0x80, v3, vm1, $0xb8;
	[tilespmem:$0xC080] =	vst v63  }
0x41: {  	v3 =	vld [tilespmem:$0x20];
	_ =	sdelay $0x4  }
0x42: {  	v58 =	vshrl.u32 v3, $0x3  }
0x43: {  	v4 =	vmul.u32 $0x18, v58  }
0x44: {  	v3 =	vand.u32 $0x7, v3  }
0x45: {  	v3 =	vor.u32 v3, v4  }
0x46: {  	v4 =	vperm.xlane v3, v0;
	_ =	sdelay $0x1  }
0x47: {  	v4 =	vadd.s32 v1, v4;
	_ =	sdelay $0x1  }
0x48: {  	v3 =	vperm.xlane v3, v2;
	_ =	sdelay $0x1  }
0x49: {  	s0 =	rddreg [dreg:$0xa];
	v3 =	vadd.s32 v1, v3  }
0x4a: {  	[tilespmem:s0], [sflag:$0x1] =	stream.indirect_vreg.gather [hbm4b:s3+s2], $0x80, v4, vm0, $0xb8;
	[tilespmem:$0xC080] =	vst v63  }
0x4b: {  	s5 =	rddreg [dreg:$0xb]  }
0x4c: {  	[tilespmem:s5], [sflag:$0x1] =	stream.indirect_vreg.gather [hbm4b:s4+s2], $0x80, v4, vm1, $0xb8;
	[tilespmem:$0xC080] =	vst v63  }
0x4d: {  	s0 =	rddreg [dreg:$0xc]  }
0x4e: {  	[tilespmem:s0], [sflag:$0x1] =	stream.indirect_vreg.gather [hbm4b:s3+s2], $0x80, v3, vm0, $0xb8;
	[tilespmem:$0xC080] =	vst v63  }
0x4f: {  	s5 =	rddreg [dreg:$0xd]  }
0x50: {  	[tilespmem:s5], [sflag:$0x1] =	stream.indirect_vreg.gather [hbm4b:s4+s2], $0x80, v3, vm1, $0xb8;
	[tilespmem:$0xC080] =	vst v63  }
0x51: {  	v3 =	vld [tilespmem:$0x30];
	_ =	sdelay $0x4  }
0x52: {  	v59 =	vshrl.u32 v3, $0x3  }
0x53: {  	v4 =	vmul.u32 $0x18, v59  }
0x54: {  	v3 =	vand.u32 $0x7, v3  }
0x55: {  	v3 =	vor.u32 v3, v4  }
0x56: {  	v4 =	vperm.xlane v3, v0;
	_ =	sdelay $0x1  }
0x57: {  	v4 =	vadd.s32 v1, v4;
	_ =	sdelay $0x1  }
0x58: {  	v3 =	vperm.xlane v3, v2;
	_ =	sdelay $0x1  }
0x59: {  	v3 =	vadd.s32 v1, v3  }
0x5a: {  	[tilespmem:s9], [sflag:$0x1] =	stream.indirect_vreg.gather [hbm4b:s3+s2], $0x80, v4, vm0, $0xb8;
	[tilespmem:$0xC080] =	vst v63  }
0x5b: {  	_ = 	snop  }
0x5c: {  	[tilespmem:s10], [sflag:$0x1] =	stream.indirect_vreg.gather [hbm4b:s4+s2], $0x80, v4, vm1, $0xb8;
	[tilespmem:$0xC080] =	vst v63  }
0x5d: {  	_ = 	snop  }
0x5e: {  	[tilespmem:s11], [sflag:$0x1] =	stream.indirect_vreg.gather [hbm4b:s3+s2], $0x80, v3, vm0, $0xb8;
	[tilespmem:$0xC080] =	vst v63  }
0x5f: {  	_ = 	snop  }
0x60: {  	[tilespmem:s12], [sflag:$0x1] =	stream.indirect_vreg.gather [hbm4b:s4+s2], $0x80, v3, vm1, $0xb8;
	[tilespmem:$0xC080] =	vst v63  }
0x61: {  	v3 =	vld [tilespmem:$0x40];
	_ =	sdelay $0x4  }
0x62: {  	v60 =	vshrl.u32 v3, $0x3  }
0x63: {  	v4 =	vmul.u32 $0x18, v60  }
0x64: {  	v3 =	vand.u32 $0x7, v3  }
0x65: {  	v3 =	vor.u32 v3, v4  }
0x66: {  	v4 =	vperm.xlane v3, v0;
	_ =	sdelay $0x1  }
0x67: {  	v4 =	vadd.s32 v1, v4;
	_ =	sdelay $0x1  }
0x68: {  	v3 =	vperm.xlane v3, v2;
	_ =	sdelay $0x1  }
0x69: {  	v3 =	vadd.s32 v1, v3  }
0x6a: {  	[tilespmem:s13], [sflag:$0x1] =	stream.indirect_vreg.gather [hbm4b:s3+s2], $0x80, v4, vm0, $0xb8;
	[tilespmem:$0xC080] =	vst v63  }
0x6b: {  	_ = 	snop  }
0x6c: {  	[tilespmem:s14], [sflag:$0x1] =	stream.indirect_vreg.gather [hbm4b:s4+s2], $0x80, v4, vm1, $0xb8;
	[tilespmem:$0xC080] =	vst v63  }
0x6d: {  	_ = 	snop  }
0x6e: {  	[tilespmem:s15], [sflag:$0x1] =	stream.indirect_vreg.gather [hbm4b:s3+s2], $0x80, v3, vm0, $0xb8;
	[tilespmem:$0xC080] =	vst v63  }
0x6f: {  	_ = 	snop  }
0x70: {  	[tilespmem:s16], [sflag:$0x1] =	stream.indirect_vreg.gather [hbm4b:s4+s2], $0x80, v3, vm1, $0xb8;
	[tilespmem:$0xC080] =	vst v63  }
0x71: {  	v3 =	vld [tilespmem:$0x50];
	_ =	sdelay $0x4  }
0x72: {  	v61 =	vshrl.u32 v3, $0x3  }
0x73: {  	v4 =	vmul.u32 $0x18, v61  }
0x74: {  	v3 =	vand.u32 $0x7, v3  }
0x75: {  	v3 =	vor.u32 v3, v4  }
0x76: {  	v4 =	vperm.xlane v3, v0;
	_ =	sdelay $0x1  }
0x77: {  	v4 =	vadd.s32 v1, v4;
	_ =	sdelay $0x1  }
0x78: {  	v3 =	vperm.xlane v3, v2;
	_ =	sdelay $0x1  }
0x79: {  	v3 =	vadd.s32 v1, v3  }
0x7a: {  	[tilespmem:s17], [sflag:$0x1] =	stream.indirect_vreg.gather [hbm4b:s3+s2], $0x80, v4, vm0, $0xb8;
	[tilespmem:$0xC080] =	vst v63  }
0x7b: {  	_ = 	snop  }
0x7c: {  	[tilespmem:s18], [sflag:$0x1] =	stream.indirect_vreg.gather [hbm4b:s4+s2], $0x80, v4, vm1, $0xb8;
	[tilespmem:$0xC080] =	vst v63  }
0x7d: {  	_ = 	snop  }
0x7e: {  	[tilespmem:s19], [sflag:$0x1] =	stream.indirect_vreg.gather [hbm4b:s3+s2], $0x80, v3, vm0, $0xb8;
	[tilespmem:$0xC080] =	vst v63  }
0x7f: {  	_ = 	snop  }
0x80: {  	[tilespmem:s20], [sflag:$0x1] =	stream.indirect_vreg.gather [hbm4b:s4+s2], $0x80, v3, vm1, $0xb8;
	[tilespmem:$0xC080] =	vst v63  }
0x81: {  	v3 =	vld [tilespmem:$0x60];
	_ =	sdelay $0x4  }
0x82: {  	v62 =	vshrl.u32 v3, $0x3  }
0x83: {  	v4 =	vmul.u32 $0x18, v62  }
0x84: {  	v3 =	vand.u32 $0x7, v3  }
0x85: {  	v3 =	vor.u32 v3, v4  }
0x86: {  	v4 =	vperm.xlane v3, v0;
	_ =	sdelay $0x1  }
0x87: {  	v4 =	vadd.s32 v1, v4;
	_ =	sdelay $0x1  }
0x88: {  	v3 =	vperm.xlane v3, v2;
	_ =	sdelay $0x1  }
0x89: {  	v3 =	vadd.s32 v1, v3  }
0x8a: {  	[tilespmem:s21], [sflag:$0x1] =	stream.indirect_vreg.gather [hbm4b:s3+s2], $0x80, v4, vm0, $0xb8;
	[tilespmem:$0xC080] =	vst v63  }
0x8b: {  	_ = 	snop  }
0x8c: {  	[tilespmem:s22], [sflag:$0x1] =	stream.indirect_vreg.gather [hbm4b:s4+s2], $0x80, v4, vm1, $0xb8;
	[tilespmem:$0xC080] =	vst v63  }
0x8d: {  	_ = 	snop  }
0x8e: {  	[tilespmem:s23], [sflag:$0x1] =	stream.indirect_vreg.gather [hbm4b:s3+s2], $0x80, v3, vm0, $0xb8;
	[tilespmem:$0xC080] =	vst v63  }
0x8f: {  	_ = 	snop  }
0x90: {  	[tilespmem:s24], [sflag:$0x1] =	stream.indirect_vreg.gather [hbm4b:s4+s2], $0x80, v3, vm1, $0xb8;
	[tilespmem:$0xC080] =	vst v63  }
0x91: {  	v3 =	vld [tilespmem:$0x70];
	_ =	sdelay $0x4  }
0x92: {  	v63 =	vshrl.u32 v3, $0x3  }
0x93: {  	v4 =	vmul.u32 $0x18, v63  }
0x94: {  	v3 =	vand.u32 $0x7, v3  }
0x95: {  	v3 =	vor.u32 v3, v4  }
0x96: {  	v4 =	vperm.xlane v3, v0;
	_ =	sdelay $0x1  }
0x97: {  	v4 =	vadd.s32 v1, v4;
	_ =	sdelay $0x1  }
0x98: {  	v3 =	vperm.xlane v3, v2;
	_ =	sdelay $0x1  }
0x99: {  	v3 =	vadd.s32 v1, v3  }
0x9a: {  	[tilespmem:s25], [sflag:$0x1] =	stream.indirect_vreg.gather [hbm4b:s3+s2], $0x80, v4, vm0, $0xb8;
	[tilespmem:$0xC080] =	vst v63  }
0x9b: {  	_ = 	snop  }
0x9c: {  	[tilespmem:s26], [sflag:$0x1] =	stream.indirect_vreg.gather [hbm4b:s4+s2], $0x80, v4, vm1, $0xb8;
	[tilespmem:$0xC080] =	vst v63  }
0x9d: {  	_ = 	snop  }
0x9e: {  	[tilespmem:s28], [sflag:$0x1] =	stream.indirect_vreg.gather [hbm4b:s3+s2], $0x80, v3, vm0, $0xb8;
	[tilespmem:$0xC080] =	vst v63  }
0x9f: {  	_ = 	snop  }
0xa0: {  	[tilespmem:s29], [sflag:$0x1] =	stream.indirect_vreg.gather [hbm4b:s4+s2], $0x80, v3, vm1, $0xb8;
	[tilespmem:$0xC080] =	vst v63  }
0xa1: {  	_ =	swait.ge [sflag:s30], $0xC000  }
0xa2: {  	p0 =	sne.s32 s1, $0x70;
	[sflag:s30] =	ssyncset.done $0x0  }
.Ltmp0:
0xa3: {  	[sflag:s30] =	ssyncadd.s32 $0xFFFF4000;
	(pc) =	sbr.rel @p0 .LBB2_2-.Ltmp0, $4  }
0xa4: {  	[hbm4b:s6+s2] =	stream.linear.scatter [tilespmem:s8], [sflag:$0x2], $0xC000, $0x38;
	[tilespmem:$0xC080] =	vst v63  }
0xa5: {  	_ =	swait.ge [sflag:s7], $0xC000  }
0xa6: {  	[sflag:s7] =	ssyncset.done $0x0  }
0xa7: {  	s1 =	sadd.s32 $0x10, s1;
	s6 =	sadd.s32 $0x1800, s6;
	[sflag:s7] =	ssyncadd.s32 $0xFFFF4000  }
0xa8: {  	s31 =	sadd.s32 $0x1, s31;
	s0 =	rddreg [dreg:$0xe]  }
0xa9: {  	p0 =	sne.s32 s31, s0  }
.Ltmp1:
0xaa: {  	_ = 	snop;
	(pc) =	sbr.rel @p0 .LBB2_1-.Ltmp1, $1  }
0xab: {  	_ =	sdelay $0x3  }
0xac: {  	_ =	sfence.sel $0x180000  }
0xad: {  	[bflag:$0x0] =	sbarrier.arrive $0xFFFF  }
0xae: {  	_ =	strace $0x9000004A  }
0xaf: {  	s0 =	stileid.u32;
	[bflag:$0x2] =	sbarrier.arrive $0xFFFF  }
0xb0: {  	p0 =	sne.s32 s0, $0x0;
	s0 =	rddreg [dreg:$0x1]  }
0xb1: {  	s0 =	sadd.s32 @!p0 $0x100000, s0  }
0xb2: {  	[sflag:s0] =	ssyncadd.tile.s32 @!p0 $0x1;
	_ =	shalt  }
.Lfunc_end2:
_tile_overlayer_lowered:
.L_overlay_start_2:
0xb3: {  	(tag) =	ssettag $0x2  }
0xb4: {  	s0 =	rddreg [dreg:$0x0];
	s2 =	stileid.u32  }
0xb5: {  	s1 =	rddreg [dreg:$0x1];
	p0 =	sne.s32 s2, $0x0  }
0xb6: {  	s3 =	rddreg [dreg:$0x2];
	[bflag:$0x3] =	sbarrier.arrive $0xFFFF;
	s2 =	simm.s32 @!p0 $0x1C02  }
0xb7: {  	[timem:s3], [sflag:s2] =	dma.local @!p0 [hbm:s0], s1  }
0xb8: {  	s0 =	simm.s32 @!p0 $0x2  }
0xb9: {  	_ =	swait.ge @!p0 [sflag:s0], s1  }
0xba: {  	s1 =	ssub.s32 @!p0 $0x0, s1;
	[sflag:s0] =	ssyncset.done @!p0 $0x0  }
0xbb: {  	[sflag:s0] =	ssyncadd.s32 @!p0 s1  }
0xbc: {  	[bflag:$0x3] =	sbarrier.arrive $0xFFFF  }
0xbd: {  	_ =	shalt  }

// kernel: kernel.25.cloned.1.call-start
scs
__scs_entry_jumppad:
0x0: {  	(pc) =	sbr.rel $0x88, $3  }
0x1: {  	(tag) =	ssettag $0x0;
	lr =	simm.s32 $0x1  }
0x2: {  	[smem:$0x3F8F] =	sst lr;
	_ =	strace $0xD0000000  }
0x3: {  	_ = 	snop  }
0x4: {  	_ = 	snop  }
0x5: {  	_ = 	snop  }
0x6: {  	_ = 	snop  }
0x7: {  	_ = 	snop  }
__scs_overlays_trampoline_lowered:
0x8: {  	[smem:$0x3F9E] =	sst s0  }
0x9: {  	[smem:$0x3F9F] =	sst s1  }
0xa: {  	[smem:$0x3FA0] =	sst s2  }
0xb: {  	[smem:$0x3FA1] =	sst s3  }
0xc: {  	[smem:$0x3FA2] =	sst s4  }
0xd: {  	[smem:$0x3FA3] =	sst s5  }
0xe: {  	[smem:$0x3FA4] =	sst s6  }
0xf: {  	[smem:$0x3FA5] =	sst s7  }
0x10: {  	[smem:$0x3FA6] =	sst s8  }
0x11: {  	[smem:$0x3FA7] =	sst s9;
	s0 =	simm.s32 @!p0 $0x0  }
0x12: {  	s1 =	sld [smem:$0x3F8D];
	s0 =	simm.s32 @p0 $0x1  }
0x13: {  	[smem:$0x3FA8] =	sst s0;
	s0 =	simm.s32 @!p1 $0x0  }
0x14: {  	s2 =	sld [smem:$0x3F8C];
	s0 =	simm.s32 @p1 $0x1  }
0x15: {  	[smem:$0x3FA9] =	sst s0;
	s0 =	simm.s32 @!p2 $0x0  }
0x16: {  	s3 =	sld [smem:$0x3FDB];
	s0 =	simm.s32 @p2 $0x1  }
0x17: {  	s4 =	simm.s32 $0x1BF5;
	[smem:$0x3FAB] =	sst s0  }
0x18: {  	s0 =	sld [smem:$0x3F8E];
	_ =	swait.ge [sflag:s4], $0x0  }
0x19: {  	s7 =	sld [smem:$0x3F8F]  }
0x1a: {  	s8 =	sadd.s32 $0xFFFFE003, lr  }
0x1b: {  	s9 =	sadd.s32 $0xFFFFFEF7, lr;
	s5 =	simm.s32 $0xFFFFFFFF;
	p2 =	slt.u32 s8, $0xFFFFF086  }
0x1c: {  	p1 =	slt.u32 s9, $0xF7A;
	s5 =	simm.s32 @!p2 $0x0  }
0x1d: {  	s5 =	simm.s32 @p1 $0x1;
	p0 =	seq.s32 s7, s2  }
0x1e: {  	s7 =	smul.u32 @!p0 $0xF7A, s2;
	p2 =	seq.s32 @!p0 s5, $0x0  }
0x1f: {  	s9 =	smul.u32 $0xF7A, s1;
	s8 =	simm.s32 @!p0 $0x1BF5;
	p2 =	por !p2, p0  }
0x20: {  	[sflag:s8] =	ssyncset.s32 @!p0 $0xFFFFF086;
	s6 =	sadd.s32 @!p0 s3, s7;
	s7 =	simm.s32 @!p0 $0x108  }
0x21: {  	s3 =	sadd.s32 s3, s9;
	s6 =	sadd.s32 @!p0 $0x88, s6;
	s7 =	simm.s32 @p2 $0x1082  }
0x22: {  	[simem:s7], [sflag:s8] =	dma.local @!p0 [hbm:s6], $0xF7A  }
0x23: {  	s9 =	sor.u32 $0xD0000000, s2;
	s6 =	simm.s32 $0x108;
	_ =	swait.ge @!p0 [sflag:s8], $0x0  }
0x24: {  	s3 =	sadd.s32 $0x88, s3;
	s6 =	simm.s32 @!p1 $0x1082;
	[sflag:s4] =	ssyncset.s32 $0xFFFFF086  }
0x25: {  	[simem:s6], [sflag:s4] =	dma.local [hbm:s3], $0xF7A  }
0x26: {  	[smem:$0x3F8F] =	sst s1;
	(tag) =	ssettag s2;
	_ =	strace s9  }
0x27: {  	s1 =	sld [smem:$0x3F9F]  }
0x28: {  	s2 =	sld [smem:$0x3FA0]  }
0x29: {  	s4 =	sld [smem:$0x3FA2]  }
0x2a: {  	p0 =	seq.s32 s5, $0x0;
	s5 =	sld [smem:$0x3FA3]  }
0x2b: {  	s6 =	sld [smem:$0x3FA4]  }
0x2c: {  	s7 =	sld [smem:$0x3FA5]  }
0x2d: {  	s3 =	simm.s32 $0x108;
	s8 =	sld [smem:$0x3FA6]  }
0x2e: {  	s3 =	simm.s32 @!p0 $0x1082;
	s9 =	sld [smem:$0x3FA7]  }
0x2f: {  	lr =	sadd.s32 s0, s3;
	s0 =	sld [smem:$0x3F9E]  }
0x30: {  	s3 =	sld [smem:$0x3FA1]  }
0x31: {  	[smem:$0x3FAA] =	sst s10  }
0x32: {  	s10 =	sld [smem:$0x3FA8];
	_ =	sdelay $0x3  }
0x33: {  	p0 =	seq.s32 s10, $0x1;
	s10 =	sld [smem:$0x3FAA];
	_ =	sdelay $0x3  }
0x34: {  	[smem:$0x3FAA] =	sst s10  }
0x35: {  	s10 =	sld [smem:$0x3FA9];
	_ =	sdelay $0x3  }
0x36: {  	p1 =	seq.s32 s10, $0x1;
	s10 =	sld [smem:$0x3FAA];
	_ =	sdelay $0x3  }
0x37: {  	[smem:$0x3FAA] =	sst s10  }
0x38: {  	s10 =	sld [smem:$0x3FAB]  }
0x39: {  	_ = 	snop;
	(pc) =	sbr.ind lr, $3  }
0x3a: {  	_ = 	snop  }
0x3b: {  	_ = 	snop  }
0x3c: {  	p2 =	seq.s32 s10, $0x1;
	s10 =	sld [smem:$0x3FAA]  }
0x3d: {  	_ =	shalt  }
0x3e: {  	_ =	shalt  }
0x3f: {  	_ =	shalt  }
0x40: {  	_ =	shalt  }
0x41: {  	_ =	shalt  }
0x42: {  	_ =	shalt  }
0x43: {  	_ =	shalt  }
0x44: {  	_ =	shalt  }
0x45: {  	_ =	shalt  }
0x46: {  	_ =	shalt  }
0x47: {  	_ =	shalt  }
0x48: {  	_ =	shalt  }
0x49: {  	_ =	shalt  }
0x4a: {  	_ =	shalt  }
0x4b: {  	_ =	shalt  }
0x4c: {  	_ =	shalt  }
0x4d: {  	_ =	shalt  }
0x4e: {  	_ =	shalt  }
0x4f: {  	_ =	shalt  }
0x50: {  	_ =	shalt  }
0x51: {  	_ =	shalt  }
0x52: {  	_ =	shalt  }
0x53: {  	_ =	shalt  }
0x54: {  	_ =	shalt  }
0x55: {  	_ =	shalt  }
0x56: {  	_ =	shalt  }
0x57: {  	_ =	shalt  }
0x58: {  	_ =	shalt  }
0x59: {  	_ =	shalt  }
0x5a: {  	_ =	shalt  }
0x5b: {  	_ =	shalt  }
0x5c: {  	_ =	shalt  }
0x5d: {  	_ =	shalt  }
0x5e: {  	_ =	shalt  }
0x5f: {  	_ =	shalt  }
0x60: {  	_ =	shalt  }
0x61: {  	_ =	shalt  }
0x62: {  	_ =	shalt  }
0x63: {  	_ =	shalt  }
0x64: {  	_ =	shalt  }
0x65: {  	_ =	shalt  }
0x66: {  	_ =	shalt  }
0x67: {  	_ =	shalt  }
0x68: {  	_ =	shalt  }
0x69: {  	_ =	shalt  }
0x6a: {  	_ =	shalt  }
0x6b: {  	_ =	shalt  }
0x6c: {  	_ =	shalt  }
0x6d: {  	_ =	shalt  }
0x6e: {  	_ =	shalt  }
0x6f: {  	_ =	shalt  }
0x70: {  	_ =	shalt  }
0x71: {  	_ =	shalt  }
0x72: {  	_ =	shalt  }
0x73: {  	_ =	shalt  }
0x74: {  	_ =	shalt  }
0x75: {  	_ =	shalt  }
0x76: {  	_ =	shalt  }
0x77: {  	_ =	shalt  }
0x78: {  	_ =	shalt  }
0x79: {  	_ =	shalt  }
0x7a: {  	_ =	shalt  }
0x7b: {  	_ =	shalt  }
0x7c: {  	_ =	shalt  }
0x7d: {  	_ =	shalt  }
0x7e: {  	_ =	shalt  }
0x7f: {  	_ =	shalt  }
0x80: {  	_ =	shalt  }
0x81: {  	_ =	shalt  }
0x82: {  	_ =	shalt  }
0x83: {  	_ =	shalt  }
0x84: {  	_ =	shalt  }
0x85: {  	_ =	shalt  }
0x86: {  	_ =	shalt  }
0x87: {  	_ =	shalt  }
.Lfunc_end0:
.L_simem_size_0:
called_computation.2_lowered:
.L_overlay_start_0:
0x88: {  	s2 =	sld [smem:$0x3FD9]  }
0x89: {  	s3 =	sld [smem:$0x3FFE];
	_ =	sdelay $0x1  }
0x8a: {  	s1 =	srdreg.scid  }
0x8b: {  	s0 =	sand.u32 $0x1, s1  }
0x8c: {  	s17 =	sshll.u32 s0, $0xA;
	s2 =	sadd.s32 s3, s2  }
0x8d: {  	s2 =	sadd.s32 s2, s17  }
0x8e: {  	[smem:$0x3FB6] =	sst s2  }
0x8f: {  	_ = 	snop  }
0x90: {  	(tm) =	ssettm $0x1  }
0x91: {  	s18 =	sld [smem:$0x3FFB];
	_ =	sdelay $0x3  }
0x92: {  	_ =	strace s18  }
0x93: {  	s2 =	sld [smem:$0x3FFC];
	_ =	sdelay $0x3  }
0x94: {  	_ =	strace s2  }
0x95: {  	s2 =	sld [smem:$0x3FFD];
	_ =	sdelay $0x3  }
0x96: {  	_ =	strace s2  }
0x97: {  	_ =	strace $0x8FFFFFFF  }
0x98: {  	s19 =	sld [smem:$0x3FDB];
	_ =	sdelay $0x1  }
0x99: {  	s20 =	simm.s32 $_scs_section_size  }
0x9a: {  	s4 =	simm.s32 $_size__tile_overlayer_lowered;
	s5 =	simm.s32 $_tile_overlayer_lowered  }
0x9b: {  	s6 =	simm.s32 $0x1BFF;
	s21 =	sshll.u32 s5, $0x1;
	s3 =	sadd.s32 s20, s19  }
0x9c: {  	s22 =	simm.s32 $0x0;
	s4 =	sshll.u32 s4, $0x1;
	s5 =	sadd.s32 s21, s3  }
0x9d: {  	[timem:s22], [sflag:s6] =	dma.local [hbm:s5], s4  }
0x9e: {  	_ =	swait.ge [sflag:s6], s4  }
0x9f: {  	s4 =	ssub.s32 $0x0, s4;
	[sflag:s6] =	ssyncset.done $0x0  }
0xa0: {  	[sflag:s6] =	ssyncadd.s32 s4;
	_ =	sdelay $0x1  }
0xa1: {  	s23 =	simm.s32 $0x1B8B  }
0xa2: {  	_ =	swait.ge [sflag:s23], $0x1  }
0xa3: {  	[sflag:s23] =	ssyncset.done $0x0  }
0xa4: {  	[sflag:s23] =	ssyncadd.s32 $0xFFFFFFFF  }
0xa5: {  	s4 =	sld [smem:$0x0]  }
0xa6: {  	s5 =	sand.u32 $0xFFFFFFFE, s1  }
0xa7: {  	p0 =	sne.s32 s1, s5  }
0xa8: {  	s5 =	sshll.u32 @p0 s5, $0xE  }
0xa9: {  	s5 =	sadd.s32 @p0 $0x11B8D, s5;
	s6 =	sshll.u32 @p0 s4, $0x11  }
0xaa: {  	s5 =	sor.u32 @p0 s6, s5  }
0xab: {  	[sflag:s5] =	ssyncadd.remote.s32 @p0 $0x1;
	_ =	sdelay $0x1  }
0xac: {  	s5 =	simm.s32 @p0 $0x1B8D  }
0xad: {  	_ =	swait.eq @p0 [sflag:s5], $0x1  }
0xae: {  	[sflag:s5] =	ssyncadd.s32 @p0 $0xFFFFFFFF  }
0xaf: {  	s6 =	sshll.u32 @!p0 s1, $0xE  }
0xb0: {  	s6 =	sor.u32 @!p0 $0x4000, s6;
	s5 =	simm.s32 @!p0 $0x1B8D  }
0xb1: {  	s4 =	sshll.u32 @!p0 s4, $0x11;
	s6 =	sadd.s32 @!p0 $0x11B8D, s6;
	_ =	swait.eq @!p0 [sflag:s5], $0x1  }
0xb2: {  	s4 =	sor.u32 @!p0 s4, s6;
	[sflag:s5] =	ssyncadd.s32 @!p0 $0xFFFFFFFF  }
0xb3: {  	s25 =	simm.s32 $0x1B8E;
	s24 =	sld [smem:$0x3FFE];
	[sflag:s4] =	ssyncadd.remote.s32 @!p0 $0x1  }
0xb4: {  	s26 =	simm.s32 $execute0_lowered;
	[smem:$0x3FD2] =	sst s25  }
0xb5: {  	s5 =	sshll.u32 s26, $0x1;
	_ =	strace $0x8000004C;
	[dreg:$0x1] =	wrdreg $0xFFFFFFFF  }
0xb6: {  	s28 =	simm.s32 $_size_execute0_lowered;
	s3 =	sadd.s32 s3, s5;
	[dreg:$0x0] =	wrdreg $0x0  }
0xb7: {  	s5 =	sshll.u32 s28, $0x1;
	[dreg:$0x2] =	wrdreg s3  }
0xb8: {  	[dreg:$0x3] =	wrdreg s5  }
0xb9: {  	[dreg:$0x4] =	wrdreg $0xC0  }
0xba: {  	_ =	task [dreg:s22], $0x5FFFF  }
0xbb: {  	[dreg:$0x1] =	wrdreg $0xFFFFFFFF  }
0xbc: {  	[dreg:$0x0] =	wrdreg $0x60  }
0xbd: {  	[dreg:$0x2] =	wrdreg s24  }
0xbe: {  	[dreg:$0x3] =	wrdreg $0xB  }
0xbf: {  	_ =	task.clear_ibuf [dreg:s22], $0x4FFFF;
	_ =	strace $0x9000004C  }
0xc0: {  	s29 =	simm.s32 $0xB;
	_ =	strace $0x8000004E  }
0xc1: {  	_ =	swait.ge [sflag:s29], $0x1  }
0xc2: {  	[sflag:s29] =	ssyncadd.s32 $0xFFFFFFFF  }
0xc3: {  	_ =	strace $0x9000004E  }
0xc4: {  	_ =	sfence  }
0xc5: {  	s30 =	sld [smem:$0x0];
	_ =	sdelay $0x2  }
0xc6: {  	s31 =	sshll.u32 s1, $0xD;
	s1 =	sshrl.u32 s1, $0x2  }
0xc7: {  	s4 =	sand.u32 $0x4000, s31;
	s1 =	sadd.s32 s1, s30  }
0xc8: {  	s0 =	sor.u32 s4, s0;
	s1 =	sshll.u32 s1, $0x11  }
0xc9: {  	s0 =	sor.u32 s1, s0  }
0xca: {  	s0 =	sadd.s32 $0x8F2B, s0  }
0xcb: {  	[sflag:s0] =	ssyncadd.remote.s32 $0x1  }
0xcc: {  	_ =	sfence.sel $0xFFFF  }
0xcd: {  	[dreg:$0x0] =	wrdreg $0xFFFFFFFF;
	(pc) =	sbr.abs _section_cstart, $3  }
0xce: {  	[dreg:$0x1] =	wrdreg $0xFFFFFFFF  }
0xcf: {  	_ =	task.clear_ibuf [dreg:s22], $0x2FFFF;
	_ =	strace $0x9FFFFFFF  }
0xd0: {  	(tm) =	ssettm $0x7FFFFFFF  }
0xd1: {  	_ =	shalt  }
tec
execute0_lowered:
.L_overlay_start_1:
0x0: {  	(tag) =	ssettag $0x1  }
0x1: {  	s0 =	rddreg [dreg:$0x0]  }
0x2: {  	s5 =	stileid.u32;
	s1 =	srdreg.scid  }
0x3: {  	s2 =	simm.s32 $0x0;
	s14 =	simm.s32 $0x880;
	s15 =	simm.s32 $0xC80  }
0x4: {  	s17 =	simm.s32 $0x1480;
	s18 =	simm.s32 $0x1880;
	s19 =	simm.s32 $0x2080  }
0x5: {  	s20 =	simm.s32 $0x2480;
	s21 =	simm.s32 $0x2C80;
	[smem:$0x7FF] =	sst s2  }
0x6: {  	s22 =	simm.s32 $0x3080;
	_ =	strace $0x8000004D;
	[dreg:$0x3] =	wrdreg s14  }
0x7: {  	s23 =	simm.s32 $0x3880;
	s25 =	simm.s32 $0x3C80;
	[dreg:$0x4] =	wrdreg s15  }
0x8: {  	s26 =	simm.s32 $0x4480;
	s8 =	simm.s32 $0x80;
	[dreg:$0x5] =	wrdreg s17  }
0x9: {  	s9 =	simm.s32 $0x4880;
	s10 =	simm.s32 $0x5080;
	[dreg:$0x6] =	wrdreg s18  }
0xa: {  	s11 =	simm.s32 $0x5480;
	s28 =	simm.s32 $0xB480;
	[dreg:$0x7] =	wrdreg s19  }
0xb: {  	s29 =	simm.s32 $0xBC80;
	s30 =	simm.s32 $0x1;
	[dreg:$0x8] =	wrdreg s20  }
0xc: {  	s31 =	simm.s32 $0x0;
	s3 =	sshll.u32 s5, $0x8;
	[dreg:$0x9] =	wrdreg s21  }
0xd: {  	s1 =	sand.u32 $0x1, s1;
	s12 =	smul.u32 $0x18000, s5;
	[dreg:$0xa] =	wrdreg s22  }
0xe: {  	s3 =	sadd.s32 s3, s0;
	s4 =	sshll.u32 s1, $0x7;
	[dreg:$0xb] =	wrdreg s23  }
0xf: {  	s16 =	ssub.s32 $0x2, s1;
	s1 =	smul.u32 $0xC000, s1;
	[dreg:$0xc] =	wrdreg s25  }
0x10: {  	[dreg:$0xd] =	wrdreg s26;
	s14 =	simm.s32 $0x6880;
	s15 =	simm.s32 $0x6C80  }
0x11: {  	s17 =	simm.s32 $0x7880;
	s18 =	simm.s32 $0x8080;
	s19 =	simm.s32 $0x8480  }
0x12: {  	s20 =	simm.s32 $0x8C80;
	s21 =	simm.s32 $0x9080;
	s22 =	simm.s32 $0x9880  }
0x13: {  	s23 =	simm.s32 $0x9C80;
	s25 =	simm.s32 $0xA880;
	s26 =	simm.s32 $0xB080  }
0x14: {  	s3 =	sadd.s32 s4, s3;
	s6 =	sadd.s32 s12, s0;
	s4 =	sadd.s32 $0x399D00, s0  }
0x15: {  	s7 =	sshrl.u32 s16, $0x1;
	s12 =	simm.s32 $0x5C80;
	s13 =	sadd.s32 $0x398C00, s3  }
0x16: {  	s3 =	sadd.s32 $0x399C00, s0;
	s5 =	ssub.s32 s16, s7;
	s1 =	sadd.s32 s1, s6  }
0x17: {  	v2 =	vlaneseq.u32;
	s7 =	simm.s32 $0x2;
	[dreg:$0x2] =	wrdreg s13;
	s5 =	smax.u32 s5, $0x1  }
0x18: {  	vm0 =	vmmov $0xffff;
	vm1 =	vmmov $0xff;
	v1 =	vshrl.u32 v2, $0x3;
	s16 =	simm.s32 $0x7480;
	s24 =	sadd.s32 $0x3B1C00, s1;
	[dreg:$0xe] =	wrdreg s5  }
0x19: {  	v0 =	vand.u32 $0x7, v2;
	v2 =	vor.u32 $0x8, v2;
	v1 =	vmul.u32 $0x8, v1;
	s13 =	simm.s32 $0x6080;
	[dreg:$0xf] =	wrdreg s24;
	s24 =	simm.s32 $0xA480  }
.LBB2_1:
0x1a: {  	s6 =	rddreg [dreg:$0xf];
	s1 =	simm.s32 $0x0  }
.LBB2_2:
0x1b: {  	s5 =	rddreg [dreg:$0x2]  }
0x1c: {  	s5 =	sadd.s32 s1, s5  }
0x1d: {  	[tilespmem:s2], [sflag:$0x2] =	stream.linear.gather [hbm4b:s5+s2], $0x80, $0x38;
	[tilespmem:$0xC080] =	vst v63  }
0x1e: {  	_ =	swait.ge [sflag:s7], $0x80  }
0x1f: {  	[sflag:s7] =	ssyncset.done $0x0  }
0x20: {  	[sflag:s7] =	ssyncadd.s32 $0xFFFFFF80  }
0x21: {  	v3 =	vld [tilespmem:$0x0];
	_ =	sdelay $0x4  }
0x22: {  	v4 =	vshrl.u32 v3, $0x3  }
0x23: {  	v4 =	vmul.u32 $0x18, v4  }
0x24: {  	v3 =	vand.u32 $0x7, v3  }
0x25: {  	v3 =	vor.u32 v3, v4  }
0x26: {  	v4 =	vperm.xlane v3, v0;
	_ =	sdelay $0x1  }
0x27: {  	v4 =	vadd.s32 v1, v4;
	_ =	sdelay $0x1  }
0x28: {  	v3 =	vperm.xlane v3, v2;
	_ =	sdelay $0x1  }
0x29: {  	v3 =	vadd.s32 v1, v3  }
0x2a: {  	[tilespmem:s8], [sflag:$0x1] =	stream.indirect_vreg.gather [hbm4b:s3+s2], $0x80, v4, vm0, $0xb8;
	[tilespmem:$0xC080] =	vst v63  }
0x2b: {  	s5 =	rddreg [dreg:$0x3]  }
0x2c: {  	[tilespmem:s5], [sflag:$0x1] =	stream.indirect_vreg.gather [hbm4b:s4+s2], $0x80, v4, vm1, $0xb8;
	[tilespmem:$0xC080] =	vst v63  }
0x2d: {  	s0 =	rddreg [dreg:$0x4]  }
0x2e: {  	[tilespmem:s0], [sflag:$0x1] =	stream.indirect_vreg.gather [hbm4b:s3+s2], $0x80, v3, vm0, $0xb8;
	[tilespmem:$0xC080] =	vst v63  }
0x2f: {  	s5 =	rddreg [dreg:$0x5]  }
0x30: {  	[tilespmem:s5], [sflag:$0x1] =	stream.indirect_vreg.gather [hbm4b:s4+s2], $0x80, v3, vm1, $0xb8;
	[tilespmem:$0xC080] =	vst v63  }
0x31: {  	v3 =	vld [tilespmem:$0x10];
	_ =	sdelay $0x4  }
0x32: {  	v57 =	vshrl.u32 v3, $0x3  }
0x33: {  	v4 =	vmul.u32 $0x18, v57  }
0x34: {  	v3 =	vand.u32 $0x7, v3  }
0x35: {  	v3 =	vor.u32 v3, v4  }
0x36: {  	v4 =	vperm.xlane v3, v0;
	_ =	sdelay $0x1  }
0x37: {  	v4 =	vadd.s32 v1, v4;
	_ =	sdelay $0x1  }
0x38: {  	v3 =	vperm.xlane v3, v2;
	_ =	sdelay $0x1  }
0x39: {  	s0 =	rddreg [dreg:$0x6];
	v3 =	vadd.s32 v1, v3  }
0x3a: {  	[tilespmem:s0], [sflag:$0x1] =	stream.indirect_vreg.gather [hbm4b:s3+s2], $0x80, v4, vm0, $0xb8;
	[tilespmem:$0xC080] =	vst v63  }
0x3b: {  	s5 =	rddreg [dreg:$0x7]  }
0x3c: {  	[tilespmem:s5], [sflag:$0x1] =	stream.indirect_vreg.gather [hbm4b:s4+s2], $0x80, v4, vm1, $0xb8;
	[tilespmem:$0xC080] =	vst v63  }
0x3d: {  	s0 =	rddreg [dreg:$0x8]  }
0x3e: {  	[tilespmem:s0], [sflag:$0x1] =	stream.indirect_vreg.gather [hbm4b:s3+s2], $0x80, v3, vm0, $0xb8;
	[tilespmem:$0xC080] =	vst v63  }
0x3f: {  	s5 =	rddreg [dreg:$0x9]  }
0x40: {  	[tilespmem:s5], [sflag:$0x1] =	stream.indirect_vreg.gather [hbm4b:s4+s2], $0x80, v3, vm1, $0xb8;
	[tilespmem:$0xC080] =	vst v63  }
0x41: {  	v3 =	vld [tilespmem:$0x20];
	_ =	sdelay $0x4  }
0x42: {  	v58 =	vshrl.u32 v3, $0x3  }
0x43: {  	v4 =	vmul.u32 $0x18, v58  }
0x44: {  	v3 =	vand.u32 $0x7, v3  }
0x45: {  	v3 =	vor.u32 v3, v4  }
0x46: {  	v4 =	vperm.xlane v3, v0;
	_ =	sdelay $0x1  }
0x47: {  	v4 =	vadd.s32 v1, v4;
	_ =	sdelay $0x1  }
0x48: {  	v3 =	vperm.xlane v3, v2;
	_ =	sdelay $0x1  }
0x49: {  	s0 =	rddreg [dreg:$0xa];
	v3 =	vadd.s32 v1, v3  }
0x4a: {  	[tilespmem:s0], [sflag:$0x1] =	stream.indirect_vreg.gather [hbm4b:s3+s2], $0x80, v4, vm0, $0xb8;
	[tilespmem:$0xC080] =	vst v63  }
0x4b: {  	s5 =	rddreg [dreg:$0xb]  }
0x4c: {  	[tilespmem:s5], [sflag:$0x1] =	stream.indirect_vreg.gather [hbm4b:s4+s2], $0x80, v4, vm1, $0xb8;
	[tilespmem:$0xC080] =	vst v63  }
0x4d: {  	s0 =	rddreg [dreg:$0xc]  }
0x4e: {  	[tilespmem:s0], [sflag:$0x1] =	stream.indirect_vreg.gather [hbm4b:s3+s2], $0x80, v3, vm0, $0xb8;
	[tilespmem:$0xC080] =	vst v63  }
0x4f: {  	s5 =	rddreg [dreg:$0xd]  }
0x50: {  	[tilespmem:s5], [sflag:$0x1] =	stream.indirect_vreg.gather [hbm4b:s4+s2], $0x80, v3, vm1, $0xb8;
	[tilespmem:$0xC080] =	vst v63  }
0x51: {  	v3 =	vld [tilespmem:$0x30];
	_ =	sdelay $0x4  }
0x52: {  	v59 =	vshrl.u32 v3, $0x3  }
0x53: {  	v4 =	vmul.u32 $0x18, v59  }
0x54: {  	v3 =	vand.u32 $0x7, v3  }
0x55: {  	v3 =	vor.u32 v3, v4  }
0x56: {  	v4 =	vperm.xlane v3, v0;
	_ =	sdelay $0x1  }
0x57: {  	v4 =	vadd.s32 v1, v4;
	_ =	sdelay $0x1  }
0x58: {  	v3 =	vperm.xlane v3, v2;
	_ =	sdelay $0x1  }
0x59: {  	v3 =	vadd.s32 v1, v3  }
0x5a: {  	[tilespmem:s9], [sflag:$0x1] =	stream.indirect_vreg.gather [hbm4b:s3+s2], $0x80, v4, vm0, $0xb8;
	[tilespmem:$0xC080] =	vst v63  }
0x5b: {  	_ = 	snop  }
0x5c: {  	[tilespmem:s10], [sflag:$0x1] =	stream.indirect_vreg.gather [hbm4b:s4+s2], $0x80, v4, vm1, $0xb8;
	[tilespmem:$0xC080] =	vst v63  }
0x5d: {  	_ = 	snop  }
0x5e: {  	[tilespmem:s11], [sflag:$0x1] =	stream.indirect_vreg.gather [hbm4b:s3+s2], $0x80, v3, vm0, $0xb8;
	[tilespmem:$0xC080] =	vst v63  }
0x5f: {  	_ = 	snop  }
0x60: {  	[tilespmem:s12], [sflag:$0x1] =	stream.indirect_vreg.gather [hbm4b:s4+s2], $0x80, v3, vm1, $0xb8;
	[tilespmem:$0xC080] =	vst v63  }
0x61: {  	v3 =	vld [tilespmem:$0x40];
	_ =	sdelay $0x4  }
0x62: {  	v60 =	vshrl.u32 v3, $0x3  }
0x63: {  	v4 =	vmul.u32 $0x18, v60  }
0x64: {  	v3 =	vand.u32 $0x7, v3  }
0x65: {  	v3 =	vor.u32 v3, v4  }
0x66: {  	v4 =	vperm.xlane v3, v0;
	_ =	sdelay $0x1  }
0x67: {  	v4 =	vadd.s32 v1, v4;
	_ =	sdelay $0x1  }
0x68: {  	v3 =	vperm.xlane v3, v2;
	_ =	sdelay $0x1  }
0x69: {  	v3 =	vadd.s32 v1, v3  }
0x6a: {  	[tilespmem:s13], [sflag:$0x1] =	stream.indirect_vreg.gather [hbm4b:s3+s2], $0x80, v4, vm0, $0xb8;
	[tilespmem:$0xC080] =	vst v63  }
0x6b: {  	_ = 	snop  }
0x6c: {  	[tilespmem:s14], [sflag:$0x1] =	stream.indirect_vreg.gather [hbm4b:s4+s2], $0x80, v4, vm1, $0xb8;
	[tilespmem:$0xC080] =	vst v63  }
0x6d: {  	_ = 	snop  }
0x6e: {  	[tilespmem:s15], [sflag:$0x1] =	stream.indirect_vreg.gather [hbm4b:s3+s2], $0x80, v3, vm0, $0xb8;
	[tilespmem:$0xC080] =	vst v63  }
0x6f: {  	_ = 	snop  }
0x70: {  	[tilespmem:s16], [sflag:$0x1] =	stream.indirect_vreg.gather [hbm4b:s4+s2], $0x80, v3, vm1, $0xb8;
	[tilespmem:$0xC080] =	vst v63  }
0x71: {  	v3 =	vld [tilespmem:$0x50];
	_ =	sdelay $0x4  }
0x72: {  	v61 =	vshrl.u32 v3, $0x3  }
0x73: {  	v4 =	vmul.u32 $0x18, v61  }
0x74: {  	v3 =	vand.u32 $0x7, v3  }
0x75: {  	v3 =	vor.u32 v3, v4  }
0x76: {  	v4 =	vperm.xlane v3, v0;
	_ =	sdelay $0x1  }
0x77: {  	v4 =	vadd.s32 v1, v4;
	_ =	sdelay $0x1  }
0x78: {  	v3 =	vperm.xlane v3, v2;
	_ =	sdelay $0x1  }
0x79: {  	v3 =	vadd.s32 v1, v3  }
0x7a: {  	[tilespmem:s17], [sflag:$0x1] =	stream.indirect_vreg.gather [hbm4b:s3+s2], $0x80, v4, vm0, $0xb8;
	[tilespmem:$0xC080] =	vst v63  }
0x7b: {  	_ = 	snop  }
0x7c: {  	[tilespmem:s18], [sflag:$0x1] =	stream.indirect_vreg.gather [hbm4b:s4+s2], $0x80, v4, vm1, $0xb8;
	[tilespmem:$0xC080] =	vst v63  }
0x7d: {  	_ = 	snop  }
0x7e: {  	[tilespmem:s19], [sflag:$0x1] =	stream.indirect_vreg.gather [hbm4b:s3+s2], $0x80, v3, vm0, $0xb8;
	[tilespmem:$0xC080] =	vst v63  }
0x7f: {  	_ = 	snop  }
0x80: {  	[tilespmem:s20], [sflag:$0x1] =	stream.indirect_vreg.gather [hbm4b:s4+s2], $0x80, v3, vm1, $0xb8;
	[tilespmem:$0xC080] =	vst v63  }
0x81: {  	v3 =	vld [tilespmem:$0x60];
	_ =	sdelay $0x4  }
0x82: {  	v62 =	vshrl.u32 v3, $0x3  }
0x83: {  	v4 =	vmul.u32 $0x18, v62  }
0x84: {  	v3 =	vand.u32 $0x7, v3  }
0x85: {  	v3 =	vor.u32 v3, v4  }
0x86: {  	v4 =	vperm.xlane v3, v0;
	_ =	sdelay $0x1  }
0x87: {  	v4 =	vadd.s32 v1, v4;
	_ =	sdelay $0x1  }
0x88: {  	v3 =	vperm.xlane v3, v2;
	_ =	sdelay $0x1  }
0x89: {  	v3 =	vadd.s32 v1, v3  }
0x8a: {  	[tilespmem:s21], [sflag:$0x1] =	stream.indirect_vreg.gather [hbm4b:s3+s2], $0x80, v4, vm0, $0xb8;
	[tilespmem:$0xC080] =	vst v63  }
0x8b: {  	_ = 	snop  }
0x8c: {  	[tilespmem:s22], [sflag:$0x1] =	stream.indirect_vreg.gather [hbm4b:s4+s2], $0x80, v4, vm1, $0xb8;
	[tilespmem:$0xC080] =	vst v63  }
0x8d: {  	_ = 	snop  }
0x8e: {  	[tilespmem:s23], [sflag:$0x1] =	stream.indirect_vreg.gather [hbm4b:s3+s2], $0x80, v3, vm0, $0xb8;
	[tilespmem:$0xC080] =	vst v63  }
0x8f: {  	_ = 	snop  }
0x90: {  	[tilespmem:s24], [sflag:$0x1] =	stream.indirect_vreg.gather [hbm4b:s4+s2], $0x80, v3, vm1, $0xb8;
	[tilespmem:$0xC080] =	vst v63  }
0x91: {  	v3 =	vld [tilespmem:$0x70];
	_ =	sdelay $0x4  }
0x92: {  	v63 =	vshrl.u32 v3, $0x3  }
0x93: {  	v4 =	vmul.u32 $0x18, v63  }
0x94: {  	v3 =	vand.u32 $0x7, v3  }
0x95: {  	v3 =	vor.u32 v3, v4  }
0x96: {  	v4 =	vperm.xlane v3, v0;
	_ =	sdelay $0x1  }
0x97: {  	v4 =	vadd.s32 v1, v4;
	_ =	sdelay $0x1  }
0x98: {  	v3 =	vperm.xlane v3, v2;
	_ =	sdelay $0x1  }
0x99: {  	v3 =	vadd.s32 v1, v3  }
0x9a: {  	[tilespmem:s25], [sflag:$0x1] =	stream.indirect_vreg.gather [hbm4b:s3+s2], $0x80, v4, vm0, $0xb8;
	[tilespmem:$0xC080] =	vst v63  }
0x9b: {  	_ = 	snop  }
0x9c: {  	[tilespmem:s26], [sflag:$0x1] =	stream.indirect_vreg.gather [hbm4b:s4+s2], $0x80, v4, vm1, $0xb8;
	[tilespmem:$0xC080] =	vst v63  }
0x9d: {  	_ = 	snop  }
0x9e: {  	[tilespmem:s28], [sflag:$0x1] =	stream.indirect_vreg.gather [hbm4b:s3+s2], $0x80, v3, vm0, $0xb8;
	[tilespmem:$0xC080] =	vst v63  }
0x9f: {  	_ = 	snop  }
0xa0: {  	[tilespmem:s29], [sflag:$0x1] =	stream.indirect_vreg.gather [hbm4b:s4+s2], $0x80, v3, vm1, $0xb8;
	[tilespmem:$0xC080] =	vst v63  }
0xa1: {  	_ =	swait.ge [sflag:s30], $0xC000  }
0xa2: {  	p0 =	sne.s32 s1, $0x70;
	[sflag:s30] =	ssyncset.done $0x0  }
.Ltmp0:
0xa3: {  	[sflag:s30] =	ssyncadd.s32 $0xFFFF4000;
	(pc) =	sbr.rel @p0 .LBB2_2-.Ltmp0, $4  }
0xa4: {  	[hbm4b:s6+s2] =	stream.linear.scatter [tilespmem:s8], [sflag:$0x2], $0xC000, $0x38;
	[tilespmem:$0xC080] =	vst v63  }
0xa5: {  	_ =	swait.ge [sflag:s7], $0xC000  }
0xa6: {  	[sflag:s7] =	ssyncset.done $0x0  }
0xa7: {  	s1 =	sadd.s32 $0x10, s1;
	s6 =	sadd.s32 $0x1800, s6;
	[sflag:s7] =	ssyncadd.s32 $0xFFFF4000  }
0xa8: {  	s31 =	sadd.s32 $0x1, s31;
	s0 =	rddreg [dreg:$0xe]  }
0xa9: {  	p0 =	sne.s32 s31, s0  }
.Ltmp1:
0xaa: {  	_ = 	snop;
	(pc) =	sbr.rel @p0 .LBB2_1-.Ltmp1, $1  }
0xab: {  	_ =	sdelay $0x3  }
0xac: {  	_ =	sfence.sel $0x180000  }
0xad: {  	[bflag:$0x0] =	sbarrier.arrive $0xFFFF  }
0xae: {  	_ =	strace $0x9000004D  }
0xaf: {  	s0 =	stileid.u32;
	[bflag:$0x2] =	sbarrier.arrive $0xFFFF  }
0xb0: {  	p0 =	sne.s32 s0, $0x0;
	s0 =	rddreg [dreg:$0x1]  }
0xb1: {  	s0 =	sadd.s32 @!p0 $0x100000, s0  }
0xb2: {  	[sflag:s0] =	ssyncadd.tile.s32 @!p0 $0x1;
	_ =	shalt  }
.Lfunc_end2:
_tile_overlayer_lowered:
.L_overlay_start_2:
0xb3: {  	(tag) =	ssettag $0x2  }
0xb4: {  	s0 =	rddreg [dreg:$0x0];
	s2 =	stileid.u32  }
0xb5: {  	s1 =	rddreg [dreg:$0x1];
	p0 =	sne.s32 s2, $0x0  }
0xb6: {  	s3 =	rddreg [dreg:$0x2];
	[bflag:$0x3] =	sbarrier.arrive $0xFFFF;
	s2 =	simm.s32 @!p0 $0x1C02  }
0xb7: {  	[timem:s3], [sflag:s2] =	dma.local @!p0 [hbm:s0], s1  }
0xb8: {  	s0 =	simm.s32 @!p0 $0x2  }
0xb9: {  	_ =	swait.ge @!p0 [sflag:s0], s1  }
0xba: {  	s1 =	ssub.s32 @!p0 $0x0, s1;
	[sflag:s0] =	ssyncset.done @!p0 $0x0  }
0xbb: {  	[sflag:s0] =	ssyncadd.s32 @!p0 s1  }
0xbc: {  	[bflag:$0x3] =	sbarrier.arrive $0xFFFF  }
0xbd: {  	_ =	shalt  }

// kernel: kernel.28.cloned.1.call-start
scs
__scs_entry_jumppad:
0x0: {  	(pc) =	sbr.rel $0x88, $3  }
0x1: {  	(tag) =	ssettag $0x0;
	lr =	simm.s32 $0x1  }
0x2: {  	[smem:$0x3F8F] =	sst lr;
	_ =	strace $0xD0000000  }
0x3: {  	_ = 	snop  }
0x4: {  	_ = 	snop  }
0x5: {  	_ = 	snop  }
0x6: {  	_ = 	snop  }
0x7: {  	_ = 	snop  }
__scs_overlays_trampoline_lowered:
0x8: {  	[smem:$0x3F9E] =	sst s0  }
0x9: {  	[smem:$0x3F9F] =	sst s1  }
0xa: {  	[smem:$0x3FA0] =	sst s2  }
0xb: {  	[smem:$0x3FA1] =	sst s3  }
0xc: {  	[smem:$0x3FA2] =	sst s4  }
0xd: {  	[smem:$0x3FA3] =	sst s5  }
0xe: {  	[smem:$0x3FA4] =	sst s6  }
0xf: {  	[smem:$0x3FA5] =	sst s7  }
0x10: {  	[smem:$0x3FA6] =	sst s8  }
0x11: {  	[smem:$0x3FA7] =	sst s9;
	s0 =	simm.s32 @!p0 $0x0  }
0x12: {  	s1 =	sld [smem:$0x3F8D];
	s0 =	simm.s32 @p0 $0x1  }
0x13: {  	[smem:$0x3FA8] =	sst s0;
	s0 =	simm.s32 @!p1 $0x0  }
0x14: {  	s2 =	sld [smem:$0x3F8C];
	s0 =	simm.s32 @p1 $0x1  }
0x15: {  	[smem:$0x3FA9] =	sst s0;
	s0 =	simm.s32 @!p2 $0x0  }
0x16: {  	s3 =	sld [smem:$0x3FDB];
	s0 =	simm.s32 @p2 $0x1  }
0x17: {  	s4 =	simm.s32 $0x1BF5;
	[smem:$0x3FAB] =	sst s0  }
0x18: {  	s0 =	sld [smem:$0x3F8E];
	_ =	swait.ge [sflag:s4], $0x0  }
0x19: {  	s7 =	sld [smem:$0x3F8F]  }
0x1a: {  	s8 =	sadd.s32 $0xFFFFE003, lr  }
0x1b: {  	s9 =	sadd.s32 $0xFFFFFEF7, lr;
	s5 =	simm.s32 $0xFFFFFFFF;
	p2 =	slt.u32 s8, $0xFFFFF086  }
0x1c: {  	p1 =	slt.u32 s9, $0xF7A;
	s5 =	simm.s32 @!p2 $0x0  }
0x1d: {  	s5 =	simm.s32 @p1 $0x1;
	p0 =	seq.s32 s7, s2  }
0x1e: {  	s7 =	smul.u32 @!p0 $0xF7A, s2;
	p2 =	seq.s32 @!p0 s5, $0x0  }
0x1f: {  	s9 =	smul.u32 $0xF7A, s1;
	s8 =	simm.s32 @!p0 $0x1BF5;
	p2 =	por !p2, p0  }
0x20: {  	[sflag:s8] =	ssyncset.s32 @!p0 $0xFFFFF086;
	s6 =	sadd.s32 @!p0 s3, s7;
	s7 =	simm.s32 @!p0 $0x108  }
0x21: {  	s3 =	sadd.s32 s3, s9;
	s6 =	sadd.s32 @!p0 $0x88, s6;
	s7 =	simm.s32 @p2 $0x1082  }
0x22: {  	[simem:s7], [sflag:s8] =	dma.local @!p0 [hbm:s6], $0xF7A  }
0x23: {  	s9 =	sor.u32 $0xD0000000, s2;
	s6 =	simm.s32 $0x108;
	_ =	swait.ge @!p0 [sflag:s8], $0x0  }
0x24: {  	s3 =	sadd.s32 $0x88, s3;
	s6 =	simm.s32 @!p1 $0x1082;
	[sflag:s4] =	ssyncset.s32 $0xFFFFF086  }
0x25: {  	[simem:s6], [sflag:s4] =	dma.local [hbm:s3], $0xF7A  }
0x26: {  	[smem:$0x3F8F] =	sst s1;
	(tag) =	ssettag s2;
	_ =	strace s9  }
0x27: {  	s1 =	sld [smem:$0x3F9F]  }
0x28: {  	s2 =	sld [smem:$0x3FA0]  }
0x29: {  	s4 =	sld [smem:$0x3FA2]  }
0x2a: {  	p0 =	seq.s32 s5, $0x0;
	s5 =	sld [smem:$0x3FA3]  }
0x2b: {  	s6 =	sld [smem:$0x3FA4]  }
0x2c: {  	s7 =	sld [smem:$0x3FA5]  }
0x2d: {  	s3 =	simm.s32 $0x108;
	s8 =	sld [smem:$0x3FA6]  }
0x2e: {  	s3 =	simm.s32 @!p0 $0x1082;
	s9 =	sld [smem:$0x3FA7]  }
0x2f: {  	lr =	sadd.s32 s0, s3;
	s0 =	sld [smem:$0x3F9E]  }
0x30: {  	s3 =	sld [smem:$0x3FA1]  }
0x31: {  	[smem:$0x3FAA] =	sst s10  }
0x32: {  	s10 =	sld [smem:$0x3FA8];
	_ =	sdelay $0x3  }
0x33: {  	p0 =	seq.s32 s10, $0x1;
	s10 =	sld [smem:$0x3FAA];
	_ =	sdelay $0x3  }
0x34: {  	[smem:$0x3FAA] =	sst s10  }
0x35: {  	s10 =	sld [smem:$0x3FA9];
	_ =	sdelay $0x3  }
0x36: {  	p1 =	seq.s32 s10, $0x1;
	s10 =	sld [smem:$0x3FAA];
	_ =	sdelay $0x3  }
0x37: {  	[smem:$0x3FAA] =	sst s10  }
0x38: {  	s10 =	sld [smem:$0x3FAB]  }
0x39: {  	_ = 	snop;
	(pc) =	sbr.ind lr, $3  }
0x3a: {  	_ = 	snop  }
0x3b: {  	_ = 	snop  }
0x3c: {  	p2 =	seq.s32 s10, $0x1;
	s10 =	sld [smem:$0x3FAA]  }
0x3d: {  	_ =	shalt  }
0x3e: {  	_ =	shalt  }
0x3f: {  	_ =	shalt  }
0x40: {  	_ =	shalt  }
0x41: {  	_ =	shalt  }
0x42: {  	_ =	shalt  }
0x43: {  	_ =	shalt  }
0x44: {  	_ =	shalt  }
0x45: {  	_ =	shalt  }
0x46: {  	_ =	shalt  }
0x47: {  	_ =	shalt  }
0x48: {  	_ =	shalt  }
0x49: {  	_ =	shalt  }
0x4a: {  	_ =	shalt  }
0x4b: {  	_ =	shalt  }
0x4c: {  	_ =	shalt  }
0x4d: {  	_ =	shalt  }
0x4e: {  	_ =	shalt  }
0x4f: {  	_ =	shalt  }
0x50: {  	_ =	shalt  }
0x51: {  	_ =	shalt  }
0x52: {  	_ =	shalt  }
0x53: {  	_ =	shalt  }
0x54: {  	_ =	shalt  }
0x55: {  	_ =	shalt  }
0x56: {  	_ =	shalt  }
0x57: {  	_ =	shalt  }
0x58: {  	_ =	shalt  }
0x59: {  	_ =	shalt  }
0x5a: {  	_ =	shalt  }
0x5b: {  	_ =	shalt  }
0x5c: {  	_ =	shalt  }
0x5d: {  	_ =	shalt  }
0x5e: {  	_ =	shalt  }
0x5f: {  	_ =	shalt  }
0x60: {  	_ =	shalt  }
0x61: {  	_ =	shalt  }
0x62: {  	_ =	shalt  }
0x63: {  	_ =	shalt  }
0x64: {  	_ =	shalt  }
0x65: {  	_ =	shalt  }
0x66: {  	_ =	shalt  }
0x67: {  	_ =	shalt  }
0x68: {  	_ =	shalt  }
0x69: {  	_ =	shalt  }
0x6a: {  	_ =	shalt  }
0x6b: {  	_ =	shalt  }
0x6c: {  	_ =	shalt  }
0x6d: {  	_ =	shalt  }
0x6e: {  	_ =	shalt  }
0x6f: {  	_ =	shalt  }
0x70: {  	_ =	shalt  }
0x71: {  	_ =	shalt  }
0x72: {  	_ =	shalt  }
0x73: {  	_ =	shalt  }
0x74: {  	_ =	shalt  }
0x75: {  	_ =	shalt  }
0x76: {  	_ =	shalt  }
0x77: {  	_ =	shalt  }
0x78: {  	_ =	shalt  }
0x79: {  	_ =	shalt  }
0x7a: {  	_ =	shalt  }
0x7b: {  	_ =	shalt  }
0x7c: {  	_ =	shalt  }
0x7d: {  	_ =	shalt  }
0x7e: {  	_ =	shalt  }
0x7f: {  	_ =	shalt  }
0x80: {  	_ =	shalt  }
0x81: {  	_ =	shalt  }
0x82: {  	_ =	shalt  }
0x83: {  	_ =	shalt  }
0x84: {  	_ =	shalt  }
0x85: {  	_ =	shalt  }
0x86: {  	_ =	shalt  }
0x87: {  	_ =	shalt  }
.Lfunc_end0:
.L_simem_size_0:
called_computation.3_lowered:
.L_overlay_start_0:
0x88: {  	s2 =	sld [smem:$0x3FD9]  }
0x89: {  	s3 =	sld [smem:$0x3FFE];
	_ =	sdelay $0x1  }
0x8a: {  	s1 =	srdreg.scid  }
0x8b: {  	s0 =	sand.u32 $0x1, s1  }
0x8c: {  	s17 =	sshll.u32 s0, $0xA;
	s2 =	sadd.s32 s3, s2  }
0x8d: {  	s2 =	sadd.s32 s2, s17  }
0x8e: {  	[smem:$0x3FB6] =	sst s2  }
0x8f: {  	_ = 	snop  }
0x90: {  	(tm) =	ssettm $0x1  }
0x91: {  	s18 =	sld [smem:$0x3FFB];
	_ =	sdelay $0x3  }
0x92: {  	_ =	strace s18  }
0x93: {  	s2 =	sld [smem:$0x3FFC];
	_ =	sdelay $0x3  }
0x94: {  	_ =	strace s2  }
0x95: {  	s2 =	sld [smem:$0x3FFD];
	_ =	sdelay $0x3  }
0x96: {  	_ =	strace s2  }
0x97: {  	_ =	strace $0x8FFFFFFF  }
0x98: {  	s19 =	sld [smem:$0x3FDB];
	_ =	sdelay $0x1  }
0x99: {  	s20 =	simm.s32 $_scs_section_size  }
0x9a: {  	s4 =	simm.s32 $_size__tile_overlayer_lowered;
	s5 =	simm.s32 $_tile_overlayer_lowered  }
0x9b: {  	s6 =	simm.s32 $0x1BFF;
	s21 =	sshll.u32 s5, $0x1;
	s3 =	sadd.s32 s20, s19  }
0x9c: {  	s22 =	simm.s32 $0x0;
	s4 =	sshll.u32 s4, $0x1;
	s5 =	sadd.s32 s21, s3  }
0x9d: {  	[timem:s22], [sflag:s6] =	dma.local [hbm:s5], s4  }
0x9e: {  	_ =	swait.ge [sflag:s6], s4  }
0x9f: {  	s4 =	ssub.s32 $0x0, s4;
	[sflag:s6] =	ssyncset.done $0x0  }
0xa0: {  	[sflag:s6] =	ssyncadd.s32 s4;
	_ =	sdelay $0x1  }
0xa1: {  	s23 =	simm.s32 $0x1B8B  }
0xa2: {  	_ =	swait.ge [sflag:s23], $0x1  }
0xa3: {  	[sflag:s23] =	ssyncset.done $0x0  }
0xa4: {  	[sflag:s23] =	ssyncadd.s32 $0xFFFFFFFF  }
0xa5: {  	s4 =	sld [smem:$0x0]  }
0xa6: {  	s5 =	sand.u32 $0xFFFFFFFE, s1  }
0xa7: {  	p0 =	sne.s32 s1, s5  }
0xa8: {  	s5 =	sshll.u32 @p0 s5, $0xE  }
0xa9: {  	s5 =	sadd.s32 @p0 $0x11B8D, s5;
	s6 =	sshll.u32 @p0 s4, $0x11  }
0xaa: {  	s5 =	sor.u32 @p0 s6, s5  }
0xab: {  	[sflag:s5] =	ssyncadd.remote.s32 @p0 $0x1;
	_ =	sdelay $0x1  }
0xac: {  	s5 =	simm.s32 @p0 $0x1B8D  }
0xad: {  	_ =	swait.eq @p0 [sflag:s5], $0x1  }
0xae: {  	[sflag:s5] =	ssyncadd.s32 @p0 $0xFFFFFFFF  }
0xaf: {  	s6 =	sshll.u32 @!p0 s1, $0xE  }
0xb0: {  	s6 =	sor.u32 @!p0 $0x4000, s6;
	s5 =	simm.s32 @!p0 $0x1B8D  }
0xb1: {  	s4 =	sshll.u32 @!p0 s4, $0x11;
	s6 =	sadd.s32 @!p0 $0x11B8D, s6;
	_ =	swait.eq @!p0 [sflag:s5], $0x1  }
0xb2: {  	s4 =	sor.u32 @!p0 s4, s6;
	[sflag:s5] =	ssyncadd.s32 @!p0 $0xFFFFFFFF  }
0xb3: {  	s25 =	simm.s32 $0x1B8E;
	s24 =	sld [smem:$0x3FFE];
	[sflag:s4] =	ssyncadd.remote.s32 @!p0 $0x1  }
0xb4: {  	s26 =	simm.s32 $execute0_lowered;
	[smem:$0x3FD2] =	sst s25  }
0xb5: {  	s5 =	sshll.u32 s26, $0x1;
	_ =	strace $0x8000004F;
	[dreg:$0x1] =	wrdreg $0xFFFFFFFF  }
0xb6: {  	s28 =	simm.s32 $_size_execute0_lowered;
	s3 =	sadd.s32 s3, s5;
	[dreg:$0x0] =	wrdreg $0x0  }
0xb7: {  	s5 =	sshll.u32 s28, $0x1;
	[dreg:$0x2] =	wrdreg s3  }
0xb8: {  	[dreg:$0x3] =	wrdreg s5  }
0xb9: {  	[dreg:$0x4] =	wrdreg $0xC0  }
0xba: {  	_ =	task [dreg:s22], $0x5FFFF  }
0xbb: {  	[dreg:$0x1] =	wrdreg $0xFFFFFFFF  }
0xbc: {  	[dreg:$0x0] =	wrdreg $0x60  }
0xbd: {  	[dreg:$0x2] =	wrdreg s24  }
0xbe: {  	[dreg:$0x3] =	wrdreg $0xC  }
0xbf: {  	_ =	task.clear_ibuf [dreg:s22], $0x4FFFF;
	_ =	strace $0x9000004F  }
0xc0: {  	s29 =	simm.s32 $0xC;
	_ =	strace $0x80000051  }
0xc1: {  	_ =	swait.ge [sflag:s29], $0x1  }
0xc2: {  	[sflag:s29] =	ssyncadd.s32 $0xFFFFFFFF  }
0xc3: {  	_ =	strace $0x90000051  }
0xc4: {  	_ =	sfence  }
0xc5: {  	s30 =	sld [smem:$0x0];
	_ =	sdelay $0x2  }
0xc6: {  	s31 =	sshll.u32 s1, $0xD;
	s1 =	sshrl.u32 s1, $0x2  }
0xc7: {  	s4 =	sand.u32 $0x4000, s31;
	s1 =	sadd.s32 s1, s30  }
0xc8: {  	s0 =	sor.u32 s4, s0;
	s1 =	sshll.u32 s1, $0x11  }
0xc9: {  	s0 =	sor.u32 s1, s0  }
0xca: {  	s0 =	sadd.s32 $0x8F2B, s0  }
0xcb: {  	[sflag:s0] =	ssyncadd.remote.s32 $0x1  }
0xcc: {  	_ =	sfence.sel $0xFFFF  }
0xcd: {  	[dreg:$0x0] =	wrdreg $0xFFFFFFFF;
	(pc) =	sbr.abs _section_cstart, $3  }
0xce: {  	[dreg:$0x1] =	wrdreg $0xFFFFFFFF  }
0xcf: {  	_ =	task.clear_ibuf [dreg:s22], $0x2FFFF;
	_ =	strace $0x9FFFFFFF  }
0xd0: {  	(tm) =	ssettm $0x7FFFFFFF  }
0xd1: {  	_ =	shalt  }
tec
execute0_lowered:
.L_overlay_start_1:
0x0: {  	(tag) =	ssettag $0x1  }
0x1: {  	s0 =	rddreg [dreg:$0x0]  }
0x2: {  	s5 =	stileid.u32;
	s1 =	srdreg.scid  }
0x3: {  	s2 =	simm.s32 $0x0;
	s14 =	simm.s32 $0x880;
	s15 =	simm.s32 $0xC80  }
0x4: {  	s17 =	simm.s32 $0x1480;
	s18 =	simm.s32 $0x1880;
	s19 =	simm.s32 $0x2080  }
0x5: {  	s20 =	simm.s32 $0x2480;
	s21 =	simm.s32 $0x2C80;
	[smem:$0x7FF] =	sst s2  }
0x6: {  	s22 =	simm.s32 $0x3080;
	_ =	strace $0x80000050;
	[dreg:$0x3] =	wrdreg s14  }
0x7: {  	s23 =	simm.s32 $0x3880;
	s25 =	simm.s32 $0x3C80;
	[dreg:$0x4] =	wrdreg s15  }
0x8: {  	s26 =	simm.s32 $0x4480;
	s8 =	simm.s32 $0x80;
	[dreg:$0x5] =	wrdreg s17  }
0x9: {  	s9 =	simm.s32 $0x4880;
	s10 =	simm.s32 $0x5080;
	[dreg:$0x6] =	wrdreg s18  }
0xa: {  	s11 =	simm.s32 $0x5480;
	s28 =	simm.s32 $0xB480;
	[dreg:$0x7] =	wrdreg s19  }
0xb: {  	s29 =	simm.s32 $0xBC80;
	s30 =	simm.s32 $0x1;
	[dreg:$0x8] =	wrdreg s20  }
0xc: {  	s31 =	simm.s32 $0x0;
	s3 =	sshll.u32 s5, $0x8;
	[dreg:$0x9] =	wrdreg s21  }
0xd: {  	s1 =	sand.u32 $0x1, s1;
	s12 =	smul.u32 $0x18000, s5;
	[dreg:$0xa] =	wrdreg s22  }
0xe: {  	s3 =	sadd.s32 s3, s0;
	s4 =	sshll.u32 s1, $0x7;
	[dreg:$0xb] =	wrdreg s23  }
0xf: {  	s16 =	ssub.s32 $0x2, s1;
	s1 =	smul.u32 $0xC000, s1;
	[dreg:$0xc] =	wrdreg s25  }
0x10: {  	[dreg:$0xd] =	wrdreg s26;
	s14 =	simm.s32 $0x6880;
	s15 =	simm.s32 $0x6C80  }
0x11: {  	s17 =	simm.s32 $0x7880;
	s18 =	simm.s32 $0x8080;
	s19 =	simm.s32 $0x8480  }
0x12: {  	s20 =	simm.s32 $0x8C80;
	s21 =	simm.s32 $0x9080;
	s22 =	simm.s32 $0x9880  }
0x13: {  	s23 =	simm.s32 $0x9C80;
	s25 =	simm.s32 $0xA880;
	s26 =	simm.s32 $0xB080  }
0x14: {  	s3 =	sadd.s32 s4, s3;
	s6 =	sadd.s32 s12, s0;
	s4 =	sadd.s32 $0x532D00, s0  }
0x15: {  	s7 =	sshrl.u32 s16, $0x1;
	s12 =	simm.s32 $0x5C80;
	s13 =	sadd.s32 $0x531C00, s3  }
0x16: {  	s3 =	sadd.s32 $0x532C00, s0;
	s5 =	ssub.s32 s16, s7;
	s1 =	sadd.s32 s1, s6  }
0x17: {  	v2 =	vlaneseq.u32;
	s7 =	simm.s32 $0x2;
	[dreg:$0x2] =	wrdreg s13;
	s5 =	smax.u32 s5, $0x1  }
0x18: {  	vm0 =	vmmov $0xffff;
	vm1 =	vmmov $0xff;
	v1 =	vshrl.u32 v2, $0x3;
	s16 =	simm.s32 $0x7480;
	s24 =	sadd.s32 $0x54AC00, s1;
	[dreg:$0xe] =	wrdreg s5  }
0x19: {  	v0 =	vand.u32 $0x7, v2;
	v2 =	vor.u32 $0x8, v2;
	v1 =	vmul.u32 $0x8, v1;
	s13 =	simm.s32 $0x6080;
	[dreg:$0xf] =	wrdreg s24;
	s24 =	simm.s32 $0xA480  }
.LBB2_1:
0x1a: {  	s6 =	rddreg [dreg:$0xf];
	s1 =	simm.s32 $0x0  }
.LBB2_2:
0x1b: {  	s5 =	rddreg [dreg:$0x2]  }
0x1c: {  	s5 =	sadd.s32 s1, s5  }
0x1d: {  	[tilespmem:s2], [sflag:$0x2] =	stream.linear.gather [hbm4b:s5+s2], $0x80, $0x38;
	[tilespmem:$0xC080] =	vst v63  }
0x1e: {  	_ =	swait.ge [sflag:s7], $0x80  }
0x1f: {  	[sflag:s7] =	ssyncset.done $0x0  }
0x20: {  	[sflag:s7] =	ssyncadd.s32 $0xFFFFFF80  }
0x21: {  	v3 =	vld [tilespmem:$0x0];
	_ =	sdelay $0x4  }
0x22: {  	v4 =	vshrl.u32 v3, $0x3  }
0x23: {  	v4 =	vmul.u32 $0x18, v4  }
0x24: {  	v3 =	vand.u32 $0x7, v3  }
0x25: {  	v3 =	vor.u32 v3, v4  }
0x26: {  	v4 =	vperm.xlane v3, v0;
	_ =	sdelay $0x1  }
0x27: {  	v4 =	vadd.s32 v1, v4;
	_ =	sdelay $0x1  }
0x28: {  	v3 =	vperm.xlane v3, v2;
	_ =	sdelay $0x1  }
0x29: {  	v3 =	vadd.s32 v1, v3  }
0x2a: {  	[tilespmem:s8], [sflag:$0x1] =	stream.indirect_vreg.gather [hbm4b:s3+s2], $0x80, v4, vm0, $0xb8;
	[tilespmem:$0xC080] =	vst v63  }
0x2b: {  	s5 =	rddreg [dreg:$0x3]  }
0x2c: {  	[tilespmem:s5], [sflag:$0x1] =	stream.indirect_vreg.gather [hbm4b:s4+s2], $0x80, v4, vm1, $0xb8;
	[tilespmem:$0xC080] =	vst v63  }
0x2d: {  	s0 =	rddreg [dreg:$0x4]  }
0x2e: {  	[tilespmem:s0], [sflag:$0x1] =	stream.indirect_vreg.gather [hbm4b:s3+s2], $0x80, v3, vm0, $0xb8;
	[tilespmem:$0xC080] =	vst v63  }
0x2f: {  	s5 =	rddreg [dreg:$0x5]  }
0x30: {  	[tilespmem:s5], [sflag:$0x1] =	stream.indirect_vreg.gather [hbm4b:s4+s2], $0x80, v3, vm1, $0xb8;
	[tilespmem:$0xC080] =	vst v63  }
0x31: {  	v3 =	vld [tilespmem:$0x10];
	_ =	sdelay $0x4  }
0x32: {  	v57 =	vshrl.u32 v3, $0x3  }
0x33: {  	v4 =	vmul.u32 $0x18, v57  }
0x34: {  	v3 =	vand.u32 $0x7, v3  }
0x35: {  	v3 =	vor.u32 v3, v4  }
0x36: {  	v4 =	vperm.xlane v3, v0;
	_ =	sdelay $0x1  }
0x37: {  	v4 =	vadd.s32 v1, v4;
	_ =	sdelay $0x1  }
0x38: {  	v3 =	vperm.xlane v3, v2;
	_ =	sdelay $0x1  }
0x39: {  	s0 =	rddreg [dreg:$0x6];
	v3 =	vadd.s32 v1, v3  }
0x3a: {  	[tilespmem:s0], [sflag:$0x1] =	stream.indirect_vreg.gather [hbm4b:s3+s2], $0x80, v4, vm0, $0xb8;
	[tilespmem:$0xC080] =	vst v63  }
0x3b: {  	s5 =	rddreg [dreg:$0x7]  }
0x3c: {  	[tilespmem:s5], [sflag:$0x1] =	stream.indirect_vreg.gather [hbm4b:s4+s2], $0x80, v4, vm1, $0xb8;
	[tilespmem:$0xC080] =	vst v63  }
0x3d: {  	s0 =	rddreg [dreg:$0x8]  }
0x3e: {  	[tilespmem:s0], [sflag:$0x1] =	stream.indirect_vreg.gather [hbm4b:s3+s2], $0x80, v3, vm0, $0xb8;
	[tilespmem:$0xC080] =	vst v63  }
0x3f: {  	s5 =	rddreg [dreg:$0x9]  }
0x40: {  	[tilespmem:s5], [sflag:$0x1] =	stream.indirect_vreg.gather [hbm4b:s4+s2], $0x80, v3, vm1, $0xb8;
	[tilespmem:$0xC080] =	vst v63  }
0x41: {  	v3 =	vld [tilespmem:$0x20];
	_ =	sdelay $0x4  }
0x42: {  	v58 =	vshrl.u32 v3, $0x3  }
0x43: {  	v4 =	vmul.u32 $0x18, v58  }
0x44: {  	v3 =	vand.u32 $0x7, v3  }
0x45: {  	v3 =	vor.u32 v3, v4  }
0x46: {  	v4 =	vperm.xlane v3, v0;
	_ =	sdelay $0x1  }
0x47: {  	v4 =	vadd.s32 v1, v4;
	_ =	sdelay $0x1  }
0x48: {  	v3 =	vperm.xlane v3, v2;
	_ =	sdelay $0x1  }
0x49: {  	s0 =	rddreg [dreg:$0xa];
	v3 =	vadd.s32 v1, v3  }
0x4a: {  	[tilespmem:s0], [sflag:$0x1] =	stream.indirect_vreg.gather [hbm4b:s3+s2], $0x80, v4, vm0, $0xb8;
	[tilespmem:$0xC080] =	vst v63  }
0x4b: {  	s5 =	rddreg [dreg:$0xb]  }
0x4c: {  	[tilespmem:s5], [sflag:$0x1] =	stream.indirect_vreg.gather [hbm4b:s4+s2], $0x80, v4, vm1, $0xb8;
	[tilespmem:$0xC080] =	vst v63  }
0x4d: {  	s0 =	rddreg [dreg:$0xc]  }
0x4e: {  	[tilespmem:s0], [sflag:$0x1] =	stream.indirect_vreg.gather [hbm4b:s3+s2], $0x80, v3, vm0, $0xb8;
	[tilespmem:$0xC080] =	vst v63  }
0x4f: {  	s5 =	rddreg [dreg:$0xd]  }
0x50: {  	[tilespmem:s5], [sflag:$0x1] =	stream.indirect_vreg.gather [hbm4b:s4+s2], $0x80, v3, vm1, $0xb8;
	[tilespmem:$0xC080] =	vst v63  }
0x51: {  	v3 =	vld [tilespmem:$0x30];
	_ =	sdelay $0x4  }
0x52: {  	v59 =	vshrl.u32 v3, $0x3  }
0x53: {  	v4 =	vmul.u32 $0x18, v59  }
0x54: {  	v3 =	vand.u32 $0x7, v3  }
0x55: {  	v3 =	vor.u32 v3, v4  }
0x56: {  	v4 =	vperm.xlane v3, v0;
	_ =	sdelay $0x1  }
0x57: {  	v4 =	vadd.s32 v1, v4;
	_ =	sdelay $0x1  }
0x58: {  	v3 =	vperm.xlane v3, v2;
	_ =	sdelay $0x1  }
0x59: {  	v3 =	vadd.s32 v1, v3  }
0x5a: {  	[tilespmem:s9], [sflag:$0x1] =	stream.indirect_vreg.gather [hbm4b:s3+s2], $0x80, v4, vm0, $0xb8;
	[tilespmem:$0xC080] =	vst v63  }
0x5b: {  	_ = 	snop  }
0x5c: {  	[tilespmem:s10], [sflag:$0x1] =	stream.indirect_vreg.gather [hbm4b:s4+s2], $0x80, v4, vm1, $0xb8;
	[tilespmem:$0xC080] =	vst v63  }
0x5d: {  	_ = 	snop  }
0x5e: {  	[tilespmem:s11], [sflag:$0x1] =	stream.indirect_vreg.gather [hbm4b:s3+s2], $0x80, v3, vm0, $0xb8;
	[tilespmem:$0xC080] =	vst v63  }
0x5f: {  	_ = 	snop  }
0x60: {  	[tilespmem:s12], [sflag:$0x1] =	stream.indirect_vreg.gather [hbm4b:s4+s2], $0x80, v3, vm1, $0xb8;
	[tilespmem:$0xC080] =	vst v63  }
0x61: {  	v3 =	vld [tilespmem:$0x40];
	_ =	sdelay $0x4  }
0x62: {  	v60 =	vshrl.u32 v3, $0x3  }
0x63: {  	v4 =	vmul.u32 $0x18, v60  }
0x64: {  	v3 =	vand.u32 $0x7, v3  }
0x65: {  	v3 =	vor.u32 v3, v4  }
0x66: {  	v4 =	vperm.xlane v3, v0;
	_ =	sdelay $0x1  }
0x67: {  	v4 =	vadd.s32 v1, v4;
	_ =	sdelay $0x1  }
0x68: {  	v3 =	vperm.xlane v3, v2;
	_ =	sdelay $0x1  }
0x69: {  	v3 =	vadd.s32 v1, v3  }
0x6a: {  	[tilespmem:s13], [sflag:$0x1] =	stream.indirect_vreg.gather [hbm4b:s3+s2], $0x80, v4, vm0, $0xb8;
	[tilespmem:$0xC080] =	vst v63  }
0x6b: {  	_ = 	snop  }
0x6c: {  	[tilespmem:s14], [sflag:$0x1] =	stream.indirect_vreg.gather [hbm4b:s4+s2], $0x80, v4, vm1, $0xb8;
	[tilespmem:$0xC080] =	vst v63  }
0x6d: {  	_ = 	snop  }
0x6e: {  	[tilespmem:s15], [sflag:$0x1] =	stream.indirect_vreg.gather [hbm4b:s3+s2], $0x80, v3, vm0, $0xb8;
	[tilespmem:$0xC080] =	vst v63  }
0x6f: {  	_ = 	snop  }
0x70: {  	[tilespmem:s16], [sflag:$0x1] =	stream.indirect_vreg.gather [hbm4b:s4+s2], $0x80, v3, vm1, $0xb8;
	[tilespmem:$0xC080] =	vst v63  }
0x71: {  	v3 =	vld [tilespmem:$0x50];
	_ =	sdelay $0x4  }
0x72: {  	v61 =	vshrl.u32 v3, $0x3  }
0x73: {  	v4 =	vmul.u32 $0x18, v61  }
0x74: {  	v3 =	vand.u32 $0x7, v3  }
0x75: {  	v3 =	vor.u32 v3, v4  }
0x76: {  	v4 =	vperm.xlane v3, v0;
	_ =	sdelay $0x1  }
0x77: {  	v4 =	vadd.s32 v1, v4;
	_ =	sdelay $0x1  }
0x78: {  	v3 =	vperm.xlane v3, v2;
	_ =	sdelay $0x1  }
0x79: {  	v3 =	vadd.s32 v1, v3  }
0x7a: {  	[tilespmem:s17], [sflag:$0x1] =	stream.indirect_vreg.gather [hbm4b:s3+s2], $0x80, v4, vm0, $0xb8;
	[tilespmem:$0xC080] =	vst v63  }
0x7b: {  	_ = 	snop  }
0x7c: {  	[tilespmem:s18], [sflag:$0x1] =	stream.indirect_vreg.gather [hbm4b:s4+s2], $0x80, v4, vm1, $0xb8;
	[tilespmem:$0xC080] =	vst v63  }
0x7d: {  	_ = 	snop  }
0x7e: {  	[tilespmem:s19], [sflag:$0x1] =	stream.indirect_vreg.gather [hbm4b:s3+s2], $0x80, v3, vm0, $0xb8;
	[tilespmem:$0xC080] =	vst v63  }
0x7f: {  	_ = 	snop  }
0x80: {  	[tilespmem:s20], [sflag:$0x1] =	stream.indirect_vreg.gather [hbm4b:s4+s2], $0x80, v3, vm1, $0xb8;
	[tilespmem:$0xC080] =	vst v63  }
0x81: {  	v3 =	vld [tilespmem:$0x60];
	_ =	sdelay $0x4  }
0x82: {  	v62 =	vshrl.u32 v3, $0x3  }
0x83: {  	v4 =	vmul.u32 $0x18, v62  }
0x84: {  	v3 =	vand.u32 $0x7, v3  }
0x85: {  	v3 =	vor.u32 v3, v4  }
0x86: {  	v4 =	vperm.xlane v3, v0;
	_ =	sdelay $0x1  }
0x87: {  	v4 =	vadd.s32 v1, v4;
	_ =	sdelay $0x1  }
0x88: {  	v3 =	vperm.xlane v3, v2;
	_ =	sdelay $0x1  }
0x89: {  	v3 =	vadd.s32 v1, v3  }
0x8a: {  	[tilespmem:s21], [sflag:$0x1] =	stream.indirect_vreg.gather [hbm4b:s3+s2], $0x80, v4, vm0, $0xb8;
	[tilespmem:$0xC080] =	vst v63  }
0x8b: {  	_ = 	snop  }
0x8c: {  	[tilespmem:s22], [sflag:$0x1] =	stream.indirect_vreg.gather [hbm4b:s4+s2], $0x80, v4, vm1, $0xb8;
	[tilespmem:$0xC080] =	vst v63  }
0x8d: {  	_ = 	snop  }
0x8e: {  	[tilespmem:s23], [sflag:$0x1] =	stream.indirect_vreg.gather [hbm4b:s3+s2], $0x80, v3, vm0, $0xb8;
	[tilespmem:$0xC080] =	vst v63  }
0x8f: {  	_ = 	snop  }
0x90: {  	[tilespmem:s24], [sflag:$0x1] =	stream.indirect_vreg.gather [hbm4b:s4+s2], $0x80, v3, vm1, $0xb8;
	[tilespmem:$0xC080] =	vst v63  }
0x91: {  	v3 =	vld [tilespmem:$0x70];
	_ =	sdelay $0x4  }
0x92: {  	v63 =	vshrl.u32 v3, $0x3  }
0x93: {  	v4 =	vmul.u32 $0x18, v63  }
0x94: {  	v3 =	vand.u32 $0x7, v3  }
0x95: {  	v3 =	vor.u32 v3, v4  }
0x96: {  	v4 =	vperm.xlane v3, v0;
	_ =	sdelay $0x1  }
0x97: {  	v4 =	vadd.s32 v1, v4;
	_ =	sdelay $0x1  }
0x98: {  	v3 =	vperm.xlane v3, v2;
	_ =	sdelay $0x1  }
0x99: {  	v3 =	vadd.s32 v1, v3  }
0x9a: {  	[tilespmem:s25], [sflag:$0x1] =	stream.indirect_vreg.gather [hbm4b:s3+s2], $0x80, v4, vm0, $0xb8;
	[tilespmem:$0xC080] =	vst v63  }
0x9b: {  	_ = 	snop  }
0x9c: {  	[tilespmem:s26], [sflag:$0x1] =	stream.indirect_vreg.gather [hbm4b:s4+s2], $0x80, v4, vm1, $0xb8;
	[tilespmem:$0xC080] =	vst v63  }
0x9d: {  	_ = 	snop  }
0x9e: {  	[tilespmem:s28], [sflag:$0x1] =	stream.indirect_vreg.gather [hbm4b:s3+s2], $0x80, v3, vm0, $0xb8;
	[tilespmem:$0xC080] =	vst v63  }
0x9f: {  	_ = 	snop  }
0xa0: {  	[tilespmem:s29], [sflag:$0x1] =	stream.indirect_vreg.gather [hbm4b:s4+s2], $0x80, v3, vm1, $0xb8;
	[tilespmem:$0xC080] =	vst v63  }
0xa1: {  	_ =	swait.ge [sflag:s30], $0xC000  }
0xa2: {  	p0 =	sne.s32 s1, $0x70;
	[sflag:s30] =	ssyncset.done $0x0  }
.Ltmp0:
0xa3: {  	[sflag:s30] =	ssyncadd.s32 $0xFFFF4000;
	(pc) =	sbr.rel @p0 .LBB2_2-.Ltmp0, $4  }
0xa4: {  	[hbm4b:s6+s2] =	stream.linear.scatter [tilespmem:s8], [sflag:$0x2], $0xC000, $0x38;
	[tilespmem:$0xC080] =	vst v63  }
0xa5: {  	_ =	swait.ge [sflag:s7], $0xC000  }
0xa6: {  	[sflag:s7] =	ssyncset.done $0x0  }
0xa7: {  	s1 =	sadd.s32 $0x10, s1;
	s6 =	sadd.s32 $0x1800, s6;
	[sflag:s7] =	ssyncadd.s32 $0xFFFF4000  }
0xa8: {  	s31 =	sadd.s32 $0x1, s31;
	s0 =	rddreg [dreg:$0xe]  }
0xa9: {  	p0 =	sne.s32 s31, s0  }
.Ltmp1:
0xaa: {  	_ = 	snop;
	(pc) =	sbr.rel @p0 .LBB2_1-.Ltmp1, $1  }
0xab: {  	_ =	sdelay $0x3  }
0xac: {  	_ =	sfence.sel $0x180000  }
0xad: {  	[bflag:$0x0] =	sbarrier.arrive $0xFFFF  }
0xae: {  	_ =	strace $0x90000050  }
0xaf: {  	s0 =	stileid.u32;
	[bflag:$0x2] =	sbarrier.arrive $0xFFFF  }
0xb0: {  	p0 =	sne.s32 s0, $0x0;
	s0 =	rddreg [dreg:$0x1]  }
0xb1: {  	s0 =	sadd.s32 @!p0 $0x100000, s0  }
0xb2: {  	[sflag:s0] =	ssyncadd.tile.s32 @!p0 $0x1;
	_ =	shalt  }
.Lfunc_end2:
_tile_overlayer_lowered:
.L_overlay_start_2:
0xb3: {  	(tag) =	ssettag $0x2  }
0xb4: {  	s0 =	rddreg [dreg:$0x0];
	s2 =	stileid.u32  }
0xb5: {  	s1 =	rddreg [dreg:$0x1];
	p0 =	sne.s32 s2, $0x0  }
0xb6: {  	s3 =	rddreg [dreg:$0x2];
	[bflag:$0x3] =	sbarrier.arrive $0xFFFF;
	s2 =	simm.s32 @!p0 $0x1C02  }
0xb7: {  	[timem:s3], [sflag:s2] =	dma.local @!p0 [hbm:s0], s1  }
0xb8: {  	s0 =	simm.s32 @!p0 $0x2  }
0xb9: {  	_ =	swait.ge @!p0 [sflag:s0], s1  }
0xba: {  	s1 =	ssub.s32 @!p0 $0x0, s1;
	[sflag:s0] =	ssyncset.done @!p0 $0x0  }
0xbb: {  	[sflag:s0] =	ssyncadd.s32 @!p0 s1  }
0xbc: {  	[bflag:$0x3] =	sbarrier.arrive $0xFFFF  }
0xbd: {  	_ =	shalt  }

</sc_bundles>
